<compile_context>
chip_gen: v7x
topology: tpu7x:2x2x1
jax: 0.10.2.dev20260603
libtpu: 0.0.44.dev20260713+nightly
codegen_flags: <defaults>
</compile_context>

<pallas_src>
import jax
import jax.numpy as jnp
from jax import lax
from jax.experimental import pallas as pl
from jax.experimental.pallas import tpu as pltpu
from jax.experimental.pallas import tpu_sc as plsc

D = 64
W = 200
B = 4096
NC, NS = 2, 16
NW = NC * NS
RPW = B // NW
SUB_A, SUB_B = 120, 80
LANES = 16
NBUF = 4
PF = 2


def _embed_body(vec_hbm, table_hbm, pe_hbm, out_hbm,
                idx_all_a, idx_all_b, pe_v,
                ra0, ra1, ra2, ra3, rb0, rb1, rb2, rb3,
                sga0, sga1, sga2, sga3, sgb0, sgb1, sgb2, sgb3,
                ssa0, ssa1, ssa2, ssa3, ssb0, ssb1, ssb2, ssb3):
    ra = [ra0, ra1, ra2, ra3]
    rb = [rb0, rb1, rb2, rb3]
    sga = [sga0, sga1, sga2, sga3]
    sgb = [sgb0, sgb1, sgb2, sgb3]
    ssa = [ssa0, ssa1, ssa2, ssa3]
    ssb = [ssb0, ssb1, ssb2, ssb3]

    wid = lax.axis_index("s") * NC + lax.axis_index("c")
    row0 = wid * RPW
    pltpu.sync_copy(pe_hbm, pe_v)
    pltpu.sync_copy(vec_hbm.at[pl.ds(row0, RPW), pl.ds(0, SUB_A)], idx_all_a)
    pltpu.sync_copy(vec_hbm.at[pl.ds(row0, RPW), pl.ds(SUB_A, SUB_B)], idx_all_b)

    def start_gather(g, s):
        pltpu.async_copy(table_hbm.at[idx_all_a.at[g]], ra[s], sga[s])
        pltpu.async_copy(table_hbm.at[idx_all_b.at[g]], rb[s], sgb[s])

    def wait_gather(g, s):
        pltpu.make_async_copy(table_hbm.at[idx_all_a.at[g]], ra[s], sga[s]).wait()
        pltpu.make_async_copy(table_hbm.at[idx_all_b.at[g]], rb[s], sgb[s]).wait()

    def start_store(g, s):
        row = row0 + g
        pltpu.async_copy(ra[s], out_hbm.at[row, pl.ds(0, SUB_A)], ssa[s])
        pltpu.async_copy(rb[s], out_hbm.at[row, pl.ds(SUB_A, SUB_B)], ssb[s])

    def wait_store(g, s):
        row = row0 + g
        pltpu.make_async_copy(ra[s], out_hbm.at[row, pl.ds(0, SUB_A)], ssa[s]).wait()
        pltpu.make_async_copy(rb[s], out_hbm.at[row, pl.ds(SUB_A, SUB_B)], ssb[s]).wait()

    def process(g, s):
        wait_gather(g, s)

        def add_a(i, c):
            for j in range(D // LANES):
                sl = pl.ds(j * LANES, LANES)
                ra[s][i, sl] = ra[s][i, sl] + pe_v[i, sl]
            return c

        lax.fori_loop(0, SUB_A, add_a, 0)

        def add_b(i, c):
            for j in range(D // LANES):
                sl = pl.ds(j * LANES, LANES)
                rb[s][i, sl] = rb[s][i, sl] + pe_v[SUB_A + i, sl]
            return c

        lax.fori_loop(0, SUB_B, add_b, 0)

        start_store(g, s)

    for s in range(PF):
        start_gather(s, s)
    for g in range(PF):
        start_gather(g + PF, (g + PF) % NBUF)
        process(g, g)

    def outer_body(go, carry):
        for s in range(NBUF):
            g = PF + go * NBUF + s
            cs = (PF + s) % NBUF
            ps = s % NBUF
            wait_store(g - PF, ps)
            start_gather(g + PF, ps)
            process(g, cs)
        return carry

    lax.fori_loop(0, (RPW - 2 * PF) // NBUF, outer_body, 0)

    for g in range(RPW - PF, RPW):
        wait_store(g - PF, (g - PF) % NBUF)
        process(g, g % NBUF)

    for g in range(RPW - PF, RPW):
        wait_store(g, g % NBUF)


_embed_call = pl.kernel(
    _embed_body,
    mesh=plsc.VectorSubcoreMesh(core_axis_name="c", subcore_axis_name="s"),
    out_type=jax.ShapeDtypeStruct((B, W, D), jnp.float32),
    scratch_types=(
        [
            pltpu.VMEM((RPW, SUB_A), jnp.int32),
            pltpu.VMEM((RPW, SUB_B), jnp.int32),
            pltpu.VMEM((W, D), jnp.float32),
        ]
        + [pltpu.VMEM((SUB_A, D), jnp.float32) for _ in range(NBUF)]
        + [pltpu.VMEM((SUB_B, D), jnp.float32) for _ in range(NBUF)]
        + [pltpu.SemaphoreType.DMA for _ in range(4 * NBUF)]
    ),
    compiler_params=pltpu.CompilerParams(use_tc_tiling_on_sc=False),
)


def kernel(vector, table, pe):
    return _embed_call(vector, table, pe)

# --- scband reference (transcript-rebuilt; emitter-appended) ---
"""Pipeline reference for scband-custom-embed-29652454211922 (READ-ONLY COPY).

The authoritative reference and input builder live on the scoring server;
editing this copy changes nothing except your own understanding.
"""

import jax, jax.numpy as jnp
import numpy as np

VOCAB = 1000000
EMBED_DIM = 64
WINDOW = 200
BATCH = 4096


def _make_pe(windowSize, embedDim):
    pe = np.zeros((windowSize, embedDim), dtype=np.float32)
    pos = np.arange(windowSize, dtype=np.float64)[:, None]
    i = np.arange(embedDim // 2, dtype=np.float64)[None, :]
    div = np.power(10000.0, 2.0 * i / embedDim)
    pe[:, 0::2] = np.sin(pos / div)
    pe[:, 1::2] = np.cos(pos / div)
    return jnp.asarray(pe)


def setup_inputs(seed: int = 0) -> dict:
    key = jax.random.key(seed)
    k1, k2 = jax.random.split(key)
    vector = jax.random.randint(k1, (BATCH, WINDOW), 0, VOCAB, dtype=jnp.int32)
    table = jax.random.normal(k2, (VOCAB, EMBED_DIM), dtype=jnp.float32)
    pe = _make_pe(WINDOW, EMBED_DIM)
    return {"vector": vector, "table": table, "pe": pe}


def reference(vector, table, pe):
    # embedding lookup (gather)
    embed = jnp.take(table, vector, axis=0)  # [B, W, D]
    # add positional encoding, broadcast over batch (torch .expand)
    positionalEmbed = embed + pe[None, :, :]
    return positionalEmbed

if __name__ == "__main__":
    import jax
    _d = setup_inputs()
    print(jax.jit(kernel)(*tuple(_d.values())))

</pallas_src>

<mosaic_0001>
#map = affine_map<(d0, d1) -> (0, 0)>
#map1 = affine_map<(d0, d1) -> (0, 0, 0)>
module attributes {stable_mosaic.version = 14 : i64} {
  func.func @_embed_body(%arg0: i32, %arg1: i32, %arg2: memref<4096x200xi32, #tpu.memory_space<hbm>>, %arg3: memref<1000000x64xf32, #tpu.memory_space<hbm>>, %arg4: memref<200x64xf32, #tpu.memory_space<hbm>>, %arg5: memref<4096x200x64xf32, #tpu.memory_space<hbm>>, %arg6: memref<128x120xi32, #tpu.memory_space<vmem>>, %arg7: memref<128x80xi32, #tpu.memory_space<vmem>>, %arg8: memref<200x64xf32, #tpu.memory_space<vmem>>, %arg9: memref<120x64xf32, #tpu.memory_space<vmem>>, %arg10: memref<120x64xf32, #tpu.memory_space<vmem>>, %arg11: memref<120x64xf32, #tpu.memory_space<vmem>>, %arg12: memref<120x64xf32, #tpu.memory_space<vmem>>, %arg13: memref<80x64xf32, #tpu.memory_space<vmem>>, %arg14: memref<80x64xf32, #tpu.memory_space<vmem>>, %arg15: memref<80x64xf32, #tpu.memory_space<vmem>>, %arg16: memref<80x64xf32, #tpu.memory_space<vmem>>, %arg17: memref<!tpu.dma_semaphore, #tpu.memory_space<semaphore_mem>>, %arg18: memref<!tpu.dma_semaphore, #tpu.memory_space<semaphore_mem>>, %arg19: memref<!tpu.dma_semaphore, #tpu.memory_space<semaphore_mem>>, %arg20: memref<!tpu.dma_semaphore, #tpu.memory_space<semaphore_mem>>, %arg21: memref<!tpu.dma_semaphore, #tpu.memory_space<semaphore_mem>>, %arg22: memref<!tpu.dma_semaphore, #tpu.memory_space<semaphore_mem>>, %arg23: memref<!tpu.dma_semaphore, #tpu.memory_space<semaphore_mem>>, %arg24: memref<!tpu.dma_semaphore, #tpu.memory_space<semaphore_mem>>, %arg25: memref<!tpu.dma_semaphore, #tpu.memory_space<semaphore_mem>>, %arg26: memref<!tpu.dma_semaphore, #tpu.memory_space<semaphore_mem>>, %arg27: memref<!tpu.dma_semaphore, #tpu.memory_space<semaphore_mem>>, %arg28: memref<!tpu.dma_semaphore, #tpu.memory_space<semaphore_mem>>, %arg29: memref<!tpu.dma_semaphore, #tpu.memory_space<semaphore_mem>>, %arg30: memref<!tpu.dma_semaphore, #tpu.memory_space<semaphore_mem>>, %arg31: memref<!tpu.dma_semaphore, #tpu.memory_space<semaphore_mem>>, %arg32: memref<!tpu.dma_semaphore, #tpu.memory_space<semaphore_mem>>) attributes {dimension_semantics = [#tpu.dimension_semantics<core_parallel>, #tpu.dimension_semantics<subcore_parallel>], iteration_bounds = array<i64: 2, 16>, scalar_prefetch = 0 : i64, scratch_operands = 27 : i64, tpu.core_type = #tpu.core_type<sc_vector_subcore>, window_params = [{transform_indices = #map}, {transform_indices = #map}, {transform_indices = #map}, {transform_indices = #map1}]} {
    %mul3A = arith.constant 2 : i32
    %mul3A_0 = arith.muli %arg1, %mul3A : i32
    %add3A = arith.addi %mul3A_0, %arg0 : i32
    %mul3A_1 = arith.constant 128 : i32
    %mul3A_2 = arith.muli %add3A, %mul3A_1 : i32
    "tpu.region"() ({
      %run_scoped3A = tpu.sem_alloc : memref<!tpu.dma_semaphore, #tpu.memory_space<semaphore_mem>>
      tpu.enqueue_dma source(%arg4 : memref<200x64xf32, #tpu.memory_space<hbm>>) target(%arg8 : memref<200x64xf32, #tpu.memory_space<vmem>>) target_semaphore(%run_scoped3A : memref<!tpu.dma_semaphore, #tpu.memory_space<semaphore_mem>>)
      tpu.wait_dma2 semaphore(%run_scoped3A : memref<!tpu.dma_semaphore, #tpu.memory_space<semaphore_mem>>) src(%arg4 : memref<200x64xf32, #tpu.memory_space<hbm>>) dst(%arg8 : memref<200x64xf32, #tpu.memory_space<vmem>>)
      tpu.yield
    }) : () -> ()
    "tpu.region"() ({
      %run_scoped3A = tpu.sem_alloc : memref<!tpu.dma_semaphore, #tpu.memory_space<semaphore_mem>>
      %dma_start3A_310 = arith.constant 0 : i32
      %dma_start3A_311 = tpu.memref_slice %arg2[%mul3A_2, %dma_start3A_310] : memref<4096x200xi32, #tpu.memory_space<hbm>> -> memref<128x120xi32, #tpu.memory_space<hbm>>
      %dma_start3A_312 = arith.constant 0 : i32
      %dma_start3A_313 = tpu.memref_slice %arg2[%mul3A_2, %dma_start3A_312] : memref<4096x200xi32, #tpu.memory_space<hbm>> -> memref<128x120xi32, #tpu.memory_space<hbm>>
      tpu.enqueue_dma source(%dma_start3A_313 : memref<128x120xi32, #tpu.memory_space<hbm>>) target(%arg6 : memref<128x120xi32, #tpu.memory_space<vmem>>) target_semaphore(%run_scoped3A : memref<!tpu.dma_semaphore, #tpu.memory_space<semaphore_mem>>)
      %dma_wait3A_314 = arith.constant 0 : i32
      %dma_wait3A_315 = tpu.memref_slice %arg2[%mul3A_2, %dma_wait3A_314] : memref<4096x200xi32, #tpu.memory_space<hbm>> -> memref<128x120xi32, #tpu.memory_space<hbm>>
      %dma_wait3A_316 = arith.constant 0 : i32
      %dma_wait3A_317 = tpu.memref_slice %arg2[%mul3A_2, %dma_wait3A_316] : memref<4096x200xi32, #tpu.memory_space<hbm>> -> memref<128x120xi32, #tpu.memory_space<hbm>>
      tpu.wait_dma2 semaphore(%run_scoped3A : memref<!tpu.dma_semaphore, #tpu.memory_space<semaphore_mem>>) src(%dma_wait3A_317 : memref<128x120xi32, #tpu.memory_space<hbm>>) dst(%arg6 : memref<128x120xi32, #tpu.memory_space<vmem>>)
      tpu.yield
    }) : () -> ()
    "tpu.region"() ({
      %run_scoped3A = tpu.sem_alloc : memref<!tpu.dma_semaphore, #tpu.memory_space<semaphore_mem>>
      %dma_start3A_310 = arith.constant 120 : i32
      %dma_start3A_311 = tpu.memref_slice %arg2[%mul3A_2, %dma_start3A_310] : memref<4096x200xi32, #tpu.memory_space<hbm>> -> memref<128x80xi32, #tpu.memory_space<hbm>>
      %dma_start3A_312 = arith.constant 120 : i32
      %dma_start3A_313 = tpu.memref_slice %arg2[%mul3A_2, %dma_start3A_312] : memref<4096x200xi32, #tpu.memory_space<hbm>> -> memref<128x80xi32, #tpu.memory_space<hbm>>
      tpu.enqueue_dma source(%dma_start3A_313 : memref<128x80xi32, #tpu.memory_space<hbm>>) target(%arg7 : memref<128x80xi32, #tpu.memory_space<vmem>>) target_semaphore(%run_scoped3A : memref<!tpu.dma_semaphore, #tpu.memory_space<semaphore_mem>>)
      %dma_wait3A_314 = arith.constant 120 : i32
      %dma_wait3A_315 = tpu.memref_slice %arg2[%mul3A_2, %dma_wait3A_314] : memref<4096x200xi32, #tpu.memory_space<hbm>> -> memref<128x80xi32, #tpu.memory_space<hbm>>
      %dma_wait3A_316 = arith.constant 120 : i32
      %dma_wait3A_317 = tpu.memref_slice %arg2[%mul3A_2, %dma_wait3A_316] : memref<4096x200xi32, #tpu.memory_space<hbm>> -> memref<128x80xi32, #tpu.memory_space<hbm>>
      tpu.wait_dma2 semaphore(%run_scoped3A : memref<!tpu.dma_semaphore, #tpu.memory_space<semaphore_mem>>) src(%dma_wait3A_317 : memref<128x80xi32, #tpu.memory_space<hbm>>) dst(%arg7 : memref<128x80xi32, #tpu.memory_space<vmem>>)
      tpu.yield
    }) : () -> ()
    %dma_start3A = arith.constant 0 : i32
    %dma_start3A_3 = arith.constant 0 : i32
    %dma_start3A_4 = tpu.memref_slice %arg6[%dma_start3A, %dma_start3A_3] : memref<128x120xi32, #tpu.memory_space<vmem>> -> memref<1x120xi32, #tpu.memory_space<vmem>>
    %dma_start3A_5 = tpu.memref_squeeze %dma_start3A_4 : memref<1x120xi32, #tpu.memory_space<vmem>> -> memref<120xi32, #tpu.memory_space<vmem>>
    %dma_start3A_6 = arith.constant 0 : i32
    %dma_start3A_7 = arith.constant 0 : i32
    %dma_start3A_8 = tpu.memref_slice %arg3[%dma_start3A_6, %dma_start3A_7] : memref<1000000x64xf32, #tpu.memory_space<hbm>> -> memref<1000000x64xf32, #tpu.memory_space<hbm>>
    tpu.enqueue_indirect_dma source(%dma_start3A_8 : memref<1000000x64xf32, #tpu.memory_space<hbm>>) target(%arg9 : memref<120x64xf32, #tpu.memory_space<vmem>>) offsets(%dma_start3A_5 : memref<120xi32, #tpu.memory_space<vmem>>) semaphore(%arg17 : memref<!tpu.dma_semaphore, #tpu.memory_space<semaphore_mem>>)
    %dma_start3A_9 = arith.constant 0 : i32
    %dma_start3A_10 = arith.constant 0 : i32
    %dma_start3A_11 = tpu.memref_slice %arg7[%dma_start3A_9, %dma_start3A_10] : memref<128x80xi32, #tpu.memory_space<vmem>> -> memref<1x80xi32, #tpu.memory_space<vmem>>
    %dma_start3A_12 = tpu.memref_squeeze %dma_start3A_11 : memref<1x80xi32, #tpu.memory_space<vmem>> -> memref<80xi32, #tpu.memory_space<vmem>>
    %dma_start3A_13 = arith.constant 0 : i32
    %dma_start3A_14 = arith.constant 0 : i32
    %dma_start3A_15 = tpu.memref_slice %arg3[%dma_start3A_13, %dma_start3A_14] : memref<1000000x64xf32, #tpu.memory_space<hbm>> -> memref<1000000x64xf32, #tpu.memory_space<hbm>>
    tpu.enqueue_indirect_dma source(%dma_start3A_15 : memref<1000000x64xf32, #tpu.memory_space<hbm>>) target(%arg13 : memref<80x64xf32, #tpu.memory_space<vmem>>) offsets(%dma_start3A_12 : memref<80xi32, #tpu.memory_space<vmem>>) semaphore(%arg21 : memref<!tpu.dma_semaphore, #tpu.memory_space<semaphore_mem>>)
    %dma_start3A_16 = arith.constant 1 : i32
    %dma_start3A_17 = arith.constant 0 : i32
    %dma_start3A_18 = tpu.memref_slice %arg6[%dma_start3A_16, %dma_start3A_17] : memref<128x120xi32, #tpu.memory_space<vmem>> -> memref<1x120xi32, #tpu.memory_space<vmem>>
    %dma_start3A_19 = tpu.memref_squeeze %dma_start3A_18 : memref<1x120xi32, #tpu.memory_space<vmem>> -> memref<120xi32, #tpu.memory_space<vmem>>
    %dma_start3A_20 = arith.constant 0 : i32
    %dma_start3A_21 = arith.constant 0 : i32
    %dma_start3A_22 = tpu.memref_slice %arg3[%dma_start3A_20, %dma_start3A_21] : memref<1000000x64xf32, #tpu.memory_space<hbm>> -> memref<1000000x64xf32, #tpu.memory_space<hbm>>
    tpu.enqueue_indirect_dma source(%dma_start3A_22 : memref<1000000x64xf32, #tpu.memory_space<hbm>>) target(%arg10 : memref<120x64xf32, #tpu.memory_space<vmem>>) offsets(%dma_start3A_19 : memref<120xi32, #tpu.memory_space<vmem>>) semaphore(%arg18 : memref<!tpu.dma_semaphore, #tpu.memory_space<semaphore_mem>>)
    %dma_start3A_23 = arith.constant 1 : i32
    %dma_start3A_24 = arith.constant 0 : i32
    %dma_start3A_25 = tpu.memref_slice %arg7[%dma_start3A_23, %dma_start3A_24] : memref<128x80xi32, #tpu.memory_space<vmem>> -> memref<1x80xi32, #tpu.memory_space<vmem>>
    %dma_start3A_26 = tpu.memref_squeeze %dma_start3A_25 : memref<1x80xi32, #tpu.memory_space<vmem>> -> memref<80xi32, #tpu.memory_space<vmem>>
    %dma_start3A_27 = arith.constant 0 : i32
    %dma_start3A_28 = arith.constant 0 : i32
    %dma_start3A_29 = tpu.memref_slice %arg3[%dma_start3A_27, %dma_start3A_28] : memref<1000000x64xf32, #tpu.memory_space<hbm>> -> memref<1000000x64xf32, #tpu.memory_space<hbm>>
    tpu.enqueue_indirect_dma source(%dma_start3A_29 : memref<1000000x64xf32, #tpu.memory_space<hbm>>) target(%arg14 : memref<80x64xf32, #tpu.memory_space<vmem>>) offsets(%dma_start3A_26 : memref<80xi32, #tpu.memory_space<vmem>>) semaphore(%arg22 : memref<!tpu.dma_semaphore, #tpu.memory_space<semaphore_mem>>)
    %dma_start3A_30 = arith.constant 2 : i32
    %dma_start3A_31 = arith.constant 0 : i32
    %dma_start3A_32 = tpu.memref_slice %arg6[%dma_start3A_30, %dma_start3A_31] : memref<128x120xi32, #tpu.memory_space<vmem>> -> memref<1x120xi32, #tpu.memory_space<vmem>>
    %dma_start3A_33 = tpu.memref_squeeze %dma_start3A_32 : memref<1x120xi32, #tpu.memory_space<vmem>> -> memref<120xi32, #tpu.memory_space<vmem>>
    %dma_start3A_34 = arith.constant 0 : i32
    %dma_start3A_35 = arith.constant 0 : i32
    %dma_start3A_36 = tpu.memref_slice %arg3[%dma_start3A_34, %dma_start3A_35] : memref<1000000x64xf32, #tpu.memory_space<hbm>> -> memref<1000000x64xf32, #tpu.memory_space<hbm>>
    tpu.enqueue_indirect_dma source(%dma_start3A_36 : memref<1000000x64xf32, #tpu.memory_space<hbm>>) target(%arg11 : memref<120x64xf32, #tpu.memory_space<vmem>>) offsets(%dma_start3A_33 : memref<120xi32, #tpu.memory_space<vmem>>) semaphore(%arg19 : memref<!tpu.dma_semaphore, #tpu.memory_space<semaphore_mem>>)
    %dma_start3A_37 = arith.constant 2 : i32
    %dma_start3A_38 = arith.constant 0 : i32
    %dma_start3A_39 = tpu.memref_slice %arg7[%dma_start3A_37, %dma_start3A_38] : memref<128x80xi32, #tpu.memory_space<vmem>> -> memref<1x80xi32, #tpu.memory_space<vmem>>
    %dma_start3A_40 = tpu.memref_squeeze %dma_start3A_39 : memref<1x80xi32, #tpu.memory_space<vmem>> -> memref<80xi32, #tpu.memory_space<vmem>>
    %dma_start3A_41 = arith.constant 0 : i32
    %dma_start3A_42 = arith.constant 0 : i32
    %dma_start3A_43 = tpu.memref_slice %arg3[%dma_start3A_41, %dma_start3A_42] : memref<1000000x64xf32, #tpu.memory_space<hbm>> -> memref<1000000x64xf32, #tpu.memory_space<hbm>>
    tpu.enqueue_indirect_dma source(%dma_start3A_43 : memref<1000000x64xf32, #tpu.memory_space<hbm>>) target(%arg15 : memref<80x64xf32, #tpu.memory_space<vmem>>) offsets(%dma_start3A_40 : memref<80xi32, #tpu.memory_space<vmem>>) semaphore(%arg23 : memref<!tpu.dma_semaphore, #tpu.memory_space<semaphore_mem>>)
    %dma_wait3A = arith.constant 0 : i32
    %dma_wait3A_44 = arith.constant 0 : i32
    %dma_wait3A_45 = tpu.memref_slice %arg6[%dma_wait3A, %dma_wait3A_44] : memref<128x120xi32, #tpu.memory_space<vmem>> -> memref<1x120xi32, #tpu.memory_space<vmem>>
    %dma_wait3A_46 = tpu.memref_squeeze %dma_wait3A_45 : memref<1x120xi32, #tpu.memory_space<vmem>> -> memref<120xi32, #tpu.memory_space<vmem>>
    %dma_wait3A_47 = arith.constant 0 : i32
    %dma_wait3A_48 = arith.constant 0 : i32
    %dma_wait3A_49 = tpu.memref_slice %arg3[%dma_wait3A_47, %dma_wait3A_48] : memref<1000000x64xf32, #tpu.memory_space<hbm>> -> memref<1000000x64xf32, #tpu.memory_space<hbm>>
    tpu.wait_indirect_dma semaphore(%arg17 : memref<!tpu.dma_semaphore, #tpu.memory_space<semaphore_mem>>) src(%dma_wait3A_49 : memref<1000000x64xf32, #tpu.memory_space<hbm>>) dst(%arg9 : memref<120x64xf32, #tpu.memory_space<vmem>>)
    %dma_wait3A_50 = arith.constant 0 : i32
    %dma_wait3A_51 = arith.constant 0 : i32
    %dma_wait3A_52 = tpu.memref_slice %arg7[%dma_wait3A_50, %dma_wait3A_51] : memref<128x80xi32, #tpu.memory_space<vmem>> -> memref<1x80xi32, #tpu.memory_space<vmem>>
    %dma_wait3A_53 = tpu.memref_squeeze %dma_wait3A_52 : memref<1x80xi32, #tpu.memory_space<vmem>> -> memref<80xi32, #tpu.memory_space<vmem>>
    %dma_wait3A_54 = arith.constant 0 : i32
    %dma_wait3A_55 = arith.constant 0 : i32
    %dma_wait3A_56 = tpu.memref_slice %arg3[%dma_wait3A_54, %dma_wait3A_55] : memref<1000000x64xf32, #tpu.memory_space<hbm>> -> memref<1000000x64xf32, #tpu.memory_space<hbm>>
    tpu.wait_indirect_dma semaphore(%arg21 : memref<!tpu.dma_semaphore, #tpu.memory_space<semaphore_mem>>) src(%dma_wait3A_56 : memref<1000000x64xf32, #tpu.memory_space<hbm>>) dst(%arg13 : memref<80x64xf32, #tpu.memory_space<vmem>>)
    %scan3A = arith.constant 0 : i32
    %scan3A_57 = arith.constant 0 : i32
    %scan3A_58 = arith.constant 120 : i32
    %scan3A_59 = arith.addi %scan3A_57, %scan3A_58 : i32
    %scan3A_60 = arith.constant 1 : i32
    scf.for %scan3A_310 = %scan3A_57 to %scan3A_59 step %scan3A_60  : i32 {
      %get3A = arith.index_cast %scan3A_310 : i32 to index
      %get3A_311 = arith.constant 0 : index
      %get3A_312 = tpu.vector_load %arg9[%get3A, %get3A_311] {strides = array<i32>} : memref<120x64xf32, #tpu.memory_space<vmem>>, vector<1x16xf32>,
      %get3A_313 = vector.shape_cast %get3A_312 : vector<1x16xf32> to vector<16xf32>
      %get3A_314 = arith.index_cast %scan3A_310 : i32 to index
      %get3A_315 = arith.constant 0 : index
      %get3A_316 = tpu.vector_load %arg8[%get3A_314, %get3A_315] {strides = array<i32>} : memref<200x64xf32, #tpu.memory_space<vmem>>, vector<1x16xf32>,
      %get3A_317 = vector.shape_cast %get3A_316 : vector<1x16xf32> to vector<16xf32>
      %add3A_318 = arith.addf %get3A_313, %get3A_317 : vector<16xf32>
      %swap3A = arith.index_cast %scan3A_310 : i32 to index
      %swap3A_319 = arith.constant 0 : index
      %swap3A_320 = tpu.vector_load %arg9[%swap3A, %swap3A_319] {strides = array<i32>} : memref<120x64xf32, #tpu.memory_space<vmem>>, vector<1x16xf32>,
      %swap3A_321 = vector.shape_cast %swap3A_320 : vector<1x16xf32> to vector<16xf32>
      %swap3A_322 = vector.shape_cast %add3A_318 : vector<16xf32> to vector<1x16xf32>
      tpu.vector_store %arg9[%swap3A, %swap3A_319], %swap3A_322 {strides = array<i32>} : memref<120x64xf32, #tpu.memory_space<vmem>>, vector<1x16xf32>,
      %get3A_323 = arith.index_cast %scan3A_310 : i32 to index
      %get3A_324 = arith.constant 16 : index
      %get3A_325 = tpu.vector_load %arg9[%get3A_323, %get3A_324] {strides = array<i32>} : memref<120x64xf32, #tpu.memory_space<vmem>>, vector<1x16xf32>,
      %get3A_326 = vector.shape_cast %get3A_325 : vector<1x16xf32> to vector<16xf32>
      %get3A_327 = arith.index_cast %scan3A_310 : i32 to index
      %get3A_328 = arith.constant 16 : index
      %get3A_329 = tpu.vector_load %arg8[%get3A_327, %get3A_328] {strides = array<i32>} : memref<200x64xf32, #tpu.memory_space<vmem>>, vector<1x16xf32>,
      %get3A_330 = vector.shape_cast %get3A_329 : vector<1x16xf32> to vector<16xf32>
      %add3A_331 = arith.addf %get3A_326, %get3A_330 : vector<16xf32>
      %swap3A_332 = arith.index_cast %scan3A_310 : i32 to index
      %swap3A_333 = arith.constant 16 : index
      %swap3A_334 = tpu.vector_load %arg9[%swap3A_332, %swap3A_333] {strides = array<i32>} : memref<120x64xf32, #tpu.memory_space<vmem>>, vector<1x16xf32>,
      %swap3A_335 = vector.shape_cast %swap3A_334 : vector<1x16xf32> to vector<16xf32>
      %swap3A_336 = vector.shape_cast %add3A_331 : vector<16xf32> to vector<1x16xf32>
      tpu.vector_store %arg9[%swap3A_332, %swap3A_333], %swap3A_336 {strides = array<i32>} : memref<120x64xf32, #tpu.memory_space<vmem>>, vector<1x16xf32>,
      %get3A_337 = arith.index_cast %scan3A_310 : i32 to index
      %get3A_338 = arith.constant 32 : index
      %get3A_339 = tpu.vector_load %arg9[%get3A_337, %get3A_338] {strides = array<i32>} : memref<120x64xf32, #tpu.memory_space<vmem>>, vector<1x16xf32>,
      %get3A_340 = vector.shape_cast %get3A_339 : vector<1x16xf32> to vector<16xf32>
      %get3A_341 = arith.index_cast %scan3A_310 : i32 to index
      %get3A_342 = arith.constant 32 : index
      %get3A_343 = tpu.vector_load %arg8[%get3A_341, %get3A_342] {strides = array<i32>} : memref<200x64xf32, #tpu.memory_space<vmem>>, vector<1x16xf32>,
      %get3A_344 = vector.shape_cast %get3A_343 : vector<1x16xf32> to vector<16xf32>
      %add3A_345 = arith.addf %get3A_340, %get3A_344 : vector<16xf32>
      %swap3A_346 = arith.index_cast %scan3A_310 : i32 to index
      %swap3A_347 = arith.constant 32 : index
      %swap3A_348 = tpu.vector_load %arg9[%swap3A_346, %swap3A_347] {strides = array<i32>} : memref<120x64xf32, #tpu.memory_space<vmem>>, vector<1x16xf32>,
      %swap3A_349 = vector.shape_cast %swap3A_348 : vector<1x16xf32> to vector<16xf32>
      %swap3A_350 = vector.shape_cast %add3A_345 : vector<16xf32> to vector<1x16xf32>
      tpu.vector_store %arg9[%swap3A_346, %swap3A_347], %swap3A_350 {strides = array<i32>} : memref<120x64xf32, #tpu.memory_space<vmem>>, vector<1x16xf32>,
      %get3A_351 = arith.index_cast %scan3A_310 : i32 to index
      %get3A_352 = arith.constant 48 : index
      %get3A_353 = tpu.vector_load %arg9[%get3A_351, %get3A_352] {strides = array<i32>} : memref<120x64xf32, #tpu.memory_space<vmem>>, vector<1x16xf32>,
      %get3A_354 = vector.shape_cast %get3A_353 : vector<1x16xf32> to vector<16xf32>
      %get3A_355 = arith.index_cast %scan3A_310 : i32 to index
      %get3A_356 = arith.constant 48 : index
      %get3A_357 = tpu.vector_load %arg8[%get3A_355, %get3A_356] {strides = array<i32>} : memref<200x64xf32, #tpu.memory_space<vmem>>, vector<1x16xf32>,
      %get3A_358 = vector.shape_cast %get3A_357 : vector<1x16xf32> to vector<16xf32>
      %add3A_359 = arith.addf %get3A_354, %get3A_358 : vector<16xf32>
      %swap3A_360 = arith.index_cast %scan3A_310 : i32 to index
      %swap3A_361 = arith.constant 48 : index
      %swap3A_362 = tpu.vector_load %arg9[%swap3A_360, %swap3A_361] {strides = array<i32>} : memref<120x64xf32, #tpu.memory_space<vmem>>, vector<1x16xf32>,
      %swap3A_363 = vector.shape_cast %swap3A_362 : vector<1x16xf32> to vector<16xf32>
      %swap3A_364 = vector.shape_cast %add3A_359 : vector<16xf32> to vector<1x16xf32>
      tpu.vector_store %arg9[%swap3A_360, %swap3A_361], %swap3A_364 {strides = array<i32>} : memref<120x64xf32, #tpu.memory_space<vmem>>, vector<1x16xf32>,
    }
    %scan3A_61 = arith.constant 120 : i32
    %scan3A_62 = arith.constant 0 : i32
    %scan3A_63 = arith.constant 0 : i32
    %scan3A_64 = arith.constant 80 : i32
    %scan3A_65 = arith.addi %scan3A_63, %scan3A_64 : i32
    %scan3A_66 = arith.constant 1 : i32
    scf.for %scan3A_310 = %scan3A_63 to %scan3A_65 step %scan3A_66  : i32 {
      %get3A = arith.index_cast %scan3A_310 : i32 to index
      %get3A_311 = arith.constant 0 : index
      %get3A_312 = tpu.vector_load %arg13[%get3A, %get3A_311] {strides = array<i32>} : memref<80x64xf32, #tpu.memory_space<vmem>>, vector<1x16xf32>,
      %get3A_313 = vector.shape_cast %get3A_312 : vector<1x16xf32> to vector<16xf32>
      %add3A_314 = arith.constant 120 : i32
      %add3A_315 = arith.addi %add3A_314, %scan3A_310 : i32
      %get3A_316 = arith.index_cast %add3A_315 : i32 to index
      %get3A_317 = arith.constant 0 : index
      %get3A_318 = tpu.vector_load %arg8[%get3A_316, %get3A_317] {strides = array<i32>} : memref<200x64xf32, #tpu.memory_space<vmem>>, vector<1x16xf32>,
      %get3A_319 = vector.shape_cast %get3A_318 : vector<1x16xf32> to vector<16xf32>
      %add3A_320 = arith.addf %get3A_313, %get3A_319 : vector<16xf32>
      %swap3A = arith.index_cast %scan3A_310 : i32 to index
      %swap3A_321 = arith.constant 0 : index
      %swap3A_322 = tpu.vector_load %arg13[%swap3A, %swap3A_321] {strides = array<i32>} : memref<80x64xf32, #tpu.memory_space<vmem>>, vector<1x16xf32>,
      %swap3A_323 = vector.shape_cast %swap3A_322 : vector<1x16xf32> to vector<16xf32>
      %swap3A_324 = vector.shape_cast %add3A_320 : vector<16xf32> to vector<1x16xf32>
      tpu.vector_store %arg13[%swap3A, %swap3A_321], %swap3A_324 {strides = array<i32>} : memref<80x64xf32, #tpu.memory_space<vmem>>, vector<1x16xf32>,
      %get3A_325 = arith.index_cast %scan3A_310 : i32 to index
      %get3A_326 = arith.constant 16 : index
      %get3A_327 = tpu.vector_load %arg13[%get3A_325, %get3A_326] {strides = array<i32>} : memref<80x64xf32, #tpu.memory_space<vmem>>, vector<1x16xf32>,
      %get3A_328 = vector.shape_cast %get3A_327 : vector<1x16xf32> to vector<16xf32>
      %add3A_329 = arith.constant 120 : i32
      %add3A_330 = arith.addi %add3A_329, %scan3A_310 : i32
      %get3A_331 = arith.index_cast %add3A_330 : i32 to index
      %get3A_332 = arith.constant 16 : index
      %get3A_333 = tpu.vector_load %arg8[%get3A_331, %get3A_332] {strides = array<i32>} : memref<200x64xf32, #tpu.memory_space<vmem>>, vector<1x16xf32>,
      %get3A_334 = vector.shape_cast %get3A_333 : vector<1x16xf32> to vector<16xf32>
      %add3A_335 = arith.addf %get3A_328, %get3A_334 : vector<16xf32>
      %swap3A_336 = arith.index_cast %scan3A_310 : i32 to index
      %swap3A_337 = arith.constant 16 : index
      %swap3A_338 = tpu.vector_load %arg13[%swap3A_336, %swap3A_337] {strides = array<i32>} : memref<80x64xf32, #tpu.memory_space<vmem>>, vector<1x16xf32>,
      %swap3A_339 = vector.shape_cast %swap3A_338 : vector<1x16xf32> to vector<16xf32>
      %swap3A_340 = vector.shape_cast %add3A_335 : vector<16xf32> to vector<1x16xf32>
      tpu.vector_store %arg13[%swap3A_336, %swap3A_337], %swap3A_340 {strides = array<i32>} : memref<80x64xf32, #tpu.memory_space<vmem>>, vector<1x16xf32>,
      %get3A_341 = arith.index_cast %scan3A_310 : i32 to index
      %get3A_342 = arith.constant 32 : index
      %get3A_343 = tpu.vector_load %arg13[%get3A_341, %get3A_342] {strides = array<i32>} : memref<80x64xf32, #tpu.memory_space<vmem>>, vector<1x16xf32>,
      %get3A_344 = vector.shape_cast %get3A_343 : vector<1x16xf32> to vector<16xf32>
      %add3A_345 = arith.constant 120 : i32
      %add3A_346 = arith.addi %add3A_345, %scan3A_310 : i32
      %get3A_347 = arith.index_cast %add3A_346 : i32 to index
      %get3A_348 = arith.constant 32 : index
      %get3A_349 = tpu.vector_load %arg8[%get3A_347, %get3A_348] {strides = array<i32>} : memref<200x64xf32, #tpu.memory_space<vmem>>, vector<1x16xf32>,
      %get3A_350 = vector.shape_cast %get3A_349 : vector<1x16xf32> to vector<16xf32>
      %add3A_351 = arith.addf %get3A_344, %get3A_350 : vector<16xf32>
      %swap3A_352 = arith.index_cast %scan3A_310 : i32 to index
      %swap3A_353 = arith.constant 32 : index
      %swap3A_354 = tpu.vector_load %arg13[%swap3A_352, %swap3A_353] {strides = array<i32>} : memref<80x64xf32, #tpu.memory_space<vmem>>, vector<1x16xf32>,
      %swap3A_355 = vector.shape_cast %swap3A_354 : vector<1x16xf32> to vector<16xf32>
      %swap3A_356 = vector.shape_cast %add3A_351 : vector<16xf32> to vector<1x16xf32>
      tpu.vector_store %arg13[%swap3A_352, %swap3A_353], %swap3A_356 {strides = array<i32>} : memref<80x64xf32, #tpu.memory_space<vmem>>, vector<1x16xf32>,
      %get3A_357 = arith.index_cast %scan3A_310 : i32 to index
      %get3A_358 = arith.constant 48 : index
      %get3A_359 = tpu.vector_load %arg13[%get3A_357, %get3A_358] {strides = array<i32>} : memref<80x64xf32, #tpu.memory_space<vmem>>, vector<1x16xf32>,
      %get3A_360 = vector.shape_cast %get3A_359 : vector<1x16xf32> to vector<16xf32>
      %add3A_361 = arith.constant 120 : i32
      %add3A_362 = arith.addi %add3A_361, %scan3A_310 : i32
      %get3A_363 = arith.index_cast %add3A_362 : i32 to index
      %get3A_364 = arith.constant 48 : index
      %get3A_365 = tpu.vector_load %arg8[%get3A_363, %get3A_364] {strides = array<i32>} : memref<200x64xf32, #tpu.memory_space<vmem>>, vector<1x16xf32>,
      %get3A_366 = vector.shape_cast %get3A_365 : vector<1x16xf32> to vector<16xf32>
      %add3A_367 = arith.addf %get3A_360, %get3A_366 : vector<16xf32>
      %swap3A_368 = arith.index_cast %scan3A_310 : i32 to index
      %swap3A_369 = arith.constant 48 : index
      %swap3A_370 = tpu.vector_load %arg13[%swap3A_368, %swap3A_369] {strides = array<i32>} : memref<80x64xf32, #tpu.memory_space<vmem>>, vector<1x16xf32>,
      %swap3A_371 = vector.shape_cast %swap3A_370 : vector<1x16xf32> to vector<16xf32>
      %swap3A_372 = vector.shape_cast %add3A_367 : vector<16xf32> to vector<1x16xf32>
      tpu.vector_store %arg13[%swap3A_368, %swap3A_369], %swap3A_372 {strides = array<i32>} : memref<80x64xf32, #tpu.memory_space<vmem>>, vector<1x16xf32>,
    }
    %scan3A_67 = arith.constant 80 : i32
    %add3A_68 = arith.constant 0 : i32
    %add3A_69 = arith.addi %mul3A_2, %add3A_68 : i32
    %dma_start3A_70 = arith.constant 0 : i32
    %dma_start3A_71 = arith.constant 0 : i32
    %dma_start3A_72 = tpu.memref_slice %arg5[%add3A_69, %dma_start3A_70, %dma_start3A_71] : memref<4096x200x64xf32, #tpu.memory_space<hbm>> -> memref<1x120x64xf32, #tpu.memory_space<hbm>>
    %dma_start3A_73 = tpu.memref_squeeze %dma_start3A_72 : memref<1x120x64xf32, #tpu.memory_space<hbm>> -> memref<120x64xf32, #tpu.memory_space<hbm>>
    %dma_start3A_74 = arith.constant 0 : i32
    %dma_start3A_75 = arith.constant 0 : i32
    %dma_start3A_76 = tpu.memref_slice %arg5[%add3A_69, %dma_start3A_74, %dma_start3A_75] : memref<4096x200x64xf32, #tpu.memory_space<hbm>> -> memref<1x120x64xf32, #tpu.memory_space<hbm>>
    %dma_start3A_77 = tpu.memref_squeeze %dma_start3A_76 : memref<1x120x64xf32, #tpu.memory_space<hbm>> -> memref<120x64xf32, #tpu.memory_space<hbm>>
    tpu.enqueue_dma source(%arg9 : memref<120x64xf32, #tpu.memory_space<vmem>>) target(%dma_start3A_77 : memref<120x64xf32, #tpu.memory_space<hbm>>) target_semaphore(%arg25 : memref<!tpu.dma_semaphore, #tpu.memory_space<semaphore_mem>>)
    %dma_start3A_78 = arith.constant 120 : i32
    %dma_start3A_79 = arith.constant 0 : i32
    %dma_start3A_80 = tpu.memref_slice %arg5[%add3A_69, %dma_start3A_78, %dma_start3A_79] : memref<4096x200x64xf32, #tpu.memory_space<hbm>> -> memref<1x80x64xf32, #tpu.memory_space<hbm>>
    %dma_start3A_81 = tpu.memref_squeeze %dma_start3A_80 : memref<1x80x64xf32, #tpu.memory_space<hbm>> -> memref<80x64xf32, #tpu.memory_space<hbm>>
    %dma_start3A_82 = arith.constant 120 : i32
    %dma_start3A_83 = arith.constant 0 : i32
    %dma_start3A_84 = tpu.memref_slice %arg5[%add3A_69, %dma_start3A_82, %dma_start3A_83] : memref<4096x200x64xf32, #tpu.memory_space<hbm>> -> memref<1x80x64xf32, #tpu.memory_space<hbm>>
    %dma_start3A_85 = tpu.memref_squeeze %dma_start3A_84 : memref<1x80x64xf32, #tpu.memory_space<hbm>> -> memref<80x64xf32, #tpu.memory_space<hbm>>
    tpu.enqueue_dma source(%arg13 : memref<80x64xf32, #tpu.memory_space<vmem>>) target(%dma_start3A_85 : memref<80x64xf32, #tpu.memory_space<hbm>>) target_semaphore(%arg29 : memref<!tpu.dma_semaphore, #tpu.memory_space<semaphore_mem>>)
    %dma_start3A_86 = arith.constant 3 : i32
    %dma_start3A_87 = arith.constant 0 : i32
    %dma_start3A_88 = tpu.memref_slice %arg6[%dma_start3A_86, %dma_start3A_87] : memref<128x120xi32, #tpu.memory_space<vmem>> -> memref<1x120xi32, #tpu.memory_space<vmem>>
    %dma_start3A_89 = tpu.memref_squeeze %dma_start3A_88 : memref<1x120xi32, #tpu.memory_space<vmem>> -> memref<120xi32, #tpu.memory_space<vmem>>
    %dma_start3A_90 = arith.constant 0 : i32
    %dma_start3A_91 = arith.constant 0 : i32
    %dma_start3A_92 = tpu.memref_slice %arg3[%dma_start3A_90, %dma_start3A_91] : memref<1000000x64xf32, #tpu.memory_space<hbm>> -> memref<1000000x64xf32, #tpu.memory_space<hbm>>
    tpu.enqueue_indirect_dma source(%dma_start3A_92 : memref<1000000x64xf32, #tpu.memory_space<hbm>>) target(%arg12 : memref<120x64xf32, #tpu.memory_space<vmem>>) offsets(%dma_start3A_89 : memref<120xi32, #tpu.memory_space<vmem>>) semaphore(%arg20 : memref<!tpu.dma_semaphore, #tpu.memory_space<semaphore_mem>>)
    %dma_start3A_93 = arith.constant 3 : i32
    %dma_start3A_94 = arith.constant 0 : i32
    %dma_start3A_95 = tpu.memref_slice %arg7[%dma_start3A_93, %dma_start3A_94] : memref<128x80xi32, #tpu.memory_space<vmem>> -> memref<1x80xi32, #tpu.memory_space<vmem>>
    %dma_start3A_96 = tpu.memref_squeeze %dma_start3A_95 : memref<1x80xi32, #tpu.memory_space<vmem>> -> memref<80xi32, #tpu.memory_space<vmem>>
    %dma_start3A_97 = arith.constant 0 : i32
    %dma_start3A_98 = arith.constant 0 : i32
    %dma_start3A_99 = tpu.memref_slice %arg3[%dma_start3A_97, %dma_start3A_98] : memref<1000000x64xf32, #tpu.memory_space<hbm>> -> memref<1000000x64xf32, #tpu.memory_space<hbm>>
    tpu.enqueue_indirect_dma source(%dma_start3A_99 : memref<1000000x64xf32, #tpu.memory_space<hbm>>) target(%arg16 : memref<80x64xf32, #tpu.memory_space<vmem>>) offsets(%dma_start3A_96 : memref<80xi32, #tpu.memory_space<vmem>>) semaphore(%arg24 : memref<!tpu.dma_semaphore, #tpu.memory_space<semaphore_mem>>)
    %dma_wait3A_100 = arith.constant 1 : i32
    %dma_wait3A_101 = arith.constant 0 : i32
    %dma_wait3A_102 = tpu.memref_slice %arg6[%dma_wait3A_100, %dma_wait3A_101] : memref<128x120xi32, #tpu.memory_space<vmem>> -> memref<1x120xi32, #tpu.memory_space<vmem>>
    %dma_wait3A_103 = tpu.memref_squeeze %dma_wait3A_102 : memref<1x120xi32, #tpu.memory_space<vmem>> -> memref<120xi32, #tpu.memory_space<vmem>>
    %dma_wait3A_104 = arith.constant 0 : i32
    %dma_wait3A_105 = arith.constant 0 : i32
    %dma_wait3A_106 = tpu.memref_slice %arg3[%dma_wait3A_104, %dma_wait3A_105] : memref<1000000x64xf32, #tpu.memory_space<hbm>> -> memref<1000000x64xf32, #tpu.memory_space<hbm>>
    tpu.wait_indirect_dma semaphore(%arg18 : memref<!tpu.dma_semaphore, #tpu.memory_space<semaphore_mem>>) src(%dma_wait3A_106 : memref<1000000x64xf32, #tpu.memory_space<hbm>>) dst(%arg10 : memref<120x64xf32, #tpu.memory_space<vmem>>)
    %dma_wait3A_107 = arith.constant 1 : i32
    %dma_wait3A_108 = arith.constant 0 : i32
    %dma_wait3A_109 = tpu.memref_slice %arg7[%dma_wait3A_107, %dma_wait3A_108] : memref<128x80xi32, #tpu.memory_space<vmem>> -> memref<1x80xi32, #tpu.memory_space<vmem>>
    %dma_wait3A_110 = tpu.memref_squeeze %dma_wait3A_109 : memref<1x80xi32, #tpu.memory_space<vmem>> -> memref<80xi32, #tpu.memory_space<vmem>>
    %dma_wait3A_111 = arith.constant 0 : i32
    %dma_wait3A_112 = arith.constant 0 : i32
    %dma_wait3A_113 = tpu.memref_slice %arg3[%dma_wait3A_111, %dma_wait3A_112] : memref<1000000x64xf32, #tpu.memory_space<hbm>> -> memref<1000000x64xf32, #tpu.memory_space<hbm>>
    tpu.wait_indirect_dma semaphore(%arg22 : memref<!tpu.dma_semaphore, #tpu.memory_space<semaphore_mem>>) src(%dma_wait3A_113 : memref<1000000x64xf32, #tpu.memory_space<hbm>>) dst(%arg14 : memref<80x64xf32, #tpu.memory_space<vmem>>)
    %scan3A_114 = arith.constant 0 : i32
    %scan3A_115 = arith.constant 0 : i32
    %scan3A_116 = arith.constant 120 : i32
    %scan3A_117 = arith.addi %scan3A_115, %scan3A_116 : i32
    %scan3A_118 = arith.constant 1 : i32
    scf.for %scan3A_310 = %scan3A_115 to %scan3A_117 step %scan3A_118  : i32 {
      %get3A = arith.index_cast %scan3A_310 : i32 to index
      %get3A_311 = arith.constant 0 : index
      %get3A_312 = tpu.vector_load %arg10[%get3A, %get3A_311] {strides = array<i32>} : memref<120x64xf32, #tpu.memory_space<vmem>>, vector<1x16xf32>,
      %get3A_313 = vector.shape_cast %get3A_312 : vector<1x16xf32> to vector<16xf32>
      %get3A_314 = arith.index_cast %scan3A_310 : i32 to index
      %get3A_315 = arith.constant 0 : index
      %get3A_316 = tpu.vector_load %arg8[%get3A_314, %get3A_315] {strides = array<i32>} : memref<200x64xf32, #tpu.memory_space<vmem>>, vector<1x16xf32>,
      %get3A_317 = vector.shape_cast %get3A_316 : vector<1x16xf32> to vector<16xf32>
      %add3A_318 = arith.addf %get3A_313, %get3A_317 : vector<16xf32>
      %swap3A = arith.index_cast %scan3A_310 : i32 to index
      %swap3A_319 = arith.constant 0 : index
      %swap3A_320 = tpu.vector_load %arg10[%swap3A, %swap3A_319] {strides = array<i32>} : memref<120x64xf32, #tpu.memory_space<vmem>>, vector<1x16xf32>,
      %swap3A_321 = vector.shape_cast %swap3A_320 : vector<1x16xf32> to vector<16xf32>
      %swap3A_322 = vector.shape_cast %add3A_318 : vector<16xf32> to vector<1x16xf32>
      tpu.vector_store %arg10[%swap3A, %swap3A_319], %swap3A_322 {strides = array<i32>} : memref<120x64xf32, #tpu.memory_space<vmem>>, vector<1x16xf32>,
      %get3A_323 = arith.index_cast %scan3A_310 : i32 to index
      %get3A_324 = arith.constant 16 : index
      %get3A_325 = tpu.vector_load %arg10[%get3A_323, %get3A_324] {strides = array<i32>} : memref<120x64xf32, #tpu.memory_space<vmem>>, vector<1x16xf32>,
      %get3A_326 = vector.shape_cast %get3A_325 : vector<1x16xf32> to vector<16xf32>
      %get3A_327 = arith.index_cast %scan3A_310 : i32 to index
      %get3A_328 = arith.constant 16 : index
      %get3A_329 = tpu.vector_load %arg8[%get3A_327, %get3A_328] {strides = array<i32>} : memref<200x64xf32, #tpu.memory_space<vmem>>, vector<1x16xf32>,
      %get3A_330 = vector.shape_cast %get3A_329 : vector<1x16xf32> to vector<16xf32>
      %add3A_331 = arith.addf %get3A_326, %get3A_330 : vector<16xf32>
      %swap3A_332 = arith.index_cast %scan3A_310 : i32 to index
      %swap3A_333 = arith.constant 16 : index
      %swap3A_334 = tpu.vector_load %arg10[%swap3A_332, %swap3A_333] {strides = array<i32>} : memref<120x64xf32, #tpu.memory_space<vmem>>, vector<1x16xf32>,
      %swap3A_335 = vector.shape_cast %swap3A_334 : vector<1x16xf32> to vector<16xf32>
      %swap3A_336 = vector.shape_cast %add3A_331 : vector<16xf32> to vector<1x16xf32>
      tpu.vector_store %arg10[%swap3A_332, %swap3A_333], %swap3A_336 {strides = array<i32>} : memref<120x64xf32, #tpu.memory_space<vmem>>, vector<1x16xf32>,
      %get3A_337 = arith.index_cast %scan3A_310 : i32 to index
      %get3A_338 = arith.constant 32 : index
      %get3A_339 = tpu.vector_load %arg10[%get3A_337, %get3A_338] {strides = array<i32>} : memref<120x64xf32, #tpu.memory_space<vmem>>, vector<1x16xf32>,
      %get3A_340 = vector.shape_cast %get3A_339 : vector<1x16xf32> to vector<16xf32>
      %get3A_341 = arith.index_cast %scan3A_310 : i32 to index
      %get3A_342 = arith.constant 32 : index
      %get3A_343 = tpu.vector_load %arg8[%get3A_341, %get3A_342] {strides = array<i32>} : memref<200x64xf32, #tpu.memory_space<vmem>>, vector<1x16xf32>,
      %get3A_344 = vector.shape_cast %get3A_343 : vector<1x16xf32> to vector<16xf32>
      %add3A_345 = arith.addf %get3A_340, %get3A_344 : vector<16xf32>
      %swap3A_346 = arith.index_cast %scan3A_310 : i32 to index
      %swap3A_347 = arith.constant 32 : index
      %swap3A_348 = tpu.vector_load %arg10[%swap3A_346, %swap3A_347] {strides = array<i32>} : memref<120x64xf32, #tpu.memory_space<vmem>>, vector<1x16xf32>,
      %swap3A_349 = vector.shape_cast %swap3A_348 : vector<1x16xf32> to vector<16xf32>
      %swap3A_350 = vector.shape_cast %add3A_345 : vector<16xf32> to vector<1x16xf32>
      tpu.vector_store %arg10[%swap3A_346, %swap3A_347], %swap3A_350 {strides = array<i32>} : memref<120x64xf32, #tpu.memory_space<vmem>>, vector<1x16xf32>,
      %get3A_351 = arith.index_cast %scan3A_310 : i32 to index
      %get3A_352 = arith.constant 48 : index
      %get3A_353 = tpu.vector_load %arg10[%get3A_351, %get3A_352] {strides = array<i32>} : memref<120x64xf32, #tpu.memory_space<vmem>>, vector<1x16xf32>,
      %get3A_354 = vector.shape_cast %get3A_353 : vector<1x16xf32> to vector<16xf32>
      %get3A_355 = arith.index_cast %scan3A_310 : i32 to index
      %get3A_356 = arith.constant 48 : index
      %get3A_357 = tpu.vector_load %arg8[%get3A_355, %get3A_356] {strides = array<i32>} : memref<200x64xf32, #tpu.memory_space<vmem>>, vector<1x16xf32>,
      %get3A_358 = vector.shape_cast %get3A_357 : vector<1x16xf32> to vector<16xf32>
      %add3A_359 = arith.addf %get3A_354, %get3A_358 : vector<16xf32>
      %swap3A_360 = arith.index_cast %scan3A_310 : i32 to index
      %swap3A_361 = arith.constant 48 : index
      %swap3A_362 = tpu.vector_load %arg10[%swap3A_360, %swap3A_361] {strides = array<i32>} : memref<120x64xf32, #tpu.memory_space<vmem>>, vector<1x16xf32>,
      %swap3A_363 = vector.shape_cast %swap3A_362 : vector<1x16xf32> to vector<16xf32>
      %swap3A_364 = vector.shape_cast %add3A_359 : vector<16xf32> to vector<1x16xf32>
      tpu.vector_store %arg10[%swap3A_360, %swap3A_361], %swap3A_364 {strides = array<i32>} : memref<120x64xf32, #tpu.memory_space<vmem>>, vector<1x16xf32>,
    }
    %scan3A_119 = arith.constant 120 : i32
    %scan3A_120 = arith.constant 0 : i32
    %scan3A_121 = arith.constant 0 : i32
    %scan3A_122 = arith.constant 80 : i32
    %scan3A_123 = arith.addi %scan3A_121, %scan3A_122 : i32
    %scan3A_124 = arith.constant 1 : i32
    scf.for %scan3A_310 = %scan3A_121 to %scan3A_123 step %scan3A_124  : i32 {
      %get3A = arith.index_cast %scan3A_310 : i32 to index
      %get3A_311 = arith.constant 0 : index
      %get3A_312 = tpu.vector_load %arg14[%get3A, %get3A_311] {strides = array<i32>} : memref<80x64xf32, #tpu.memory_space<vmem>>, vector<1x16xf32>,
      %get3A_313 = vector.shape_cast %get3A_312 : vector<1x16xf32> to vector<16xf32>
      %add3A_314 = arith.constant 120 : i32
      %add3A_315 = arith.addi %add3A_314, %scan3A_310 : i32
      %get3A_316 = arith.index_cast %add3A_315 : i32 to index
      %get3A_317 = arith.constant 0 : index
      %get3A_318 = tpu.vector_load %arg8[%get3A_316, %get3A_317] {strides = array<i32>} : memref<200x64xf32, #tpu.memory_space<vmem>>, vector<1x16xf32>,
      %get3A_319 = vector.shape_cast %get3A_318 : vector<1x16xf32> to vector<16xf32>
      %add3A_320 = arith.addf %get3A_313, %get3A_319 : vector<16xf32>
      %swap3A = arith.index_cast %scan3A_310 : i32 to index
      %swap3A_321 = arith.constant 0 : index
      %swap3A_322 = tpu.vector_load %arg14[%swap3A, %swap3A_321] {strides = array<i32>} : memref<80x64xf32, #tpu.memory_space<vmem>>, vector<1x16xf32>,
      %swap3A_323 = vector.shape_cast %swap3A_322 : vector<1x16xf32> to vector<16xf32>
      %swap3A_324 = vector.shape_cast %add3A_320 : vector<16xf32> to vector<1x16xf32>
      tpu.vector_store %arg14[%swap3A, %swap3A_321], %swap3A_324 {strides = array<i32>} : memref<80x64xf32, #tpu.memory_space<vmem>>, vector<1x16xf32>,
      %get3A_325 = arith.index_cast %scan3A_310 : i32 to index
      %get3A_326 = arith.constant 16 : index
      %get3A_327 = tpu.vector_load %arg14[%get3A_325, %get3A_326] {strides = array<i32>} : memref<80x64xf32, #tpu.memory_space<vmem>>, vector<1x16xf32>,
      %get3A_328 = vector.shape_cast %get3A_327 : vector<1x16xf32> to vector<16xf32>
      %add3A_329 = arith.constant 120 : i32
      %add3A_330 = arith.addi %add3A_329, %scan3A_310 : i32
      %get3A_331 = arith.index_cast %add3A_330 : i32 to index
      %get3A_332 = arith.constant 16 : index
      %get3A_333 = tpu.vector_load %arg8[%get3A_331, %get3A_332] {strides = array<i32>} : memref<200x64xf32, #tpu.memory_space<vmem>>, vector<1x16xf32>,
      %get3A_334 = vector.shape_cast %get3A_333 : vector<1x16xf32> to vector<16xf32>
      %add3A_335 = arith.addf %get3A_328, %get3A_334 : vector<16xf32>
      %swap3A_336 = arith.index_cast %scan3A_310 : i32 to index
      %swap3A_337 = arith.constant 16 : index
      %swap3A_338 = tpu.vector_load %arg14[%swap3A_336, %swap3A_337] {strides = array<i32>} : memref<80x64xf32, #tpu.memory_space<vmem>>, vector<1x16xf32>,
      %swap3A_339 = vector.shape_cast %swap3A_338 : vector<1x16xf32> to vector<16xf32>
      %swap3A_340 = vector.shape_cast %add3A_335 : vector<16xf32> to vector<1x16xf32>
      tpu.vector_store %arg14[%swap3A_336, %swap3A_337], %swap3A_340 {strides = array<i32>} : memref<80x64xf32, #tpu.memory_space<vmem>>, vector<1x16xf32>,
      %get3A_341 = arith.index_cast %scan3A_310 : i32 to index
      %get3A_342 = arith.constant 32 : index
      %get3A_343 = tpu.vector_load %arg14[%get3A_341, %get3A_342] {strides = array<i32>} : memref<80x64xf32, #tpu.memory_space<vmem>>, vector<1x16xf32>,
      %get3A_344 = vector.shape_cast %get3A_343 : vector<1x16xf32> to vector<16xf32>
      %add3A_345 = arith.constant 120 : i32
      %add3A_346 = arith.addi %add3A_345, %scan3A_310 : i32
      %get3A_347 = arith.index_cast %add3A_346 : i32 to index
      %get3A_348 = arith.constant 32 : index
      %get3A_349 = tpu.vector_load %arg8[%get3A_347, %get3A_348] {strides = array<i32>} : memref<200x64xf32, #tpu.memory_space<vmem>>, vector<1x16xf32>,
      %get3A_350 = vector.shape_cast %get3A_349 : vector<1x16xf32> to vector<16xf32>
      %add3A_351 = arith.addf %get3A_344, %get3A_350 : vector<16xf32>
      %swap3A_352 = arith.index_cast %scan3A_310 : i32 to index
      %swap3A_353 = arith.constant 32 : index
      %swap3A_354 = tpu.vector_load %arg14[%swap3A_352, %swap3A_353] {strides = array<i32>} : memref<80x64xf32, #tpu.memory_space<vmem>>, vector<1x16xf32>,
      %swap3A_355 = vector.shape_cast %swap3A_354 : vector<1x16xf32> to vector<16xf32>
      %swap3A_356 = vector.shape_cast %add3A_351 : vector<16xf32> to vector<1x16xf32>
      tpu.vector_store %arg14[%swap3A_352, %swap3A_353], %swap3A_356 {strides = array<i32>} : memref<80x64xf32, #tpu.memory_space<vmem>>, vector<1x16xf32>,
      %get3A_357 = arith.index_cast %scan3A_310 : i32 to index
      %get3A_358 = arith.constant 48 : index
      %get3A_359 = tpu.vector_load %arg14[%get3A_357, %get3A_358] {strides = array<i32>} : memref<80x64xf32, #tpu.memory_space<vmem>>, vector<1x16xf32>,
      %get3A_360 = vector.shape_cast %get3A_359 : vector<1x16xf32> to vector<16xf32>
      %add3A_361 = arith.constant 120 : i32
      %add3A_362 = arith.addi %add3A_361, %scan3A_310 : i32
      %get3A_363 = arith.index_cast %add3A_362 : i32 to index
      %get3A_364 = arith.constant 48 : index
      %get3A_365 = tpu.vector_load %arg8[%get3A_363, %get3A_364] {strides = array<i32>} : memref<200x64xf32, #tpu.memory_space<vmem>>, vector<1x16xf32>,
      %get3A_366 = vector.shape_cast %get3A_365 : vector<1x16xf32> to vector<16xf32>
      %add3A_367 = arith.addf %get3A_360, %get3A_366 : vector<16xf32>
      %swap3A_368 = arith.index_cast %scan3A_310 : i32 to index
      %swap3A_369 = arith.constant 48 : index
      %swap3A_370 = tpu.vector_load %arg14[%swap3A_368, %swap3A_369] {strides = array<i32>} : memref<80x64xf32, #tpu.memory_space<vmem>>, vector<1x16xf32>,
      %swap3A_371 = vector.shape_cast %swap3A_370 : vector<1x16xf32> to vector<16xf32>
      %swap3A_372 = vector.shape_cast %add3A_367 : vector<16xf32> to vector<1x16xf32>
      tpu.vector_store %arg14[%swap3A_368, %swap3A_369], %swap3A_372 {strides = array<i32>} : memref<80x64xf32, #tpu.memory_space<vmem>>, vector<1x16xf32>,
    }
    %scan3A_125 = arith.constant 80 : i32
    %add3A_126 = arith.constant 1 : i32
    %add3A_127 = arith.addi %mul3A_2, %add3A_126 : i32
    %dma_start3A_128 = arith.constant 0 : i32
    %dma_start3A_129 = arith.constant 0 : i32
    %dma_start3A_130 = tpu.memref_slice %arg5[%add3A_127, %dma_start3A_128, %dma_start3A_129] : memref<4096x200x64xf32, #tpu.memory_space<hbm>> -> memref<1x120x64xf32, #tpu.memory_space<hbm>>
    %dma_start3A_131 = tpu.memref_squeeze %dma_start3A_130 : memref<1x120x64xf32, #tpu.memory_space<hbm>> -> memref<120x64xf32, #tpu.memory_space<hbm>>
    %dma_start3A_132 = arith.constant 0 : i32
    %dma_start3A_133 = arith.constant 0 : i32
    %dma_start3A_134 = tpu.memref_slice %arg5[%add3A_127, %dma_start3A_132, %dma_start3A_133] : memref<4096x200x64xf32, #tpu.memory_space<hbm>> -> memref<1x120x64xf32, #tpu.memory_space<hbm>>
    %dma_start3A_135 = tpu.memref_squeeze %dma_start3A_134 : memref<1x120x64xf32, #tpu.memory_space<hbm>> -> memref<120x64xf32, #tpu.memory_space<hbm>>
    tpu.enqueue_dma source(%arg10 : memref<120x64xf32, #tpu.memory_space<vmem>>) target(%dma_start3A_135 : memref<120x64xf32, #tpu.memory_space<hbm>>) target_semaphore(%arg26 : memref<!tpu.dma_semaphore, #tpu.memory_space<semaphore_mem>>)
    %dma_start3A_136 = arith.constant 120 : i32
    %dma_start3A_137 = arith.constant 0 : i32
    %dma_start3A_138 = tpu.memref_slice %arg5[%add3A_127, %dma_start3A_136, %dma_start3A_137] : memref<4096x200x64xf32, #tpu.memory_space<hbm>> -> memref<1x80x64xf32, #tpu.memory_space<hbm>>
    %dma_start3A_139 = tpu.memref_squeeze %dma_start3A_138 : memref<1x80x64xf32, #tpu.memory_space<hbm>> -> memref<80x64xf32, #tpu.memory_space<hbm>>
    %dma_start3A_140 = arith.constant 120 : i32
    %dma_start3A_141 = arith.constant 0 : i32
    %dma_start3A_142 = tpu.memref_slice %arg5[%add3A_127, %dma_start3A_140, %dma_start3A_141] : memref<4096x200x64xf32, #tpu.memory_space<hbm>> -> memref<1x80x64xf32, #tpu.memory_space<hbm>>
    %dma_start3A_143 = tpu.memref_squeeze %dma_start3A_142 : memref<1x80x64xf32, #tpu.memory_space<hbm>> -> memref<80x64xf32, #tpu.memory_space<hbm>>
    tpu.enqueue_dma source(%arg14 : memref<80x64xf32, #tpu.memory_space<vmem>>) target(%dma_start3A_143 : memref<80x64xf32, #tpu.memory_space<hbm>>) target_semaphore(%arg30 : memref<!tpu.dma_semaphore, #tpu.memory_space<semaphore_mem>>)
    %scan3A_144 = arith.constant 0 : i32
    %scan3A_145 = arith.constant 0 : i32
    %scan3A_146 = arith.constant 31 : i32
    %scan3A_147 = arith.addi %scan3A_145, %scan3A_146 : i32
    %scan3A_148 = arith.constant 1 : i32
    scf.for %scan3A_310 = %scan3A_145 to %scan3A_147 step %scan3A_148  : i32 {
      %mul3A_311 = arith.constant 4 : i32
      %mul3A_312 = arith.muli %scan3A_310, %mul3A_311 : i32
      %add3A_313 = arith.constant 2 : i32
      %add3A_314 = arith.addi %add3A_313, %mul3A_312 : i32
      %add3A_315 = arith.constant 0 : i32
      %add3A_316 = arith.addi %add3A_314, %add3A_315 : i32
      %sub3A = arith.constant 2 : i32
      %sub3A_317 = arith.subi %add3A_316, %sub3A : i32
      %add3A_318 = arith.addi %mul3A_2, %sub3A_317 : i32
      %dma_wait3A_319 = arith.constant 0 : i32
      %dma_wait3A_320 = arith.constant 0 : i32
      %dma_wait3A_321 = tpu.memref_slice %arg5[%add3A_318, %dma_wait3A_319, %dma_wait3A_320] : memref<4096x200x64xf32, #tpu.memory_space<hbm>> -> memref<1x120x64xf32, #tpu.memory_space<hbm>>
      %dma_wait3A_322 = tpu.memref_squeeze %dma_wait3A_321 : memref<1x120x64xf32, #tpu.memory_space<hbm>> -> memref<120x64xf32, #tpu.memory_space<hbm>>
      %dma_wait3A_323 = arith.constant 0 : i32
      %dma_wait3A_324 = arith.constant 0 : i32
      %dma_wait3A_325 = tpu.memref_slice %arg5[%add3A_318, %dma_wait3A_323, %dma_wait3A_324] : memref<4096x200x64xf32, #tpu.memory_space<hbm>> -> memref<1x120x64xf32, #tpu.memory_space<hbm>>
      %dma_wait3A_326 = tpu.memref_squeeze %dma_wait3A_325 : memref<1x120x64xf32, #tpu.memory_space<hbm>> -> memref<120x64xf32, #tpu.memory_space<hbm>>
      tpu.wait_dma2 semaphore(%arg25 : memref<!tpu.dma_semaphore, #tpu.memory_space<semaphore_mem>>) src(%arg9 : memref<120x64xf32, #tpu.memory_space<vmem>>) dst(%dma_wait3A_326 : memref<120x64xf32, #tpu.memory_space<hbm>>)
      %dma_wait3A_327 = arith.constant 120 : i32
      %dma_wait3A_328 = arith.constant 0 : i32
      %dma_wait3A_329 = tpu.memref_slice %arg5[%add3A_318, %dma_wait3A_327, %dma_wait3A_328] : memref<4096x200x64xf32, #tpu.memory_space<hbm>> -> memref<1x80x64xf32, #tpu.memory_space<hbm>>
      %dma_wait3A_330 = tpu.memref_squeeze %dma_wait3A_329 : memref<1x80x64xf32, #tpu.memory_space<hbm>> -> memref<80x64xf32, #tpu.memory_space<hbm>>
      %dma_wait3A_331 = arith.constant 120 : i32
      %dma_wait3A_332 = arith.constant 0 : i32
      %dma_wait3A_333 = tpu.memref_slice %arg5[%add3A_318, %dma_wait3A_331, %dma_wait3A_332] : memref<4096x200x64xf32, #tpu.memory_space<hbm>> -> memref<1x80x64xf32, #tpu.memory_space<hbm>>
      %dma_wait3A_334 = tpu.memref_squeeze %dma_wait3A_333 : memref<1x80x64xf32, #tpu.memory_space<hbm>> -> memref<80x64xf32, #tpu.memory_space<hbm>>
      tpu.wait_dma2 semaphore(%arg29 : memref<!tpu.dma_semaphore, #tpu.memory_space<semaphore_mem>>) src(%arg13 : memref<80x64xf32, #tpu.memory_space<vmem>>) dst(%dma_wait3A_334 : memref<80x64xf32, #tpu.memory_space<hbm>>)
      %add3A_335 = arith.constant 2 : i32
      %add3A_336 = arith.addi %add3A_316, %add3A_335 : i32
      %dma_start3A_337 = arith.constant 0 : i32
      %dma_start3A_338 = tpu.memref_slice %arg6[%add3A_336, %dma_start3A_337] : memref<128x120xi32, #tpu.memory_space<vmem>> -> memref<1x120xi32, #tpu.memory_space<vmem>>
      %dma_start3A_339 = tpu.memref_squeeze %dma_start3A_338 : memref<1x120xi32, #tpu.memory_space<vmem>> -> memref<120xi32, #tpu.memory_space<vmem>>
      %dma_start3A_340 = arith.constant 0 : i32
      %dma_start3A_341 = arith.constant 0 : i32
      %dma_start3A_342 = tpu.memref_slice %arg3[%dma_start3A_340, %dma_start3A_341] : memref<1000000x64xf32, #tpu.memory_space<hbm>> -> memref<1000000x64xf32, #tpu.memory_space<hbm>>
      tpu.enqueue_indirect_dma source(%dma_start3A_342 : memref<1000000x64xf32, #tpu.memory_space<hbm>>) target(%arg9 : memref<120x64xf32, #tpu.memory_space<vmem>>) offsets(%dma_start3A_339 : memref<120xi32, #tpu.memory_space<vmem>>) semaphore(%arg17 : memref<!tpu.dma_semaphore, #tpu.memory_space<semaphore_mem>>)
      %dma_start3A_343 = arith.constant 0 : i32
      %dma_start3A_344 = tpu.memref_slice %arg7[%add3A_336, %dma_start3A_343] : memref<128x80xi32, #tpu.memory_space<vmem>> -> memref<1x80xi32, #tpu.memory_space<vmem>>
      %dma_start3A_345 = tpu.memref_squeeze %dma_start3A_344 : memref<1x80xi32, #tpu.memory_space<vmem>> -> memref<80xi32, #tpu.memory_space<vmem>>
      %dma_start3A_346 = arith.constant 0 : i32
      %dma_start3A_347 = arith.constant 0 : i32
      %dma_start3A_348 = tpu.memref_slice %arg3[%dma_start3A_346, %dma_start3A_347] : memref<1000000x64xf32, #tpu.memory_space<hbm>> -> memref<1000000x64xf32, #tpu.memory_space<hbm>>
      tpu.enqueue_indirect_dma source(%dma_start3A_348 : memref<1000000x64xf32, #tpu.memory_space<hbm>>) target(%arg13 : memref<80x64xf32, #tpu.memory_space<vmem>>) offsets(%dma_start3A_345 : memref<80xi32, #tpu.memory_space<vmem>>) semaphore(%arg21 : memref<!tpu.dma_semaphore, #tpu.memory_space<semaphore_mem>>)
      %dma_wait3A_349 = arith.constant 0 : i32
      %dma_wait3A_350 = tpu.memref_slice %arg6[%add3A_316, %dma_wait3A_349] : memref<128x120xi32, #tpu.memory_space<vmem>> -> memref<1x120xi32, #tpu.memory_space<vmem>>
      %dma_wait3A_351 = tpu.memref_squeeze %dma_wait3A_350 : memref<1x120xi32, #tpu.memory_space<vmem>> -> memref<120xi32, #tpu.memory_space<vmem>>
      %dma_wait3A_352 = arith.constant 0 : i32
      %dma_wait3A_353 = arith.constant 0 : i32
      %dma_wait3A_354 = tpu.memref_slice %arg3[%dma_wait3A_352, %dma_wait3A_353] : memref<1000000x64xf32, #tpu.memory_space<hbm>> -> memref<1000000x64xf32, #tpu.memory_space<hbm>>
      tpu.wait_indirect_dma semaphore(%arg19 : memref<!tpu.dma_semaphore, #tpu.memory_space<semaphore_mem>>) src(%dma_wait3A_354 : memref<1000000x64xf32, #tpu.memory_space<hbm>>) dst(%arg11 : memref<120x64xf32, #tpu.memory_space<vmem>>)
      %dma_wait3A_355 = arith.constant 0 : i32
      %dma_wait3A_356 = tpu.memref_slice %arg7[%add3A_316, %dma_wait3A_355] : memref<128x80xi32, #tpu.memory_space<vmem>> -> memref<1x80xi32, #tpu.memory_space<vmem>>
      %dma_wait3A_357 = tpu.memref_squeeze %dma_wait3A_356 : memref<1x80xi32, #tpu.memory_space<vmem>> -> memref<80xi32, #tpu.memory_space<vmem>>
      %dma_wait3A_358 = arith.constant 0 : i32
      %dma_wait3A_359 = arith.constant 0 : i32
      %dma_wait3A_360 = tpu.memref_slice %arg3[%dma_wait3A_358, %dma_wait3A_359] : memref<1000000x64xf32, #tpu.memory_space<hbm>> -> memref<1000000x64xf32, #tpu.memory_space<hbm>>
      tpu.wait_indirect_dma semaphore(%arg23 : memref<!tpu.dma_semaphore, #tpu.memory_space<semaphore_mem>>) src(%dma_wait3A_360 : memref<1000000x64xf32, #tpu.memory_space<hbm>>) dst(%arg15 : memref<80x64xf32, #tpu.memory_space<vmem>>)
      %scan3A_361 = arith.constant 0 : i32
      %scan3A_362 = arith.constant 0 : i32
      %scan3A_363 = arith.constant 120 : i32
      %scan3A_364 = arith.addi %scan3A_362, %scan3A_363 : i32
      %scan3A_365 = arith.constant 1 : i32
      scf.for %scan3A_630 = %scan3A_362 to %scan3A_364 step %scan3A_365  : i32 {
        %get3A = arith.index_cast %scan3A_630 : i32 to index
        %get3A_631 = arith.constant 0 : index
        %get3A_632 = tpu.vector_load %arg11[%get3A, %get3A_631] {strides = array<i32>} : memref<120x64xf32, #tpu.memory_space<vmem>>, vector<1x16xf32>,
        %get3A_633 = vector.shape_cast %get3A_632 : vector<1x16xf32> to vector<16xf32>
        %get3A_634 = arith.index_cast %scan3A_630 : i32 to index
        %get3A_635 = arith.constant 0 : index
        %get3A_636 = tpu.vector_load %arg8[%get3A_634, %get3A_635] {strides = array<i32>} : memref<200x64xf32, #tpu.memory_space<vmem>>, vector<1x16xf32>,
        %get3A_637 = vector.shape_cast %get3A_636 : vector<1x16xf32> to vector<16xf32>
        %add3A_638 = arith.addf %get3A_633, %get3A_637 : vector<16xf32>
        %swap3A = arith.index_cast %scan3A_630 : i32 to index
        %swap3A_639 = arith.constant 0 : index
        %swap3A_640 = tpu.vector_load %arg11[%swap3A, %swap3A_639] {strides = array<i32>} : memref<120x64xf32, #tpu.memory_space<vmem>>, vector<1x16xf32>,
        %swap3A_641 = vector.shape_cast %swap3A_640 : vector<1x16xf32> to vector<16xf32>
        %swap3A_642 = vector.shape_cast %add3A_638 : vector<16xf32> to vector<1x16xf32>
        tpu.vector_store %arg11[%swap3A, %swap3A_639], %swap3A_642 {strides = array<i32>} : memref<120x64xf32, #tpu.memory_space<vmem>>, vector<1x16xf32>,
        %get3A_643 = arith.index_cast %scan3A_630 : i32 to index
        %get3A_644 = arith.constant 16 : index
        %get3A_645 = tpu.vector_load %arg11[%get3A_643, %get3A_644] {strides = array<i32>} : memref<120x64xf32, #tpu.memory_space<vmem>>, vector<1x16xf32>,
        %get3A_646 = vector.shape_cast %get3A_645 : vector<1x16xf32> to vector<16xf32>
        %get3A_647 = arith.index_cast %scan3A_630 : i32 to index
        %get3A_648 = arith.constant 16 : index
        %get3A_649 = tpu.vector_load %arg8[%get3A_647, %get3A_648] {strides = array<i32>} : memref<200x64xf32, #tpu.memory_space<vmem>>, vector<1x16xf32>,
        %get3A_650 = vector.shape_cast %get3A_649 : vector<1x16xf32> to vector<16xf32>
        %add3A_651 = arith.addf %get3A_646, %get3A_650 : vector<16xf32>
        %swap3A_652 = arith.index_cast %scan3A_630 : i32 to index
        %swap3A_653 = arith.constant 16 : index
        %swap3A_654 = tpu.vector_load %arg11[%swap3A_652, %swap3A_653] {strides = array<i32>} : memref<120x64xf32, #tpu.memory_space<vmem>>, vector<1x16xf32>,
        %swap3A_655 = vector.shape_cast %swap3A_654 : vector<1x16xf32> to vector<16xf32>
        %swap3A_656 = vector.shape_cast %add3A_651 : vector<16xf32> to vector<1x16xf32>
        tpu.vector_store %arg11[%swap3A_652, %swap3A_653], %swap3A_656 {strides = array<i32>} : memref<120x64xf32, #tpu.memory_space<vmem>>, vector<1x16xf32>,
        %get3A_657 = arith.index_cast %scan3A_630 : i32 to index
        %get3A_658 = arith.constant 32 : index
        %get3A_659 = tpu.vector_load %arg11[%get3A_657, %get3A_658] {strides = array<i32>} : memref<120x64xf32, #tpu.memory_space<vmem>>, vector<1x16xf32>,
        %get3A_660 = vector.shape_cast %get3A_659 : vector<1x16xf32> to vector<16xf32>
        %get3A_661 = arith.index_cast %scan3A_630 : i32 to index
        %get3A_662 = arith.constant 32 : index
        %get3A_663 = tpu.vector_load %arg8[%get3A_661, %get3A_662] {strides = array<i32>} : memref<200x64xf32, #tpu.memory_space<vmem>>, vector<1x16xf32>,
        %get3A_664 = vector.shape_cast %get3A_663 : vector<1x16xf32> to vector<16xf32>
        %add3A_665 = arith.addf %get3A_660, %get3A_664 : vector<16xf32>
        %swap3A_666 = arith.index_cast %scan3A_630 : i32 to index
        %swap3A_667 = arith.constant 32 : index
        %swap3A_668 = tpu.vector_load %arg11[%swap3A_666, %swap3A_667] {strides = array<i32>} : memref<120x64xf32, #tpu.memory_space<vmem>>, vector<1x16xf32>,
        %swap3A_669 = vector.shape_cast %swap3A_668 : vector<1x16xf32> to vector<16xf32>
        %swap3A_670 = vector.shape_cast %add3A_665 : vector<16xf32> to vector<1x16xf32>
        tpu.vector_store %arg11[%swap3A_666, %swap3A_667], %swap3A_670 {strides = array<i32>} : memref<120x64xf32, #tpu.memory_space<vmem>>, vector<1x16xf32>,
        %get3A_671 = arith.index_cast %scan3A_630 : i32 to index
        %get3A_672 = arith.constant 48 : index
        %get3A_673 = tpu.vector_load %arg11[%get3A_671, %get3A_672] {strides = array<i32>} : memref<120x64xf32, #tpu.memory_space<vmem>>, vector<1x16xf32>,
        %get3A_674 = vector.shape_cast %get3A_673 : vector<1x16xf32> to vector<16xf32>
        %get3A_675 = arith.index_cast %scan3A_630 : i32 to index
        %get3A_676 = arith.constant 48 : index
        %get3A_677 = tpu.vector_load %arg8[%get3A_675, %get3A_676] {strides = array<i32>} : memref<200x64xf32, #tpu.memory_space<vmem>>, vector<1x16xf32>,
        %get3A_678 = vector.shape_cast %get3A_677 : vector<1x16xf32> to vector<16xf32>
        %add3A_679 = arith.addf %get3A_674, %get3A_678 : vector<16xf32>
        %swap3A_680 = arith.index_cast %scan3A_630 : i32 to index
        %swap3A_681 = arith.constant 48 : index
        %swap3A_682 = tpu.vector_load %arg11[%swap3A_680, %swap3A_681] {strides = array<i32>} : memref<120x64xf32, #tpu.memory_space<vmem>>, vector<1x16xf32>,
        %swap3A_683 = vector.shape_cast %swap3A_682 : vector<1x16xf32> to vector<16xf32>
        %swap3A_684 = vector.shape_cast %add3A_679 : vector<16xf32> to vector<1x16xf32>
        tpu.vector_store %arg11[%swap3A_680, %swap3A_681], %swap3A_684 {strides = array<i32>} : memref<120x64xf32, #tpu.memory_space<vmem>>, vector<1x16xf32>,
      }
      %scan3A_366 = arith.constant 120 : i32
      %scan3A_367 = arith.constant 0 : i32
      %scan3A_368 = arith.constant 0 : i32
      %scan3A_369 = arith.constant 80 : i32
      %scan3A_370 = arith.addi %scan3A_368, %scan3A_369 : i32
      %scan3A_371 = arith.constant 1 : i32
      scf.for %scan3A_630 = %scan3A_368 to %scan3A_370 step %scan3A_371  : i32 {
        %get3A = arith.index_cast %scan3A_630 : i32 to index
        %get3A_631 = arith.constant 0 : index
        %get3A_632 = tpu.vector_load %arg15[%get3A, %get3A_631] {strides = array<i32>} : memref<80x64xf32, #tpu.memory_space<vmem>>, vector<1x16xf32>,
        %get3A_633 = vector.shape_cast %get3A_632 : vector<1x16xf32> to vector<16xf32>
        %add3A_634 = arith.constant 120 : i32
        %add3A_635 = arith.addi %add3A_634, %scan3A_630 : i32
        %get3A_636 = arith.index_cast %add3A_635 : i32 to index
        %get3A_637 = arith.constant 0 : index
        %get3A_638 = tpu.vector_load %arg8[%get3A_636, %get3A_637] {strides = array<i32>} : memref<200x64xf32, #tpu.memory_space<vmem>>, vector<1x16xf32>,
        %get3A_639 = vector.shape_cast %get3A_638 : vector<1x16xf32> to vector<16xf32>
        %add3A_640 = arith.addf %get3A_633, %get3A_639 : vector<16xf32>
        %swap3A = arith.index_cast %scan3A_630 : i32 to index
        %swap3A_641 = arith.constant 0 : index
        %swap3A_642 = tpu.vector_load %arg15[%swap3A, %swap3A_641] {strides = array<i32>} : memref<80x64xf32, #tpu.memory_space<vmem>>, vector<1x16xf32>,
        %swap3A_643 = vector.shape_cast %swap3A_642 : vector<1x16xf32> to vector<16xf32>
        %swap3A_644 = vector.shape_cast %add3A_640 : vector<16xf32> to vector<1x16xf32>
        tpu.vector_store %arg15[%swap3A, %swap3A_641], %swap3A_644 {strides = array<i32>} : memref<80x64xf32, #tpu.memory_space<vmem>>, vector<1x16xf32>,
        %get3A_645 = arith.index_cast %scan3A_630 : i32 to index
        %get3A_646 = arith.constant 16 : index
        %get3A_647 = tpu.vector_load %arg15[%get3A_645, %get3A_646] {strides = array<i32>} : memref<80x64xf32, #tpu.memory_space<vmem>>, vector<1x16xf32>,
        %get3A_648 = vector.shape_cast %get3A_647 : vector<1x16xf32> to vector<16xf32>
        %add3A_649 = arith.constant 120 : i32
        %add3A_650 = arith.addi %add3A_649, %scan3A_630 : i32
        %get3A_651 = arith.index_cast %add3A_650 : i32 to index
        %get3A_652 = arith.constant 16 : index
        %get3A_653 = tpu.vector_load %arg8[%get3A_651, %get3A_652] {strides = array<i32>} : memref<200x64xf32, #tpu.memory_space<vmem>>, vector<1x16xf32>,
        %get3A_654 = vector.shape_cast %get3A_653 : vector<1x16xf32> to vector<16xf32>
        %add3A_655 = arith.addf %get3A_648, %get3A_654 : vector<16xf32>
        %swap3A_656 = arith.index_cast %scan3A_630 : i32 to index
        %swap3A_657 = arith.constant 16 : index
        %swap3A_658 = tpu.vector_load %arg15[%swap3A_656, %swap3A_657] {strides = array<i32>} : memref<80x64xf32, #tpu.memory_space<vmem>>, vector<1x16xf32>,
        %swap3A_659 = vector.shape_cast %swap3A_658 : vector<1x16xf32> to vector<16xf32>
        %swap3A_660 = vector.shape_cast %add3A_655 : vector<16xf32> to vector<1x16xf32>
        tpu.vector_store %arg15[%swap3A_656, %swap3A_657], %swap3A_660 {strides = array<i32>} : memref<80x64xf32, #tpu.memory_space<vmem>>, vector<1x16xf32>,
        %get3A_661 = arith.index_cast %scan3A_630 : i32 to index
        %get3A_662 = arith.constant 32 : index
        %get3A_663 = tpu.vector_load %arg15[%get3A_661, %get3A_662] {strides = array<i32>} : memref<80x64xf32, #tpu.memory_space<vmem>>, vector<1x16xf32>,
        %get3A_664 = vector.shape_cast %get3A_663 : vector<1x16xf32> to vector<16xf32>
        %add3A_665 = arith.constant 120 : i32
        %add3A_666 = arith.addi %add3A_665, %scan3A_630 : i32
        %get3A_667 = arith.index_cast %add3A_666 : i32 to index
        %get3A_668 = arith.constant 32 : index
        %get3A_669 = tpu.vector_load %arg8[%get3A_667, %get3A_668] {strides = array<i32>} : memref<200x64xf32, #tpu.memory_space<vmem>>, vector<1x16xf32>,
        %get3A_670 = vector.shape_cast %get3A_669 : vector<1x16xf32> to vector<16xf32>
        %add3A_671 = arith.addf %get3A_664, %get3A_670 : vector<16xf32>
        %swap3A_672 = arith.index_cast %scan3A_630 : i32 to index
        %swap3A_673 = arith.constant 32 : index
        %swap3A_674 = tpu.vector_load %arg15[%swap3A_672, %swap3A_673] {strides = array<i32>} : memref<80x64xf32, #tpu.memory_space<vmem>>, vector<1x16xf32>,
        %swap3A_675 = vector.shape_cast %swap3A_674 : vector<1x16xf32> to vector<16xf32>
        %swap3A_676 = vector.shape_cast %add3A_671 : vector<16xf32> to vector<1x16xf32>
        tpu.vector_store %arg15[%swap3A_672, %swap3A_673], %swap3A_676 {strides = array<i32>} : memref<80x64xf32, #tpu.memory_space<vmem>>, vector<1x16xf32>,
        %get3A_677 = arith.index_cast %scan3A_630 : i32 to index
        %get3A_678 = arith.constant 48 : index
        %get3A_679 = tpu.vector_load %arg15[%get3A_677, %get3A_678] {strides = array<i32>} : memref<80x64xf32, #tpu.memory_space<vmem>>, vector<1x16xf32>,
        %get3A_680 = vector.shape_cast %get3A_679 : vector<1x16xf32> to vector<16xf32>
        %add3A_681 = arith.constant 120 : i32
        %add3A_682 = arith.addi %add3A_681, %scan3A_630 : i32
        %get3A_683 = arith.index_cast %add3A_682 : i32 to index
        %get3A_684 = arith.constant 48 : index
        %get3A_685 = tpu.vector_load %arg8[%get3A_683, %get3A_684] {strides = array<i32>} : memref<200x64xf32, #tpu.memory_space<vmem>>, vector<1x16xf32>,
        %get3A_686 = vector.shape_cast %get3A_685 : vector<1x16xf32> to vector<16xf32>
        %add3A_687 = arith.addf %get3A_680, %get3A_686 : vector<16xf32>
        %swap3A_688 = arith.index_cast %scan3A_630 : i32 to index
        %swap3A_689 = arith.constant 48 : index
        %swap3A_690 = tpu.vector_load %arg15[%swap3A_688, %swap3A_689] {strides = array<i32>} : memref<80x64xf32, #tpu.memory_space<vmem>>, vector<1x16xf32>,
        %swap3A_691 = vector.shape_cast %swap3A_690 : vector<1x16xf32> to vector<16xf32>
        %swap3A_692 = vector.shape_cast %add3A_687 : vector<16xf32> to vector<1x16xf32>
        tpu.vector_store %arg15[%swap3A_688, %swap3A_689], %swap3A_692 {strides = array<i32>} : memref<80x64xf32, #tpu.memory_space<vmem>>, vector<1x16xf32>,
      }
      %scan3A_372 = arith.constant 80 : i32
      %add3A_373 = arith.addi %mul3A_2, %add3A_316 : i32
      %dma_start3A_374 = arith.constant 0 : i32
      %dma_start3A_375 = arith.constant 0 : i32
      %dma_start3A_376 = tpu.memref_slice %arg5[%add3A_373, %dma_start3A_374, %dma_start3A_375] : memref<4096x200x64xf32, #tpu.memory_space<hbm>> -> memref<1x120x64xf32, #tpu.memory_space<hbm>>
      %dma_start3A_377 = tpu.memref_squeeze %dma_start3A_376 : memref<1x120x64xf32, #tpu.memory_space<hbm>> -> memref<120x64xf32, #tpu.memory_space<hbm>>
      %dma_start3A_378 = arith.constant 0 : i32
      %dma_start3A_379 = arith.constant 0 : i32
      %dma_start3A_380 = tpu.memref_slice %arg5[%add3A_373, %dma_start3A_378, %dma_start3A_379] : memref<4096x200x64xf32, #tpu.memory_space<hbm>> -> memref<1x120x64xf32, #tpu.memory_space<hbm>>
      %dma_start3A_381 = tpu.memref_squeeze %dma_start3A_380 : memref<1x120x64xf32, #tpu.memory_space<hbm>> -> memref<120x64xf32, #tpu.memory_space<hbm>>
      tpu.enqueue_dma source(%arg11 : memref<120x64xf32, #tpu.memory_space<vmem>>) target(%dma_start3A_381 : memref<120x64xf32, #tpu.memory_space<hbm>>) target_semaphore(%arg27 : memref<!tpu.dma_semaphore, #tpu.memory_space<semaphore_mem>>)
      %dma_start3A_382 = arith.constant 120 : i32
      %dma_start3A_383 = arith.constant 0 : i32
      %dma_start3A_384 = tpu.memref_slice %arg5[%add3A_373, %dma_start3A_382, %dma_start3A_383] : memref<4096x200x64xf32, #tpu.memory_space<hbm>> -> memref<1x80x64xf32, #tpu.memory_space<hbm>>
      %dma_start3A_385 = tpu.memref_squeeze %dma_start3A_384 : memref<1x80x64xf32, #tpu.memory_space<hbm>> -> memref<80x64xf32, #tpu.memory_space<hbm>>
      %dma_start3A_386 = arith.constant 120 : i32
      %dma_start3A_387 = arith.constant 0 : i32
      %dma_start3A_388 = tpu.memref_slice %arg5[%add3A_373, %dma_start3A_386, %dma_start3A_387] : memref<4096x200x64xf32, #tpu.memory_space<hbm>> -> memref<1x80x64xf32, #tpu.memory_space<hbm>>
      %dma_start3A_389 = tpu.memref_squeeze %dma_start3A_388 : memref<1x80x64xf32, #tpu.memory_space<hbm>> -> memref<80x64xf32, #tpu.memory_space<hbm>>
      tpu.enqueue_dma source(%arg15 : memref<80x64xf32, #tpu.memory_space<vmem>>) target(%dma_start3A_389 : memref<80x64xf32, #tpu.memory_space<hbm>>) target_semaphore(%arg31 : memref<!tpu.dma_semaphore, #tpu.memory_space<semaphore_mem>>)
      %mul3A_390 = arith.constant 4 : i32
      %mul3A_391 = arith.muli %scan3A_310, %mul3A_390 : i32
      %add3A_392 = arith.constant 2 : i32
      %add3A_393 = arith.addi %add3A_392, %mul3A_391 : i32
      %add3A_394 = arith.constant 1 : i32
      %add3A_395 = arith.addi %add3A_393, %add3A_394 : i32
      %sub3A_396 = arith.constant 2 : i32
      %sub3A_397 = arith.subi %add3A_395, %sub3A_396 : i32
      %add3A_398 = arith.addi %mul3A_2, %sub3A_397 : i32
      %dma_wait3A_399 = arith.constant 0 : i32
      %dma_wait3A_400 = arith.constant 0 : i32
      %dma_wait3A_401 = tpu.memref_slice %arg5[%add3A_398, %dma_wait3A_399, %dma_wait3A_400] : memref<4096x200x64xf32, #tpu.memory_space<hbm>> -> memref<1x120x64xf32, #tpu.memory_space<hbm>>
      %dma_wait3A_402 = tpu.memref_squeeze %dma_wait3A_401 : memref<1x120x64xf32, #tpu.memory_space<hbm>> -> memref<120x64xf32, #tpu.memory_space<hbm>>
      %dma_wait3A_403 = arith.constant 0 : i32
      %dma_wait3A_404 = arith.constant 0 : i32
      %dma_wait3A_405 = tpu.memref_slice %arg5[%add3A_398, %dma_wait3A_403, %dma_wait3A_404] : memref<4096x200x64xf32, #tpu.memory_space<hbm>> -> memref<1x120x64xf32, #tpu.memory_space<hbm>>
      %dma_wait3A_406 = tpu.memref_squeeze %dma_wait3A_405 : memref<1x120x64xf32, #tpu.memory_space<hbm>> -> memref<120x64xf32, #tpu.memory_space<hbm>>
      tpu.wait_dma2 semaphore(%arg26 : memref<!tpu.dma_semaphore, #tpu.memory_space<semaphore_mem>>) src(%arg10 : memref<120x64xf32, #tpu.memory_space<vmem>>) dst(%dma_wait3A_406 : memref<120x64xf32, #tpu.memory_space<hbm>>)
      %dma_wait3A_407 = arith.constant 120 : i32
      %dma_wait3A_408 = arith.constant 0 : i32
      %dma_wait3A_409 = tpu.memref_slice %arg5[%add3A_398, %dma_wait3A_407, %dma_wait3A_408] : memref<4096x200x64xf32, #tpu.memory_space<hbm>> -> memref<1x80x64xf32, #tpu.memory_space<hbm>>
      %dma_wait3A_410 = tpu.memref_squeeze %dma_wait3A_409 : memref<1x80x64xf32, #tpu.memory_space<hbm>> -> memref<80x64xf32, #tpu.memory_space<hbm>>
      %dma_wait3A_411 = arith.constant 120 : i32
      %dma_wait3A_412 = arith.constant 0 : i32
      %dma_wait3A_413 = tpu.memref_slice %arg5[%add3A_398, %dma_wait3A_411, %dma_wait3A_412] : memref<4096x200x64xf32, #tpu.memory_space<hbm>> -> memref<1x80x64xf32, #tpu.memory_space<hbm>>
      %dma_wait3A_414 = tpu.memref_squeeze %dma_wait3A_413 : memref<1x80x64xf32, #tpu.memory_space<hbm>> -> memref<80x64xf32, #tpu.memory_space<hbm>>
      tpu.wait_dma2 semaphore(%arg30 : memref<!tpu.dma_semaphore, #tpu.memory_space<semaphore_mem>>) src(%arg14 : memref<80x64xf32, #tpu.memory_space<vmem>>) dst(%dma_wait3A_414 : memref<80x64xf32, #tpu.memory_space<hbm>>)
      %add3A_415 = arith.constant 2 : i32
      %add3A_416 = arith.addi %add3A_395, %add3A_415 : i32
      %dma_start3A_417 = arith.constant 0 : i32
      %dma_start3A_418 = tpu.memref_slice %arg6[%add3A_416, %dma_start3A_417] : memref<128x120xi32, #tpu.memory_space<vmem>> -> memref<1x120xi32, #tpu.memory_space<vmem>>
      %dma_start3A_419 = tpu.memref_squeeze %dma_start3A_418 : memref<1x120xi32, #tpu.memory_space<vmem>> -> memref<120xi32, #tpu.memory_space<vmem>>
      %dma_start3A_420 = arith.constant 0 : i32
      %dma_start3A_421 = arith.constant 0 : i32
      %dma_start3A_422 = tpu.memref_slice %arg3[%dma_start3A_420, %dma_start3A_421] : memref<1000000x64xf32, #tpu.memory_space<hbm>> -> memref<1000000x64xf32, #tpu.memory_space<hbm>>
      tpu.enqueue_indirect_dma source(%dma_start3A_422 : memref<1000000x64xf32, #tpu.memory_space<hbm>>) target(%arg10 : memref<120x64xf32, #tpu.memory_space<vmem>>) offsets(%dma_start3A_419 : memref<120xi32, #tpu.memory_space<vmem>>) semaphore(%arg18 : memref<!tpu.dma_semaphore, #tpu.memory_space<semaphore_mem>>)
      %dma_start3A_423 = arith.constant 0 : i32
      %dma_start3A_424 = tpu.memref_slice %arg7[%add3A_416, %dma_start3A_423] : memref<128x80xi32, #tpu.memory_space<vmem>> -> memref<1x80xi32, #tpu.memory_space<vmem>>
      %dma_start3A_425 = tpu.memref_squeeze %dma_start3A_424 : memref<1x80xi32, #tpu.memory_space<vmem>> -> memref<80xi32, #tpu.memory_space<vmem>>
      %dma_start3A_426 = arith.constant 0 : i32
      %dma_start3A_427 = arith.constant 0 : i32
      %dma_start3A_428 = tpu.memref_slice %arg3[%dma_start3A_426, %dma_start3A_427] : memref<1000000x64xf32, #tpu.memory_space<hbm>> -> memref<1000000x64xf32, #tpu.memory_space<hbm>>
      tpu.enqueue_indirect_dma source(%dma_start3A_428 : memref<1000000x64xf32, #tpu.memory_space<hbm>>) target(%arg14 : memref<80x64xf32, #tpu.memory_space<vmem>>) offsets(%dma_start3A_425 : memref<80xi32, #tpu.memory_space<vmem>>) semaphore(%arg22 : memref<!tpu.dma_semaphore, #tpu.memory_space<semaphore_mem>>)
      %dma_wait3A_429 = arith.constant 0 : i32
      %dma_wait3A_430 = tpu.memref_slice %arg6[%add3A_395, %dma_wait3A_429] : memref<128x120xi32, #tpu.memory_space<vmem>> -> memref<1x120xi32, #tpu.memory_space<vmem>>
      %dma_wait3A_431 = tpu.memref_squeeze %dma_wait3A_430 : memref<1x120xi32, #tpu.memory_space<vmem>> -> memref<120xi32, #tpu.memory_space<vmem>>
      %dma_wait3A_432 = arith.constant 0 : i32
      %dma_wait3A_433 = arith.constant 0 : i32
      %dma_wait3A_434 = tpu.memref_slice %arg3[%dma_wait3A_432, %dma_wait3A_433] : memref<1000000x64xf32, #tpu.memory_space<hbm>> -> memref<1000000x64xf32, #tpu.memory_space<hbm>>
      tpu.wait_indirect_dma semaphore(%arg20 : memref<!tpu.dma_semaphore, #tpu.memory_space<semaphore_mem>>) src(%dma_wait3A_434 : memref<1000000x64xf32, #tpu.memory_space<hbm>>) dst(%arg12 : memref<120x64xf32, #tpu.memory_space<vmem>>)
      %dma_wait3A_435 = arith.constant 0 : i32
      %dma_wait3A_436 = tpu.memref_slice %arg7[%add3A_395, %dma_wait3A_435] : memref<128x80xi32, #tpu.memory_space<vmem>> -> memref<1x80xi32, #tpu.memory_space<vmem>>
      %dma_wait3A_437 = tpu.memref_squeeze %dma_wait3A_436 : memref<1x80xi32, #tpu.memory_space<vmem>> -> memref<80xi32, #tpu.memory_space<vmem>>
      %dma_wait3A_438 = arith.constant 0 : i32
      %dma_wait3A_439 = arith.constant 0 : i32
      %dma_wait3A_440 = tpu.memref_slice %arg3[%dma_wait3A_438, %dma_wait3A_439] : memref<1000000x64xf32, #tpu.memory_space<hbm>> -> memref<1000000x64xf32, #tpu.memory_space<hbm>>
      tpu.wait_indirect_dma semaphore(%arg24 : memref<!tpu.dma_semaphore, #tpu.memory_space<semaphore_mem>>) src(%dma_wait3A_440 : memref<1000000x64xf32, #tpu.memory_space<hbm>>) dst(%arg16 : memref<80x64xf32, #tpu.memory_space<vmem>>)
      %scan3A_441 = arith.constant 0 : i32
      %scan3A_442 = arith.constant 0 : i32
      %scan3A_443 = arith.constant 120 : i32
      %scan3A_444 = arith.addi %scan3A_442, %scan3A_443 : i32
      %scan3A_445 = arith.constant 1 : i32
      scf.for %scan3A_630 = %scan3A_442 to %scan3A_444 step %scan3A_445  : i32 {
        %get3A = arith.index_cast %scan3A_630 : i32 to index
        %get3A_631 = arith.constant 0 : index
        %get3A_632 = tpu.vector_load %arg12[%get3A, %get3A_631] {strides = array<i32>} : memref<120x64xf32, #tpu.memory_space<vmem>>, vector<1x16xf32>,
        %get3A_633 = vector.shape_cast %get3A_632 : vector<1x16xf32> to vector<16xf32>
        %get3A_634 = arith.index_cast %scan3A_630 : i32 to index
        %get3A_635 = arith.constant 0 : index
        %get3A_636 = tpu.vector_load %arg8[%get3A_634, %get3A_635] {strides = array<i32>} : memref<200x64xf32, #tpu.memory_space<vmem>>, vector<1x16xf32>,
        %get3A_637 = vector.shape_cast %get3A_636 : vector<1x16xf32> to vector<16xf32>
        %add3A_638 = arith.addf %get3A_633, %get3A_637 : vector<16xf32>
        %swap3A = arith.index_cast %scan3A_630 : i32 to index
        %swap3A_639 = arith.constant 0 : index
        %swap3A_640 = tpu.vector_load %arg12[%swap3A, %swap3A_639] {strides = array<i32>} : memref<120x64xf32, #tpu.memory_space<vmem>>, vector<1x16xf32>,
        %swap3A_641 = vector.shape_cast %swap3A_640 : vector<1x16xf32> to vector<16xf32>
        %swap3A_642 = vector.shape_cast %add3A_638 : vector<16xf32> to vector<1x16xf32>
        tpu.vector_store %arg12[%swap3A, %swap3A_639], %swap3A_642 {strides = array<i32>} : memref<120x64xf32, #tpu.memory_space<vmem>>, vector<1x16xf32>,
        %get3A_643 = arith.index_cast %scan3A_630 : i32 to index
        %get3A_644 = arith.constant 16 : index
        %get3A_645 = tpu.vector_load %arg12[%get3A_643, %get3A_644] {strides = array<i32>} : memref<120x64xf32, #tpu.memory_space<vmem>>, vector<1x16xf32>,
        %get3A_646 = vector.shape_cast %get3A_645 : vector<1x16xf32> to vector<16xf32>
        %get3A_647 = arith.index_cast %scan3A_630 : i32 to index
        %get3A_648 = arith.constant 16 : index
        %get3A_649 = tpu.vector_load %arg8[%get3A_647, %get3A_648] {strides = array<i32>} : memref<200x64xf32, #tpu.memory_space<vmem>>, vector<1x16xf32>,
        %get3A_650 = vector.shape_cast %get3A_649 : vector<1x16xf32> to vector<16xf32>
        %add3A_651 = arith.addf %get3A_646, %get3A_650 : vector<16xf32>
        %swap3A_652 = arith.index_cast %scan3A_630 : i32 to index
        %swap3A_653 = arith.constant 16 : index
        %swap3A_654 = tpu.vector_load %arg12[%swap3A_652, %swap3A_653] {strides = array<i32>} : memref<120x64xf32, #tpu.memory_space<vmem>>, vector<1x16xf32>,
        %swap3A_655 = vector.shape_cast %swap3A_654 : vector<1x16xf32> to vector<16xf32>
        %swap3A_656 = vector.shape_cast %add3A_651 : vector<16xf32> to vector<1x16xf32>
        tpu.vector_store %arg12[%swap3A_652, %swap3A_653], %swap3A_656 {strides = array<i32>} : memref<120x64xf32, #tpu.memory_space<vmem>>, vector<1x16xf32>,
        %get3A_657 = arith.index_cast %scan3A_630 : i32 to index
        %get3A_658 = arith.constant 32 : index
        %get3A_659 = tpu.vector_load %arg12[%get3A_657, %get3A_658] {strides = array<i32>} : memref<120x64xf32, #tpu.memory_space<vmem>>, vector<1x16xf32>,
        %get3A_660 = vector.shape_cast %get3A_659 : vector<1x16xf32> to vector<16xf32>
        %get3A_661 = arith.index_cast %scan3A_630 : i32 to index
        %get3A_662 = arith.constant 32 : index
        %get3A_663 = tpu.vector_load %arg8[%get3A_661, %get3A_662] {strides = array<i32>} : memref<200x64xf32, #tpu.memory_space<vmem>>, vector<1x16xf32>,
        %get3A_664 = vector.shape_cast %get3A_663 : vector<1x16xf32> to vector<16xf32>
        %add3A_665 = arith.addf %get3A_660, %get3A_664 : vector<16xf32>
        %swap3A_666 = arith.index_cast %scan3A_630 : i32 to index
        %swap3A_667 = arith.constant 32 : index
        %swap3A_668 = tpu.vector_load %arg12[%swap3A_666, %swap3A_667] {strides = array<i32>} : memref<120x64xf32, #tpu.memory_space<vmem>>, vector<1x16xf32>,
        %swap3A_669 = vector.shape_cast %swap3A_668 : vector<1x16xf32> to vector<16xf32>
        %swap3A_670 = vector.shape_cast %add3A_665 : vector<16xf32> to vector<1x16xf32>
        tpu.vector_store %arg12[%swap3A_666, %swap3A_667], %swap3A_670 {strides = array<i32>} : memref<120x64xf32, #tpu.memory_space<vmem>>, vector<1x16xf32>,
        %get3A_671 = arith.index_cast %scan3A_630 : i32 to index
        %get3A_672 = arith.constant 48 : index
        %get3A_673 = tpu.vector_load %arg12[%get3A_671, %get3A_672] {strides = array<i32>} : memref<120x64xf32, #tpu.memory_space<vmem>>, vector<1x16xf32>,
        %get3A_674 = vector.shape_cast %get3A_673 : vector<1x16xf32> to vector<16xf32>
        %get3A_675 = arith.index_cast %scan3A_630 : i32 to index
        %get3A_676 = arith.constant 48 : index
        %get3A_677 = tpu.vector_load %arg8[%get3A_675, %get3A_676] {strides = array<i32>} : memref<200x64xf32, #tpu.memory_space<vmem>>, vector<1x16xf32>,
        %get3A_678 = vector.shape_cast %get3A_677 : vector<1x16xf32> to vector<16xf32>
        %add3A_679 = arith.addf %get3A_674, %get3A_678 : vector<16xf32>
        %swap3A_680 = arith.index_cast %scan3A_630 : i32 to index
        %swap3A_681 = arith.constant 48 : index
        %swap3A_682 = tpu.vector_load %arg12[%swap3A_680, %swap3A_681] {strides = array<i32>} : memref<120x64xf32, #tpu.memory_space<vmem>>, vector<1x16xf32>,
        %swap3A_683 = vector.shape_cast %swap3A_682 : vector<1x16xf32> to vector<16xf32>
        %swap3A_684 = vector.shape_cast %add3A_679 : vector<16xf32> to vector<1x16xf32>
        tpu.vector_store %arg12[%swap3A_680, %swap3A_681], %swap3A_684 {strides = array<i32>} : memref<120x64xf32, #tpu.memory_space<vmem>>, vector<1x16xf32>,
      }
      %scan3A_446 = arith.constant 120 : i32
      %scan3A_447 = arith.constant 0 : i32
      %scan3A_448 = arith.constant 0 : i32
      %scan3A_449 = arith.constant 80 : i32
      %scan3A_450 = arith.addi %scan3A_448, %scan3A_449 : i32
      %scan3A_451 = arith.constant 1 : i32
      scf.for %scan3A_630 = %scan3A_448 to %scan3A_450 step %scan3A_451  : i32 {
        %get3A = arith.index_cast %scan3A_630 : i32 to index
        %get3A_631 = arith.constant 0 : index
        %get3A_632 = tpu.vector_load %arg16[%get3A, %get3A_631] {strides = array<i32>} : memref<80x64xf32, #tpu.memory_space<vmem>>, vector<1x16xf32>,
        %get3A_633 = vector.shape_cast %get3A_632 : vector<1x16xf32> to vector<16xf32>
        %add3A_634 = arith.constant 120 : i32
        %add3A_635 = arith.addi %add3A_634, %scan3A_630 : i32
        %get3A_636 = arith.index_cast %add3A_635 : i32 to index
        %get3A_637 = arith.constant 0 : index
        %get3A_638 = tpu.vector_load %arg8[%get3A_636, %get3A_637] {strides = array<i32>} : memref<200x64xf32, #tpu.memory_space<vmem>>, vector<1x16xf32>,
        %get3A_639 = vector.shape_cast %get3A_638 : vector<1x16xf32> to vector<16xf32>
        %add3A_640 = arith.addf %get3A_633, %get3A_639 : vector<16xf32>
        %swap3A = arith.index_cast %scan3A_630 : i32 to index
        %swap3A_641 = arith.constant 0 : index
        %swap3A_642 = tpu.vector_load %arg16[%swap3A, %swap3A_641] {strides = array<i32>} : memref<80x64xf32, #tpu.memory_space<vmem>>, vector<1x16xf32>,
        %swap3A_643 = vector.shape_cast %swap3A_642 : vector<1x16xf32> to vector<16xf32>
        %swap3A_644 = vector.shape_cast %add3A_640 : vector<16xf32> to vector<1x16xf32>
        tpu.vector_store %arg16[%swap3A, %swap3A_641], %swap3A_644 {strides = array<i32>} : memref<80x64xf32, #tpu.memory_space<vmem>>, vector<1x16xf32>,
        %get3A_645 = arith.index_cast %scan3A_630 : i32 to index
        %get3A_646 = arith.constant 16 : index
        %get3A_647 = tpu.vector_load %arg16[%get3A_645, %get3A_646] {strides = array<i32>} : memref<80x64xf32, #tpu.memory_space<vmem>>, vector<1x16xf32>,
        %get3A_648 = vector.shape_cast %get3A_647 : vector<1x16xf32> to vector<16xf32>
        %add3A_649 = arith.constant 120 : i32
        %add3A_650 = arith.addi %add3A_649, %scan3A_630 : i32
        %get3A_651 = arith.index_cast %add3A_650 : i32 to index
        %get3A_652 = arith.constant 16 : index
        %get3A_653 = tpu.vector_load %arg8[%get3A_651, %get3A_652] {strides = array<i32>} : memref<200x64xf32, #tpu.memory_space<vmem>>, vector<1x16xf32>,
        %get3A_654 = vector.shape_cast %get3A_653 : vector<1x16xf32> to vector<16xf32>
        %add3A_655 = arith.addf %get3A_648, %get3A_654 : vector<16xf32>
        %swap3A_656 = arith.index_cast %scan3A_630 : i32 to index
        %swap3A_657 = arith.constant 16 : index
        %swap3A_658 = tpu.vector_load %arg16[%swap3A_656, %swap3A_657] {strides = array<i32>} : memref<80x64xf32, #tpu.memory_space<vmem>>, vector<1x16xf32>,
        %swap3A_659 = vector.shape_cast %swap3A_658 : vector<1x16xf32> to vector<16xf32>
        %swap3A_660 = vector.shape_cast %add3A_655 : vector<16xf32> to vector<1x16xf32>
        tpu.vector_store %arg16[%swap3A_656, %swap3A_657], %swap3A_660 {strides = array<i32>} : memref<80x64xf32, #tpu.memory_space<vmem>>, vector<1x16xf32>,
        %get3A_661 = arith.index_cast %scan3A_630 : i32 to index
        %get3A_662 = arith.constant 32 : index
        %get3A_663 = tpu.vector_load %arg16[%get3A_661, %get3A_662] {strides = array<i32>} : memref<80x64xf32, #tpu.memory_space<vmem>>, vector<1x16xf32>,
        %get3A_664 = vector.shape_cast %get3A_663 : vector<1x16xf32> to vector<16xf32>
        %add3A_665 = arith.constant 120 : i32
        %add3A_666 = arith.addi %add3A_665, %scan3A_630 : i32
        %get3A_667 = arith.index_cast %add3A_666 : i32 to index
        %get3A_668 = arith.constant 32 : index
        %get3A_669 = tpu.vector_load %arg8[%get3A_667, %get3A_668] {strides = array<i32>} : memref<200x64xf32, #tpu.memory_space<vmem>>, vector<1x16xf32>,
        %get3A_670 = vector.shape_cast %get3A_669 : vector<1x16xf32> to vector<16xf32>
        %add3A_671 = arith.addf %get3A_664, %get3A_670 : vector<16xf32>
        %swap3A_672 = arith.index_cast %scan3A_630 : i32 to index
        %swap3A_673 = arith.constant 32 : index
        %swap3A_674 = tpu.vector_load %arg16[%swap3A_672, %swap3A_673] {strides = array<i32>} : memref<80x64xf32, #tpu.memory_space<vmem>>, vector<1x16xf32>,
        %swap3A_675 = vector.shape_cast %swap3A_674 : vector<1x16xf32> to vector<16xf32>
        %swap3A_676 = vector.shape_cast %add3A_671 : vector<16xf32> to vector<1x16xf32>
        tpu.vector_store %arg16[%swap3A_672, %swap3A_673], %swap3A_676 {strides = array<i32>} : memref<80x64xf32, #tpu.memory_space<vmem>>, vector<1x16xf32>,
        %get3A_677 = arith.index_cast %scan3A_630 : i32 to index
        %get3A_678 = arith.constant 48 : index
        %get3A_679 = tpu.vector_load %arg16[%get3A_677, %get3A_678] {strides = array<i32>} : memref<80x64xf32, #tpu.memory_space<vmem>>, vector<1x16xf32>,
        %get3A_680 = vector.shape_cast %get3A_679 : vector<1x16xf32> to vector<16xf32>
        %add3A_681 = arith.constant 120 : i32
        %add3A_682 = arith.addi %add3A_681, %scan3A_630 : i32
        %get3A_683 = arith.index_cast %add3A_682 : i32 to index
        %get3A_684 = arith.constant 48 : index
        %get3A_685 = tpu.vector_load %arg8[%get3A_683, %get3A_684] {strides = array<i32>} : memref<200x64xf32, #tpu.memory_space<vmem>>, vector<1x16xf32>,
        %get3A_686 = vector.shape_cast %get3A_685 : vector<1x16xf32> to vector<16xf32>
        %add3A_687 = arith.addf %get3A_680, %get3A_686 : vector<16xf32>
        %swap3A_688 = arith.index_cast %scan3A_630 : i32 to index
        %swap3A_689 = arith.constant 48 : index
        %swap3A_690 = tpu.vector_load %arg16[%swap3A_688, %swap3A_689] {strides = array<i32>} : memref<80x64xf32, #tpu.memory_space<vmem>>, vector<1x16xf32>,
        %swap3A_691 = vector.shape_cast %swap3A_690 : vector<1x16xf32> to vector<16xf32>
        %swap3A_692 = vector.shape_cast %add3A_687 : vector<16xf32> to vector<1x16xf32>
        tpu.vector_store %arg16[%swap3A_688, %swap3A_689], %swap3A_692 {strides = array<i32>} : memref<80x64xf32, #tpu.memory_space<vmem>>, vector<1x16xf32>,
      }
      %scan3A_452 = arith.constant 80 : i32
      %add3A_453 = arith.addi %mul3A_2, %add3A_395 : i32
      %dma_start3A_454 = arith.constant 0 : i32
      %dma_start3A_455 = arith.constant 0 : i32
      %dma_start3A_456 = tpu.memref_slice %arg5[%add3A_453, %dma_start3A_454, %dma_start3A_455] : memref<4096x200x64xf32, #tpu.memory_space<hbm>> -> memref<1x120x64xf32, #tpu.memory_space<hbm>>
      %dma_start3A_457 = tpu.memref_squeeze %dma_start3A_456 : memref<1x120x64xf32, #tpu.memory_space<hbm>> -> memref<120x64xf32, #tpu.memory_space<hbm>>
      %dma_start3A_458 = arith.constant 0 : i32
      %dma_start3A_459 = arith.constant 0 : i32
      %dma_start3A_460 = tpu.memref_slice %arg5[%add3A_453, %dma_start3A_458, %dma_start3A_459] : memref<4096x200x64xf32, #tpu.memory_space<hbm>> -> memref<1x120x64xf32, #tpu.memory_space<hbm>>
      %dma_start3A_461 = tpu.memref_squeeze %dma_start3A_460 : memref<1x120x64xf32, #tpu.memory_space<hbm>> -> memref<120x64xf32, #tpu.memory_space<hbm>>
      tpu.enqueue_dma source(%arg12 : memref<120x64xf32, #tpu.memory_space<vmem>>) target(%dma_start3A_461 : memref<120x64xf32, #tpu.memory_space<hbm>>) target_semaphore(%arg28 : memref<!tpu.dma_semaphore, #tpu.memory_space<semaphore_mem>>)
      %dma_start3A_462 = arith.constant 120 : i32
      %dma_start3A_463 = arith.constant 0 : i32
      %dma_start3A_464 = tpu.memref_slice %arg5[%add3A_453, %dma_start3A_462, %dma_start3A_463] : memref<4096x200x64xf32, #tpu.memory_space<hbm>> -> memref<1x80x64xf32, #tpu.memory_space<hbm>>
      %dma_start3A_465 = tpu.memref_squeeze %dma_start3A_464 : memref<1x80x64xf32, #tpu.memory_space<hbm>> -> memref<80x64xf32, #tpu.memory_space<hbm>>
      %dma_start3A_466 = arith.constant 120 : i32
      %dma_start3A_467 = arith.constant 0 : i32
      %dma_start3A_468 = tpu.memref_slice %arg5[%add3A_453, %dma_start3A_466, %dma_start3A_467] : memref<4096x200x64xf32, #tpu.memory_space<hbm>> -> memref<1x80x64xf32, #tpu.memory_space<hbm>>
      %dma_start3A_469 = tpu.memref_squeeze %dma_start3A_468 : memref<1x80x64xf32, #tpu.memory_space<hbm>> -> memref<80x64xf32, #tpu.memory_space<hbm>>
      tpu.enqueue_dma source(%arg16 : memref<80x64xf32, #tpu.memory_space<vmem>>) target(%dma_start3A_469 : memref<80x64xf32, #tpu.memory_space<hbm>>) target_semaphore(%arg32 : memref<!tpu.dma_semaphore, #tpu.memory_space<semaphore_mem>>)
      %mul3A_470 = arith.constant 4 : i32
      %mul3A_471 = arith.muli %scan3A_310, %mul3A_470 : i32
      %add3A_472 = arith.constant 2 : i32
      %add3A_473 = arith.addi %add3A_472, %mul3A_471 : i32
      %add3A_474 = arith.constant 2 : i32
      %add3A_475 = arith.addi %add3A_473, %add3A_474 : i32
      %sub3A_476 = arith.constant 2 : i32
      %sub3A_477 = arith.subi %add3A_475, %sub3A_476 : i32
      %add3A_478 = arith.addi %mul3A_2, %sub3A_477 : i32
      %dma_wait3A_479 = arith.constant 0 : i32
      %dma_wait3A_480 = arith.constant 0 : i32
      %dma_wait3A_481 = tpu.memref_slice %arg5[%add3A_478, %dma_wait3A_479, %dma_wait3A_480] : memref<4096x200x64xf32, #tpu.memory_space<hbm>> -> memref<1x120x64xf32, #tpu.memory_space<hbm>>
      %dma_wait3A_482 = tpu.memref_squeeze %dma_wait3A_481 : memref<1x120x64xf32, #tpu.memory_space<hbm>> -> memref<120x64xf32, #tpu.memory_space<hbm>>
      %dma_wait3A_483 = arith.constant 0 : i32
      %dma_wait3A_484 = arith.constant 0 : i32
      %dma_wait3A_485 = tpu.memref_slice %arg5[%add3A_478, %dma_wait3A_483, %dma_wait3A_484] : memref<4096x200x64xf32, #tpu.memory_space<hbm>> -> memref<1x120x64xf32, #tpu.memory_space<hbm>>
      %dma_wait3A_486 = tpu.memref_squeeze %dma_wait3A_485 : memref<1x120x64xf32, #tpu.memory_space<hbm>> -> memref<120x64xf32, #tpu.memory_space<hbm>>
      tpu.wait_dma2 semaphore(%arg27 : memref<!tpu.dma_semaphore, #tpu.memory_space<semaphore_mem>>) src(%arg11 : memref<120x64xf32, #tpu.memory_space<vmem>>) dst(%dma_wait3A_486 : memref<120x64xf32, #tpu.memory_space<hbm>>)
      %dma_wait3A_487 = arith.constant 120 : i32
      %dma_wait3A_488 = arith.constant 0 : i32
      %dma_wait3A_489 = tpu.memref_slice %arg5[%add3A_478, %dma_wait3A_487, %dma_wait3A_488] : memref<4096x200x64xf32, #tpu.memory_space<hbm>> -> memref<1x80x64xf32, #tpu.memory_space<hbm>>
      %dma_wait3A_490 = tpu.memref_squeeze %dma_wait3A_489 : memref<1x80x64xf32, #tpu.memory_space<hbm>> -> memref<80x64xf32, #tpu.memory_space<hbm>>
      %dma_wait3A_491 = arith.constant 120 : i32
      %dma_wait3A_492 = arith.constant 0 : i32
      %dma_wait3A_493 = tpu.memref_slice %arg5[%add3A_478, %dma_wait3A_491, %dma_wait3A_492] : memref<4096x200x64xf32, #tpu.memory_space<hbm>> -> memref<1x80x64xf32, #tpu.memory_space<hbm>>
      %dma_wait3A_494 = tpu.memref_squeeze %dma_wait3A_493 : memref<1x80x64xf32, #tpu.memory_space<hbm>> -> memref<80x64xf32, #tpu.memory_space<hbm>>
      tpu.wait_dma2 semaphore(%arg31 : memref<!tpu.dma_semaphore, #tpu.memory_space<semaphore_mem>>) src(%arg15 : memref<80x64xf32, #tpu.memory_space<vmem>>) dst(%dma_wait3A_494 : memref<80x64xf32, #tpu.memory_space<hbm>>)
      %add3A_495 = arith.constant 2 : i32
      %add3A_496 = arith.addi %add3A_475, %add3A_495 : i32
      %dma_start3A_497 = arith.constant 0 : i32
      %dma_start3A_498 = tpu.memref_slice %arg6[%add3A_496, %dma_start3A_497] : memref<128x120xi32, #tpu.memory_space<vmem>> -> memref<1x120xi32, #tpu.memory_space<vmem>>
      %dma_start3A_499 = tpu.memref_squeeze %dma_start3A_498 : memref<1x120xi32, #tpu.memory_space<vmem>> -> memref<120xi32, #tpu.memory_space<vmem>>
      %dma_start3A_500 = arith.constant 0 : i32
      %dma_start3A_501 = arith.constant 0 : i32
      %dma_start3A_502 = tpu.memref_slice %arg3[%dma_start3A_500, %dma_start3A_501] : memref<1000000x64xf32, #tpu.memory_space<hbm>> -> memref<1000000x64xf32, #tpu.memory_space<hbm>>
      tpu.enqueue_indirect_dma source(%dma_start3A_502 : memref<1000000x64xf32, #tpu.memory_space<hbm>>) target(%arg11 : memref<120x64xf32, #tpu.memory_space<vmem>>) offsets(%dma_start3A_499 : memref<120xi32, #tpu.memory_space<vmem>>) semaphore(%arg19 : memref<!tpu.dma_semaphore, #tpu.memory_space<semaphore_mem>>)
      %dma_start3A_503 = arith.constant 0 : i32
      %dma_start3A_504 = tpu.memref_slice %arg7[%add3A_496, %dma_start3A_503] : memref<128x80xi32, #tpu.memory_space<vmem>> -> memref<1x80xi32, #tpu.memory_space<vmem>>
      %dma_start3A_505 = tpu.memref_squeeze %dma_start3A_504 : memref<1x80xi32, #tpu.memory_space<vmem>> -> memref<80xi32, #tpu.memory_space<vmem>>
      %dma_start3A_506 = arith.constant 0 : i32
      %dma_start3A_507 = arith.constant 0 : i32
      %dma_start3A_508 = tpu.memref_slice %arg3[%dma_start3A_506, %dma_start3A_507] : memref<1000000x64xf32, #tpu.memory_space<hbm>> -> memref<1000000x64xf32, #tpu.memory_space<hbm>>
      tpu.enqueue_indirect_dma source(%dma_start3A_508 : memref<1000000x64xf32, #tpu.memory_space<hbm>>) target(%arg15 : memref<80x64xf32, #tpu.memory_space<vmem>>) offsets(%dma_start3A_505 : memref<80xi32, #tpu.memory_space<vmem>>) semaphore(%arg23 : memref<!tpu.dma_semaphore, #tpu.memory_space<semaphore_mem>>)
      %dma_wait3A_509 = arith.constant 0 : i32
      %dma_wait3A_510 = tpu.memref_slice %arg6[%add3A_475, %dma_wait3A_509] : memref<128x120xi32, #tpu.memory_space<vmem>> -> memref<1x120xi32, #tpu.memory_space<vmem>>
      %dma_wait3A_511 = tpu.memref_squeeze %dma_wait3A_510 : memref<1x120xi32, #tpu.memory_space<vmem>> -> memref<120xi32, #tpu.memory_space<vmem>>
      %dma_wait3A_512 = arith.constant 0 : i32
      %dma_wait3A_513 = arith.constant 0 : i32
      %dma_wait3A_514 = tpu.memref_slice %arg3[%dma_wait3A_512, %dma_wait3A_513] : memref<1000000x64xf32, #tpu.memory_space<hbm>> -> memref<1000000x64xf32, #tpu.memory_space<hbm>>
      tpu.wait_indirect_dma semaphore(%arg17 : memref<!tpu.dma_semaphore, #tpu.memory_space<semaphore_mem>>) src(%dma_wait3A_514 : memref<1000000x64xf32, #tpu.memory_space<hbm>>) dst(%arg9 : memref<120x64xf32, #tpu.memory_space<vmem>>)
      %dma_wait3A_515 = arith.constant 0 : i32
      %dma_wait3A_516 = tpu.memref_slice %arg7[%add3A_475, %dma_wait3A_515] : memref<128x80xi32, #tpu.memory_space<vmem>> -> memref<1x80xi32, #tpu.memory_space<vmem>>
      %dma_wait3A_517 = tpu.memref_squeeze %dma_wait3A_516 : memref<1x80xi32, #tpu.memory_space<vmem>> -> memref<80xi32, #tpu.memory_space<vmem>>
      %dma_wait3A_518 = arith.constant 0 : i32
      %dma_wait3A_519 = arith.constant 0 : i32
      %dma_wait3A_520 = tpu.memref_slice %arg3[%dma_wait3A_518, %dma_wait3A_519] : memref<1000000x64xf32, #tpu.memory_space<hbm>> -> memref<1000000x64xf32, #tpu.memory_space<hbm>>
      tpu.wait_indirect_dma semaphore(%arg21 : memref<!tpu.dma_semaphore, #tpu.memory_space<semaphore_mem>>) src(%dma_wait3A_520 : memref<1000000x64xf32, #tpu.memory_space<hbm>>) dst(%arg13 : memref<80x64xf32, #tpu.memory_space<vmem>>)
      %scan3A_521 = arith.constant 0 : i32
      %scan3A_522 = arith.constant 0 : i32
      %scan3A_523 = arith.constant 120 : i32
      %scan3A_524 = arith.addi %scan3A_522, %scan3A_523 : i32
      %scan3A_525 = arith.constant 1 : i32
      scf.for %scan3A_630 = %scan3A_522 to %scan3A_524 step %scan3A_525  : i32 {
        %get3A = arith.index_cast %scan3A_630 : i32 to index
        %get3A_631 = arith.constant 0 : index
        %get3A_632 = tpu.vector_load %arg9[%get3A, %get3A_631] {strides = array<i32>} : memref<120x64xf32, #tpu.memory_space<vmem>>, vector<1x16xf32>,
        %get3A_633 = vector.shape_cast %get3A_632 : vector<1x16xf32> to vector<16xf32>
        %get3A_634 = arith.index_cast %scan3A_630 : i32 to index
        %get3A_635 = arith.constant 0 : index
        %get3A_636 = tpu.vector_load %arg8[%get3A_634, %get3A_635] {strides = array<i32>} : memref<200x64xf32, #tpu.memory_space<vmem>>, vector<1x16xf32>,
        %get3A_637 = vector.shape_cast %get3A_636 : vector<1x16xf32> to vector<16xf32>
        %add3A_638 = arith.addf %get3A_633, %get3A_637 : vector<16xf32>
        %swap3A = arith.index_cast %scan3A_630 : i32 to index
        %swap3A_639 = arith.constant 0 : index
        %swap3A_640 = tpu.vector_load %arg9[%swap3A, %swap3A_639] {strides = array<i32>} : memref<120x64xf32, #tpu.memory_space<vmem>>, vector<1x16xf32>,
        %swap3A_641 = vector.shape_cast %swap3A_640 : vector<1x16xf32> to vector<16xf32>
        %swap3A_642 = vector.shape_cast %add3A_638 : vector<16xf32> to vector<1x16xf32>
        tpu.vector_store %arg9[%swap3A, %swap3A_639], %swap3A_642 {strides = array<i32>} : memref<120x64xf32, #tpu.memory_space<vmem>>, vector<1x16xf32>,
        %get3A_643 = arith.index_cast %scan3A_630 : i32 to index
        %get3A_644 = arith.constant 16 : index
        %get3A_645 = tpu.vector_load %arg9[%get3A_643, %get3A_644] {strides = array<i32>} : memref<120x64xf32, #tpu.memory_space<vmem>>, vector<1x16xf32>,
        %get3A_646 = vector.shape_cast %get3A_645 : vector<1x16xf32> to vector<16xf32>
        %get3A_647 = arith.index_cast %scan3A_630 : i32 to index
        %get3A_648 = arith.constant 16 : index
        %get3A_649 = tpu.vector_load %arg8[%get3A_647, %get3A_648] {strides = array<i32>} : memref<200x64xf32, #tpu.memory_space<vmem>>, vector<1x16xf32>,
        %get3A_650 = vector.shape_cast %get3A_649 : vector<1x16xf32> to vector<16xf32>
        %add3A_651 = arith.addf %get3A_646, %get3A_650 : vector<16xf32>
        %swap3A_652 = arith.index_cast %scan3A_630 : i32 to index
        %swap3A_653 = arith.constant 16 : index
        %swap3A_654 = tpu.vector_load %arg9[%swap3A_652, %swap3A_653] {strides = array<i32>} : memref<120x64xf32, #tpu.memory_space<vmem>>, vector<1x16xf32>,
        %swap3A_655 = vector.shape_cast %swap3A_654 : vector<1x16xf32> to vector<16xf32>
        %swap3A_656 = vector.shape_cast %add3A_651 : vector<16xf32> to vector<1x16xf32>
        tpu.vector_store %arg9[%swap3A_652, %swap3A_653], %swap3A_656 {strides = array<i32>} : memref<120x64xf32, #tpu.memory_space<vmem>>, vector<1x16xf32>,
        %get3A_657 = arith.index_cast %scan3A_630 : i32 to index
        %get3A_658 = arith.constant 32 : index
        %get3A_659 = tpu.vector_load %arg9[%get3A_657, %get3A_658] {strides = array<i32>} : memref<120x64xf32, #tpu.memory_space<vmem>>, vector<1x16xf32>,
        %get3A_660 = vector.shape_cast %get3A_659 : vector<1x16xf32> to vector<16xf32>
        %get3A_661 = arith.index_cast %scan3A_630 : i32 to index
        %get3A_662 = arith.constant 32 : index
        %get3A_663 = tpu.vector_load %arg8[%get3A_661, %get3A_662] {strides = array<i32>} : memref<200x64xf32, #tpu.memory_space<vmem>>, vector<1x16xf32>,
        %get3A_664 = vector.shape_cast %get3A_663 : vector<1x16xf32> to vector<16xf32>
        %add3A_665 = arith.addf %get3A_660, %get3A_664 : vector<16xf32>
        %swap3A_666 = arith.index_cast %scan3A_630 : i32 to index
        %swap3A_667 = arith.constant 32 : index
        %swap3A_668 = tpu.vector_load %arg9[%swap3A_666, %swap3A_667] {strides = array<i32>} : memref<120x64xf32, #tpu.memory_space<vmem>>, vector<1x16xf32>,
        %swap3A_669 = vector.shape_cast %swap3A_668 : vector<1x16xf32> to vector<16xf32>
        %swap3A_670 = vector.shape_cast %add3A_665 : vector<16xf32> to vector<1x16xf32>
        tpu.vector_store %arg9[%swap3A_666, %swap3A_667], %swap3A_670 {strides = array<i32>} : memref<120x64xf32, #tpu.memory_space<vmem>>, vector<1x16xf32>,
        %get3A_671 = arith.index_cast %scan3A_630 : i32 to index
        %get3A_672 = arith.constant 48 : index
        %get3A_673 = tpu.vector_load %arg9[%get3A_671, %get3A_672] {strides = array<i32>} : memref<120x64xf32, #tpu.memory_space<vmem>>, vector<1x16xf32>,
        %get3A_674 = vector.shape_cast %get3A_673 : vector<1x16xf32> to vector<16xf32>
        %get3A_675 = arith.index_cast %scan3A_630 : i32 to index
        %get3A_676 = arith.constant 48 : index
        %get3A_677 = tpu.vector_load %arg8[%get3A_675, %get3A_676] {strides = array<i32>} : memref<200x64xf32, #tpu.memory_space<vmem>>, vector<1x16xf32>,
        %get3A_678 = vector.shape_cast %get3A_677 : vector<1x16xf32> to vector<16xf32>
        %add3A_679 = arith.addf %get3A_674, %get3A_678 : vector<16xf32>
        %swap3A_680 = arith.index_cast %scan3A_630 : i32 to index
        %swap3A_681 = arith.constant 48 : index
        %swap3A_682 = tpu.vector_load %arg9[%swap3A_680, %swap3A_681] {strides = array<i32>} : memref<120x64xf32, #tpu.memory_space<vmem>>, vector<1x16xf32>,
        %swap3A_683 = vector.shape_cast %swap3A_682 : vector<1x16xf32> to vector<16xf32>
        %swap3A_684 = vector.shape_cast %add3A_679 : vector<16xf32> to vector<1x16xf32>
        tpu.vector_store %arg9[%swap3A_680, %swap3A_681], %swap3A_684 {strides = array<i32>} : memref<120x64xf32, #tpu.memory_space<vmem>>, vector<1x16xf32>,
      }
      %scan3A_526 = arith.constant 120 : i32
      %scan3A_527 = arith.constant 0 : i32
      %scan3A_528 = arith.constant 0 : i32
      %scan3A_529 = arith.constant 80 : i32
      %scan3A_530 = arith.addi %scan3A_528, %scan3A_529 : i32
      %scan3A_531 = arith.constant 1 : i32
      scf.for %scan3A_630 = %scan3A_528 to %scan3A_530 step %scan3A_531  : i32 {
        %get3A = arith.index_cast %scan3A_630 : i32 to index
        %get3A_631 = arith.constant 0 : index
        %get3A_632 = tpu.vector_load %arg13[%get3A, %get3A_631] {strides = array<i32>} : memref<80x64xf32, #tpu.memory_space<vmem>>, vector<1x16xf32>,
        %get3A_633 = vector.shape_cast %get3A_632 : vector<1x16xf32> to vector<16xf32>
        %add3A_634 = arith.constant 120 : i32
        %add3A_635 = arith.addi %add3A_634, %scan3A_630 : i32
        %get3A_636 = arith.index_cast %add3A_635 : i32 to index
        %get3A_637 = arith.constant 0 : index
        %get3A_638 = tpu.vector_load %arg8[%get3A_636, %get3A_637] {strides = array<i32>} : memref<200x64xf32, #tpu.memory_space<vmem>>, vector<1x16xf32>,
        %get3A_639 = vector.shape_cast %get3A_638 : vector<1x16xf32> to vector<16xf32>
        %add3A_640 = arith.addf %get3A_633, %get3A_639 : vector<16xf32>
        %swap3A = arith.index_cast %scan3A_630 : i32 to index
        %swap3A_641 = arith.constant 0 : index
        %swap3A_642 = tpu.vector_load %arg13[%swap3A, %swap3A_641] {strides = array<i32>} : memref<80x64xf32, #tpu.memory_space<vmem>>, vector<1x16xf32>,
        %swap3A_643 = vector.shape_cast %swap3A_642 : vector<1x16xf32> to vector<16xf32>
        %swap3A_644 = vector.shape_cast %add3A_640 : vector<16xf32> to vector<1x16xf32>
        tpu.vector_store %arg13[%swap3A, %swap3A_641], %swap3A_644 {strides = array<i32>} : memref<80x64xf32, #tpu.memory_space<vmem>>, vector<1x16xf32>,
        %get3A_645 = arith.index_cast %scan3A_630 : i32 to index
        %get3A_646 = arith.constant 16 : index
        %get3A_647 = tpu.vector_load %arg13[%get3A_645, %get3A_646] {strides = array<i32>} : memref<80x64xf32, #tpu.memory_space<vmem>>, vector<1x16xf32>,
        %get3A_648 = vector.shape_cast %get3A_647 : vector<1x16xf32> to vector<16xf32>
        %add3A_649 = arith.constant 120 : i32
        %add3A_650 = arith.addi %add3A_649, %scan3A_630 : i32
        %get3A_651 = arith.index_cast %add3A_650 : i32 to index
        %get3A_652 = arith.constant 16 : index
        %get3A_653 = tpu.vector_load %arg8[%get3A_651, %get3A_652] {strides = array<i32>} : memref<200x64xf32, #tpu.memory_space<vmem>>, vector<1x16xf32>,
        %get3A_654 = vector.shape_cast %get3A_653 : vector<1x16xf32> to vector<16xf32>
        %add3A_655 = arith.addf %get3A_648, %get3A_654 : vector<16xf32>
        %swap3A_656 = arith.index_cast %scan3A_630 : i32 to index
        %swap3A_657 = arith.constant 16 : index
        %swap3A_658 = tpu.vector_load %arg13[%swap3A_656, %swap3A_657] {strides = array<i32>} : memref<80x64xf32, #tpu.memory_space<vmem>>, vector<1x16xf32>,
        %swap3A_659 = vector.shape_cast %swap3A_658 : vector<1x16xf32> to vector<16xf32>
        %swap3A_660 = vector.shape_cast %add3A_655 : vector<16xf32> to vector<1x16xf32>
        tpu.vector_store %arg13[%swap3A_656, %swap3A_657], %swap3A_660 {strides = array<i32>} : memref<80x64xf32, #tpu.memory_space<vmem>>, vector<1x16xf32>,
        %get3A_661 = arith.index_cast %scan3A_630 : i32 to index
        %get3A_662 = arith.constant 32 : index
        %get3A_663 = tpu.vector_load %arg13[%get3A_661, %get3A_662] {strides = array<i32>} : memref<80x64xf32, #tpu.memory_space<vmem>>, vector<1x16xf32>,
        %get3A_664 = vector.shape_cast %get3A_663 : vector<1x16xf32> to vector<16xf32>
        %add3A_665 = arith.constant 120 : i32
        %add3A_666 = arith.addi %add3A_665, %scan3A_630 : i32
        %get3A_667 = arith.index_cast %add3A_666 : i32 to index
        %get3A_668 = arith.constant 32 : index
        %get3A_669 = tpu.vector_load %arg8[%get3A_667, %get3A_668] {strides = array<i32>} : memref<200x64xf32, #tpu.memory_space<vmem>>, vector<1x16xf32>,
        %get3A_670 = vector.shape_cast %get3A_669 : vector<1x16xf32> to vector<16xf32>
        %add3A_671 = arith.addf %get3A_664, %get3A_670 : vector<16xf32>
        %swap3A_672 = arith.index_cast %scan3A_630 : i32 to index
        %swap3A_673 = arith.constant 32 : index
        %swap3A_674 = tpu.vector_load %arg13[%swap3A_672, %swap3A_673] {strides = array<i32>} : memref<80x64xf32, #tpu.memory_space<vmem>>, vector<1x16xf32>,
        %swap3A_675 = vector.shape_cast %swap3A_674 : vector<1x16xf32> to vector<16xf32>
        %swap3A_676 = vector.shape_cast %add3A_671 : vector<16xf32> to vector<1x16xf32>
        tpu.vector_store %arg13[%swap3A_672, %swap3A_673], %swap3A_676 {strides = array<i32>} : memref<80x64xf32, #tpu.memory_space<vmem>>, vector<1x16xf32>,
        %get3A_677 = arith.index_cast %scan3A_630 : i32 to index
        %get3A_678 = arith.constant 48 : index
        %get3A_679 = tpu.vector_load %arg13[%get3A_677, %get3A_678] {strides = array<i32>} : memref<80x64xf32, #tpu.memory_space<vmem>>, vector<1x16xf32>,
        %get3A_680 = vector.shape_cast %get3A_679 : vector<1x16xf32> to vector<16xf32>
        %add3A_681 = arith.constant 120 : i32
        %add3A_682 = arith.addi %add3A_681, %scan3A_630 : i32
        %get3A_683 = arith.index_cast %add3A_682 : i32 to index
        %get3A_684 = arith.constant 48 : index
        %get3A_685 = tpu.vector_load %arg8[%get3A_683, %get3A_684] {strides = array<i32>} : memref<200x64xf32, #tpu.memory_space<vmem>>, vector<1x16xf32>,
        %get3A_686 = vector.shape_cast %get3A_685 : vector<1x16xf32> to vector<16xf32>
        %add3A_687 = arith.addf %get3A_680, %get3A_686 : vector<16xf32>
        %swap3A_688 = arith.index_cast %scan3A_630 : i32 to index
        %swap3A_689 = arith.constant 48 : index
        %swap3A_690 = tpu.vector_load %arg13[%swap3A_688, %swap3A_689] {strides = array<i32>} : memref<80x64xf32, #tpu.memory_space<vmem>>, vector<1x16xf32>,
        %swap3A_691 = vector.shape_cast %swap3A_690 : vector<1x16xf32> to vector<16xf32>
        %swap3A_692 = vector.shape_cast %add3A_687 : vector<16xf32> to vector<1x16xf32>
        tpu.vector_store %arg13[%swap3A_688, %swap3A_689], %swap3A_692 {strides = array<i32>} : memref<80x64xf32, #tpu.memory_space<vmem>>, vector<1x16xf32>,
      }
      %scan3A_532 = arith.constant 80 : i32
      %add3A_533 = arith.addi %mul3A_2, %add3A_475 : i32
      %dma_start3A_534 = arith.constant 0 : i32
      %dma_start3A_535 = arith.constant 0 : i32
      %dma_start3A_536 = tpu.memref_slice %arg5[%add3A_533, %dma_start3A_534, %dma_start3A_535] : memref<4096x200x64xf32, #tpu.memory_space<hbm>> -> memref<1x120x64xf32, #tpu.memory_space<hbm>>
      %dma_start3A_537 = tpu.memref_squeeze %dma_start3A_536 : memref<1x120x64xf32, #tpu.memory_space<hbm>> -> memref<120x64xf32, #tpu.memory_space<hbm>>
      %dma_start3A_538 = arith.constant 0 : i32
      %dma_start3A_539 = arith.constant 0 : i32
      %dma_start3A_540 = tpu.memref_slice %arg5[%add3A_533, %dma_start3A_538, %dma_start3A_539] : memref<4096x200x64xf32, #tpu.memory_space<hbm>> -> memref<1x120x64xf32, #tpu.memory_space<hbm>>
      %dma_start3A_541 = tpu.memref_squeeze %dma_start3A_540 : memref<1x120x64xf32, #tpu.memory_space<hbm>> -> memref<120x64xf32, #tpu.memory_space<hbm>>
      tpu.enqueue_dma source(%arg9 : memref<120x64xf32, #tpu.memory_space<vmem>>) target(%dma_start3A_541 : memref<120x64xf32, #tpu.memory_space<hbm>>) target_semaphore(%arg25 : memref<!tpu.dma_semaphore, #tpu.memory_space<semaphore_mem>>)
      %dma_start3A_542 = arith.constant 120 : i32
      %dma_start3A_543 = arith.constant 0 : i32
      %dma_start3A_544 = tpu.memref_slice %arg5[%add3A_533, %dma_start3A_542, %dma_start3A_543] : memref<4096x200x64xf32, #tpu.memory_space<hbm>> -> memref<1x80x64xf32, #tpu.memory_space<hbm>>
      %dma_start3A_545 = tpu.memref_squeeze %dma_start3A_544 : memref<1x80x64xf32, #tpu.memory_space<hbm>> -> memref<80x64xf32, #tpu.memory_space<hbm>>
      %dma_start3A_546 = arith.constant 120 : i32
      %dma_start3A_547 = arith.constant 0 : i32
      %dma_start3A_548 = tpu.memref_slice %arg5[%add3A_533, %dma_start3A_546, %dma_start3A_547] : memref<4096x200x64xf32, #tpu.memory_space<hbm>> -> memref<1x80x64xf32, #tpu.memory_space<hbm>>
      %dma_start3A_549 = tpu.memref_squeeze %dma_start3A_548 : memref<1x80x64xf32, #tpu.memory_space<hbm>> -> memref<80x64xf32, #tpu.memory_space<hbm>>
      tpu.enqueue_dma source(%arg13 : memref<80x64xf32, #tpu.memory_space<vmem>>) target(%dma_start3A_549 : memref<80x64xf32, #tpu.memory_space<hbm>>) target_semaphore(%arg29 : memref<!tpu.dma_semaphore, #tpu.memory_space<semaphore_mem>>)
      %mul3A_550 = arith.constant 4 : i32
      %mul3A_551 = arith.muli %scan3A_310, %mul3A_550 : i32
      %add3A_552 = arith.constant 2 : i32
      %add3A_553 = arith.addi %add3A_552, %mul3A_551 : i32
      %add3A_554 = arith.constant 3 : i32
      %add3A_555 = arith.addi %add3A_553, %add3A_554 : i32
      %sub3A_556 = arith.constant 2 : i32
      %sub3A_557 = arith.subi %add3A_555, %sub3A_556 : i32
      %add3A_558 = arith.addi %mul3A_2, %sub3A_557 : i32
      %dma_wait3A_559 = arith.constant 0 : i32
      %dma_wait3A_560 = arith.constant 0 : i32
      %dma_wait3A_561 = tpu.memref_slice %arg5[%add3A_558, %dma_wait3A_559, %dma_wait3A_560] : memref<4096x200x64xf32, #tpu.memory_space<hbm>> -> memref<1x120x64xf32, #tpu.memory_space<hbm>>
      %dma_wait3A_562 = tpu.memref_squeeze %dma_wait3A_561 : memref<1x120x64xf32, #tpu.memory_space<hbm>> -> memref<120x64xf32, #tpu.memory_space<hbm>>
      %dma_wait3A_563 = arith.constant 0 : i32
      %dma_wait3A_564 = arith.constant 0 : i32
      %dma_wait3A_565 = tpu.memref_slice %arg5[%add3A_558, %dma_wait3A_563, %dma_wait3A_564] : memref<4096x200x64xf32, #tpu.memory_space<hbm>> -> memref<1x120x64xf32, #tpu.memory_space<hbm>>
      %dma_wait3A_566 = tpu.memref_squeeze %dma_wait3A_565 : memref<1x120x64xf32, #tpu.memory_space<hbm>> -> memref<120x64xf32, #tpu.memory_space<hbm>>
      tpu.wait_dma2 semaphore(%arg28 : memref<!tpu.dma_semaphore, #tpu.memory_space<semaphore_mem>>) src(%arg12 : memref<120x64xf32, #tpu.memory_space<vmem>>) dst(%dma_wait3A_566 : memref<120x64xf32, #tpu.memory_space<hbm>>)
      %dma_wait3A_567 = arith.constant 120 : i32
      %dma_wait3A_568 = arith.constant 0 : i32
      %dma_wait3A_569 = tpu.memref_slice %arg5[%add3A_558, %dma_wait3A_567, %dma_wait3A_568] : memref<4096x200x64xf32, #tpu.memory_space<hbm>> -> memref<1x80x64xf32, #tpu.memory_space<hbm>>
      %dma_wait3A_570 = tpu.memref_squeeze %dma_wait3A_569 : memref<1x80x64xf32, #tpu.memory_space<hbm>> -> memref<80x64xf32, #tpu.memory_space<hbm>>
      %dma_wait3A_571 = arith.constant 120 : i32
      %dma_wait3A_572 = arith.constant 0 : i32
      %dma_wait3A_573 = tpu.memref_slice %arg5[%add3A_558, %dma_wait3A_571, %dma_wait3A_572] : memref<4096x200x64xf32, #tpu.memory_space<hbm>> -> memref<1x80x64xf32, #tpu.memory_space<hbm>>
      %dma_wait3A_574 = tpu.memref_squeeze %dma_wait3A_573 : memref<1x80x64xf32, #tpu.memory_space<hbm>> -> memref<80x64xf32, #tpu.memory_space<hbm>>
      tpu.wait_dma2 semaphore(%arg32 : memref<!tpu.dma_semaphore, #tpu.memory_space<semaphore_mem>>) src(%arg16 : memref<80x64xf32, #tpu.memory_space<vmem>>) dst(%dma_wait3A_574 : memref<80x64xf32, #tpu.memory_space<hbm>>)
      %add3A_575 = arith.constant 2 : i32
      %add3A_576 = arith.addi %add3A_555, %add3A_575 : i32
      %dma_start3A_577 = arith.constant 0 : i32
      %dma_start3A_578 = tpu.memref_slice %arg6[%add3A_576, %dma_start3A_577] : memref<128x120xi32, #tpu.memory_space<vmem>> -> memref<1x120xi32, #tpu.memory_space<vmem>>
      %dma_start3A_579 = tpu.memref_squeeze %dma_start3A_578 : memref<1x120xi32, #tpu.memory_space<vmem>> -> memref<120xi32, #tpu.memory_space<vmem>>
      %dma_start3A_580 = arith.constant 0 : i32
      %dma_start3A_581 = arith.constant 0 : i32
      %dma_start3A_582 = tpu.memref_slice %arg3[%dma_start3A_580, %dma_start3A_581] : memref<1000000x64xf32, #tpu.memory_space<hbm>> -> memref<1000000x64xf32, #tpu.memory_space<hbm>>
      tpu.enqueue_indirect_dma source(%dma_start3A_582 : memref<1000000x64xf32, #tpu.memory_space<hbm>>) target(%arg12 : memref<120x64xf32, #tpu.memory_space<vmem>>) offsets(%dma_start3A_579 : memref<120xi32, #tpu.memory_space<vmem>>) semaphore(%arg20 : memref<!tpu.dma_semaphore, #tpu.memory_space<semaphore_mem>>)
      %dma_start3A_583 = arith.constant 0 : i32
      %dma_start3A_584 = tpu.memref_slice %arg7[%add3A_576, %dma_start3A_583] : memref<128x80xi32, #tpu.memory_space<vmem>> -> memref<1x80xi32, #tpu.memory_space<vmem>>
      %dma_start3A_585 = tpu.memref_squeeze %dma_start3A_584 : memref<1x80xi32, #tpu.memory_space<vmem>> -> memref<80xi32, #tpu.memory_space<vmem>>
      %dma_start3A_586 = arith.constant 0 : i32
      %dma_start3A_587 = arith.constant 0 : i32
      %dma_start3A_588 = tpu.memref_slice %arg3[%dma_start3A_586, %dma_start3A_587] : memref<1000000x64xf32, #tpu.memory_space<hbm>> -> memref<1000000x64xf32, #tpu.memory_space<hbm>>
      tpu.enqueue_indirect_dma source(%dma_start3A_588 : memref<1000000x64xf32, #tpu.memory_space<hbm>>) target(%arg16 : memref<80x64xf32, #tpu.memory_space<vmem>>) offsets(%dma_start3A_585 : memref<80xi32, #tpu.memory_space<vmem>>) semaphore(%arg24 : memref<!tpu.dma_semaphore, #tpu.memory_space<semaphore_mem>>)
      %dma_wait3A_589 = arith.constant 0 : i32
      %dma_wait3A_590 = tpu.memref_slice %arg6[%add3A_555, %dma_wait3A_589] : memref<128x120xi32, #tpu.memory_space<vmem>> -> memref<1x120xi32, #tpu.memory_space<vmem>>
      %dma_wait3A_591 = tpu.memref_squeeze %dma_wait3A_590 : memref<1x120xi32, #tpu.memory_space<vmem>> -> memref<120xi32, #tpu.memory_space<vmem>>
      %dma_wait3A_592 = arith.constant 0 : i32
      %dma_wait3A_593 = arith.constant 0 : i32
      %dma_wait3A_594 = tpu.memref_slice %arg3[%dma_wait3A_592, %dma_wait3A_593] : memref<1000000x64xf32, #tpu.memory_space<hbm>> -> memref<1000000x64xf32, #tpu.memory_space<hbm>>
      tpu.wait_indirect_dma semaphore(%arg18 : memref<!tpu.dma_semaphore, #tpu.memory_space<semaphore_mem>>) src(%dma_wait3A_594 : memref<1000000x64xf32, #tpu.memory_space<hbm>>) dst(%arg10 : memref<120x64xf32, #tpu.memory_space<vmem>>)
      %dma_wait3A_595 = arith.constant 0 : i32
      %dma_wait3A_596 = tpu.memref_slice %arg7[%add3A_555, %dma_wait3A_595] : memref<128x80xi32, #tpu.memory_space<vmem>> -> memref<1x80xi32, #tpu.memory_space<vmem>>
      %dma_wait3A_597 = tpu.memref_squeeze %dma_wait3A_596 : memref<1x80xi32, #tpu.memory_space<vmem>> -> memref<80xi32, #tpu.memory_space<vmem>>
      %dma_wait3A_598 = arith.constant 0 : i32
      %dma_wait3A_599 = arith.constant 0 : i32
      %dma_wait3A_600 = tpu.memref_slice %arg3[%dma_wait3A_598, %dma_wait3A_599] : memref<1000000x64xf32, #tpu.memory_space<hbm>> -> memref<1000000x64xf32, #tpu.memory_space<hbm>>
      tpu.wait_indirect_dma semaphore(%arg22 : memref<!tpu.dma_semaphore, #tpu.memory_space<semaphore_mem>>) src(%dma_wait3A_600 : memref<1000000x64xf32, #tpu.memory_space<hbm>>) dst(%arg14 : memref<80x64xf32, #tpu.memory_space<vmem>>)
      %scan3A_601 = arith.constant 0 : i32
      %scan3A_602 = arith.constant 0 : i32
      %scan3A_603 = arith.constant 120 : i32
      %scan3A_604 = arith.addi %scan3A_602, %scan3A_603 : i32
      %scan3A_605 = arith.constant 1 : i32
      scf.for %scan3A_630 = %scan3A_602 to %scan3A_604 step %scan3A_605  : i32 {
        %get3A = arith.index_cast %scan3A_630 : i32 to index
        %get3A_631 = arith.constant 0 : index
        %get3A_632 = tpu.vector_load %arg10[%get3A, %get3A_631] {strides = array<i32>} : memref<120x64xf32, #tpu.memory_space<vmem>>, vector<1x16xf32>,
        %get3A_633 = vector.shape_cast %get3A_632 : vector<1x16xf32> to vector<16xf32>
        %get3A_634 = arith.index_cast %scan3A_630 : i32 to index
        %get3A_635 = arith.constant 0 : index
        %get3A_636 = tpu.vector_load %arg8[%get3A_634, %get3A_635] {strides = array<i32>} : memref<200x64xf32, #tpu.memory_space<vmem>>, vector<1x16xf32>,
        %get3A_637 = vector.shape_cast %get3A_636 : vector<1x16xf32> to vector<16xf32>
        %add3A_638 = arith.addf %get3A_633, %get3A_637 : vector<16xf32>
        %swap3A = arith.index_cast %scan3A_630 : i32 to index
        %swap3A_639 = arith.constant 0 : index
        %swap3A_640 = tpu.vector_load %arg10[%swap3A, %swap3A_639] {strides = array<i32>} : memref<120x64xf32, #tpu.memory_space<vmem>>, vector<1x16xf32>,
        %swap3A_641 = vector.shape_cast %swap3A_640 : vector<1x16xf32> to vector<16xf32>
        %swap3A_642 = vector.shape_cast %add3A_638 : vector<16xf32> to vector<1x16xf32>
        tpu.vector_store %arg10[%swap3A, %swap3A_639], %swap3A_642 {strides = array<i32>} : memref<120x64xf32, #tpu.memory_space<vmem>>, vector<1x16xf32>,
        %get3A_643 = arith.index_cast %scan3A_630 : i32 to index
        %get3A_644 = arith.constant 16 : index
        %get3A_645 = tpu.vector_load %arg10[%get3A_643, %get3A_644] {strides = array<i32>} : memref<120x64xf32, #tpu.memory_space<vmem>>, vector<1x16xf32>,
        %get3A_646 = vector.shape_cast %get3A_645 : vector<1x16xf32> to vector<16xf32>
        %get3A_647 = arith.index_cast %scan3A_630 : i32 to index
        %get3A_648 = arith.constant 16 : index
        %get3A_649 = tpu.vector_load %arg8[%get3A_647, %get3A_648] {strides = array<i32>} : memref<200x64xf32, #tpu.memory_space<vmem>>, vector<1x16xf32>,
        %get3A_650 = vector.shape_cast %get3A_649 : vector<1x16xf32> to vector<16xf32>
        %add3A_651 = arith.addf %get3A_646, %get3A_650 : vector<16xf32>
        %swap3A_652 = arith.index_cast %scan3A_630 : i32 to index
        %swap3A_653 = arith.constant 16 : index
        %swap3A_654 = tpu.vector_load %arg10[%swap3A_652, %swap3A_653] {strides = array<i32>} : memref<120x64xf32, #tpu.memory_space<vmem>>, vector<1x16xf32>,
        %swap3A_655 = vector.shape_cast %swap3A_654 : vector<1x16xf32> to vector<16xf32>
        %swap3A_656 = vector.shape_cast %add3A_651 : vector<16xf32> to vector<1x16xf32>
        tpu.vector_store %arg10[%swap3A_652, %swap3A_653], %swap3A_656 {strides = array<i32>} : memref<120x64xf32, #tpu.memory_space<vmem>>, vector<1x16xf32>,
        %get3A_657 = arith.index_cast %scan3A_630 : i32 to index
        %get3A_658 = arith.constant 32 : index
        %get3A_659 = tpu.vector_load %arg10[%get3A_657, %get3A_658] {strides = array<i32>} : memref<120x64xf32, #tpu.memory_space<vmem>>, vector<1x16xf32>,
        %get3A_660 = vector.shape_cast %get3A_659 : vector<1x16xf32> to vector<16xf32>
        %get3A_661 = arith.index_cast %scan3A_630 : i32 to index
        %get3A_662 = arith.constant 32 : index
        %get3A_663 = tpu.vector_load %arg8[%get3A_661, %get3A_662] {strides = array<i32>} : memref<200x64xf32, #tpu.memory_space<vmem>>, vector<1x16xf32>,
        %get3A_664 = vector.shape_cast %get3A_663 : vector<1x16xf32> to vector<16xf32>
        %add3A_665 = arith.addf %get3A_660, %get3A_664 : vector<16xf32>
        %swap3A_666 = arith.index_cast %scan3A_630 : i32 to index
        %swap3A_667 = arith.constant 32 : index
        %swap3A_668 = tpu.vector_load %arg10[%swap3A_666, %swap3A_667] {strides = array<i32>} : memref<120x64xf32, #tpu.memory_space<vmem>>, vector<1x16xf32>,
        %swap3A_669 = vector.shape_cast %swap3A_668 : vector<1x16xf32> to vector<16xf32>
        %swap3A_670 = vector.shape_cast %add3A_665 : vector<16xf32> to vector<1x16xf32>
        tpu.vector_store %arg10[%swap3A_666, %swap3A_667], %swap3A_670 {strides = array<i32>} : memref<120x64xf32, #tpu.memory_space<vmem>>, vector<1x16xf32>,
        %get3A_671 = arith.index_cast %scan3A_630 : i32 to index
        %get3A_672 = arith.constant 48 : index
        %get3A_673 = tpu.vector_load %arg10[%get3A_671, %get3A_672] {strides = array<i32>} : memref<120x64xf32, #tpu.memory_space<vmem>>, vector<1x16xf32>,
        %get3A_674 = vector.shape_cast %get3A_673 : vector<1x16xf32> to vector<16xf32>
        %get3A_675 = arith.index_cast %scan3A_630 : i32 to index
        %get3A_676 = arith.constant 48 : index
        %get3A_677 = tpu.vector_load %arg8[%get3A_675, %get3A_676] {strides = array<i32>} : memref<200x64xf32, #tpu.memory_space<vmem>>, vector<1x16xf32>,
        %get3A_678 = vector.shape_cast %get3A_677 : vector<1x16xf32> to vector<16xf32>
        %add3A_679 = arith.addf %get3A_674, %get3A_678 : vector<16xf32>
        %swap3A_680 = arith.index_cast %scan3A_630 : i32 to index
        %swap3A_681 = arith.constant 48 : index
        %swap3A_682 = tpu.vector_load %arg10[%swap3A_680, %swap3A_681] {strides = array<i32>} : memref<120x64xf32, #tpu.memory_space<vmem>>, vector<1x16xf32>,
        %swap3A_683 = vector.shape_cast %swap3A_682 : vector<1x16xf32> to vector<16xf32>
        %swap3A_684 = vector.shape_cast %add3A_679 : vector<16xf32> to vector<1x16xf32>
        tpu.vector_store %arg10[%swap3A_680, %swap3A_681], %swap3A_684 {strides = array<i32>} : memref<120x64xf32, #tpu.memory_space<vmem>>, vector<1x16xf32>,
      }
      %scan3A_606 = arith.constant 120 : i32
      %scan3A_607 = arith.constant 0 : i32
      %scan3A_608 = arith.constant 0 : i32
      %scan3A_609 = arith.constant 80 : i32
      %scan3A_610 = arith.addi %scan3A_608, %scan3A_609 : i32
      %scan3A_611 = arith.constant 1 : i32
      scf.for %scan3A_630 = %scan3A_608 to %scan3A_610 step %scan3A_611  : i32 {
        %get3A = arith.index_cast %scan3A_630 : i32 to index
        %get3A_631 = arith.constant 0 : index
        %get3A_632 = tpu.vector_load %arg14[%get3A, %get3A_631] {strides = array<i32>} : memref<80x64xf32, #tpu.memory_space<vmem>>, vector<1x16xf32>,
        %get3A_633 = vector.shape_cast %get3A_632 : vector<1x16xf32> to vector<16xf32>
        %add3A_634 = arith.constant 120 : i32
        %add3A_635 = arith.addi %add3A_634, %scan3A_630 : i32
        %get3A_636 = arith.index_cast %add3A_635 : i32 to index
        %get3A_637 = arith.constant 0 : index
        %get3A_638 = tpu.vector_load %arg8[%get3A_636, %get3A_637] {strides = array<i32>} : memref<200x64xf32, #tpu.memory_space<vmem>>, vector<1x16xf32>,
        %get3A_639 = vector.shape_cast %get3A_638 : vector<1x16xf32> to vector<16xf32>
        %add3A_640 = arith.addf %get3A_633, %get3A_639 : vector<16xf32>
        %swap3A = arith.index_cast %scan3A_630 : i32 to index
        %swap3A_641 = arith.constant 0 : index
        %swap3A_642 = tpu.vector_load %arg14[%swap3A, %swap3A_641] {strides = array<i32>} : memref<80x64xf32, #tpu.memory_space<vmem>>, vector<1x16xf32>,
        %swap3A_643 = vector.shape_cast %swap3A_642 : vector<1x16xf32> to vector<16xf32>
        %swap3A_644 = vector.shape_cast %add3A_640 : vector<16xf32> to vector<1x16xf32>
        tpu.vector_store %arg14[%swap3A, %swap3A_641], %swap3A_644 {strides = array<i32>} : memref<80x64xf32, #tpu.memory_space<vmem>>, vector<1x16xf32>,
        %get3A_645 = arith.index_cast %scan3A_630 : i32 to index
        %get3A_646 = arith.constant 16 : index
        %get3A_647 = tpu.vector_load %arg14[%get3A_645, %get3A_646] {strides = array<i32>} : memref<80x64xf32, #tpu.memory_space<vmem>>, vector<1x16xf32>,
        %get3A_648 = vector.shape_cast %get3A_647 : vector<1x16xf32> to vector<16xf32>
        %add3A_649 = arith.constant 120 : i32
        %add3A_650 = arith.addi %add3A_649, %scan3A_630 : i32
        %get3A_651 = arith.index_cast %add3A_650 : i32 to index
        %get3A_652 = arith.constant 16 : index
        %get3A_653 = tpu.vector_load %arg8[%get3A_651, %get3A_652] {strides = array<i32>} : memref<200x64xf32, #tpu.memory_space<vmem>>, vector<1x16xf32>,
        %get3A_654 = vector.shape_cast %get3A_653 : vector<1x16xf32> to vector<16xf32>
        %add3A_655 = arith.addf %get3A_648, %get3A_654 : vector<16xf32>
        %swap3A_656 = arith.index_cast %scan3A_630 : i32 to index
        %swap3A_657 = arith.constant 16 : index
        %swap3A_658 = tpu.vector_load %arg14[%swap3A_656, %swap3A_657] {strides = array<i32>} : memref<80x64xf32, #tpu.memory_space<vmem>>, vector<1x16xf32>,
        %swap3A_659 = vector.shape_cast %swap3A_658 : vector<1x16xf32> to vector<16xf32>
        %swap3A_660 = vector.shape_cast %add3A_655 : vector<16xf32> to vector<1x16xf32>
        tpu.vector_store %arg14[%swap3A_656, %swap3A_657], %swap3A_660 {strides = array<i32>} : memref<80x64xf32, #tpu.memory_space<vmem>>, vector<1x16xf32>,
        %get3A_661 = arith.index_cast %scan3A_630 : i32 to index
        %get3A_662 = arith.constant 32 : index
        %get3A_663 = tpu.vector_load %arg14[%get3A_661, %get3A_662] {strides = array<i32>} : memref<80x64xf32, #tpu.memory_space<vmem>>, vector<1x16xf32>,
        %get3A_664 = vector.shape_cast %get3A_663 : vector<1x16xf32> to vector<16xf32>
        %add3A_665 = arith.constant 120 : i32
        %add3A_666 = arith.addi %add3A_665, %scan3A_630 : i32
        %get3A_667 = arith.index_cast %add3A_666 : i32 to index
        %get3A_668 = arith.constant 32 : index
        %get3A_669 = tpu.vector_load %arg8[%get3A_667, %get3A_668] {strides = array<i32>} : memref<200x64xf32, #tpu.memory_space<vmem>>, vector<1x16xf32>,
        %get3A_670 = vector.shape_cast %get3A_669 : vector<1x16xf32> to vector<16xf32>
        %add3A_671 = arith.addf %get3A_664, %get3A_670 : vector<16xf32>
        %swap3A_672 = arith.index_cast %scan3A_630 : i32 to index
        %swap3A_673 = arith.constant 32 : index
        %swap3A_674 = tpu.vector_load %arg14[%swap3A_672, %swap3A_673] {strides = array<i32>} : memref<80x64xf32, #tpu.memory_space<vmem>>, vector<1x16xf32>,
        %swap3A_675 = vector.shape_cast %swap3A_674 : vector<1x16xf32> to vector<16xf32>
        %swap3A_676 = vector.shape_cast %add3A_671 : vector<16xf32> to vector<1x16xf32>
        tpu.vector_store %arg14[%swap3A_672, %swap3A_673], %swap3A_676 {strides = array<i32>} : memref<80x64xf32, #tpu.memory_space<vmem>>, vector<1x16xf32>,
        %get3A_677 = arith.index_cast %scan3A_630 : i32 to index
        %get3A_678 = arith.constant 48 : index
        %get3A_679 = tpu.vector_load %arg14[%get3A_677, %get3A_678] {strides = array<i32>} : memref<80x64xf32, #tpu.memory_space<vmem>>, vector<1x16xf32>,
        %get3A_680 = vector.shape_cast %get3A_679 : vector<1x16xf32> to vector<16xf32>
        %add3A_681 = arith.constant 120 : i32
        %add3A_682 = arith.addi %add3A_681, %scan3A_630 : i32
        %get3A_683 = arith.index_cast %add3A_682 : i32 to index
        %get3A_684 = arith.constant 48 : index
        %get3A_685 = tpu.vector_load %arg8[%get3A_683, %get3A_684] {strides = array<i32>} : memref<200x64xf32, #tpu.memory_space<vmem>>, vector<1x16xf32>,
        %get3A_686 = vector.shape_cast %get3A_685 : vector<1x16xf32> to vector<16xf32>
        %add3A_687 = arith.addf %get3A_680, %get3A_686 : vector<16xf32>
        %swap3A_688 = arith.index_cast %scan3A_630 : i32 to index
        %swap3A_689 = arith.constant 48 : index
        %swap3A_690 = tpu.vector_load %arg14[%swap3A_688, %swap3A_689] {strides = array<i32>} : memref<80x64xf32, #tpu.memory_space<vmem>>, vector<1x16xf32>,
        %swap3A_691 = vector.shape_cast %swap3A_690 : vector<1x16xf32> to vector<16xf32>
        %swap3A_692 = vector.shape_cast %add3A_687 : vector<16xf32> to vector<1x16xf32>
        tpu.vector_store %arg14[%swap3A_688, %swap3A_689], %swap3A_692 {strides = array<i32>} : memref<80x64xf32, #tpu.memory_space<vmem>>, vector<1x16xf32>,
      }
      %scan3A_612 = arith.constant 80 : i32
      %add3A_613 = arith.addi %mul3A_2, %add3A_555 : i32
      %dma_start3A_614 = arith.constant 0 : i32
      %dma_start3A_615 = arith.constant 0 : i32
      %dma_start3A_616 = tpu.memref_slice %arg5[%add3A_613, %dma_start3A_614, %dma_start3A_615] : memref<4096x200x64xf32, #tpu.memory_space<hbm>> -> memref<1x120x64xf32, #tpu.memory_space<hbm>>
      %dma_start3A_617 = tpu.memref_squeeze %dma_start3A_616 : memref<1x120x64xf32, #tpu.memory_space<hbm>> -> memref<120x64xf32, #tpu.memory_space<hbm>>
      %dma_start3A_618 = arith.constant 0 : i32
      %dma_start3A_619 = arith.constant 0 : i32
      %dma_start3A_620 = tpu.memref_slice %arg5[%add3A_613, %dma_start3A_618, %dma_start3A_619] : memref<4096x200x64xf32, #tpu.memory_space<hbm>> -> memref<1x120x64xf32, #tpu.memory_space<hbm>>
      %dma_start3A_621 = tpu.memref_squeeze %dma_start3A_620 : memref<1x120x64xf32, #tpu.memory_space<hbm>> -> memref<120x64xf32, #tpu.memory_space<hbm>>
      tpu.enqueue_dma source(%arg10 : memref<120x64xf32, #tpu.memory_space<vmem>>) target(%dma_start3A_621 : memref<120x64xf32, #tpu.memory_space<hbm>>) target_semaphore(%arg26 : memref<!tpu.dma_semaphore, #tpu.memory_space<semaphore_mem>>)
      %dma_start3A_622 = arith.constant 120 : i32
      %dma_start3A_623 = arith.constant 0 : i32
      %dma_start3A_624 = tpu.memref_slice %arg5[%add3A_613, %dma_start3A_622, %dma_start3A_623] : memref<4096x200x64xf32, #tpu.memory_space<hbm>> -> memref<1x80x64xf32, #tpu.memory_space<hbm>>
      %dma_start3A_625 = tpu.memref_squeeze %dma_start3A_624 : memref<1x80x64xf32, #tpu.memory_space<hbm>> -> memref<80x64xf32, #tpu.memory_space<hbm>>
      %dma_start3A_626 = arith.constant 120 : i32
      %dma_start3A_627 = arith.constant 0 : i32
      %dma_start3A_628 = tpu.memref_slice %arg5[%add3A_613, %dma_start3A_626, %dma_start3A_627] : memref<4096x200x64xf32, #tpu.memory_space<hbm>> -> memref<1x80x64xf32, #tpu.memory_space<hbm>>
      %dma_start3A_629 = tpu.memref_squeeze %dma_start3A_628 : memref<1x80x64xf32, #tpu.memory_space<hbm>> -> memref<80x64xf32, #tpu.memory_space<hbm>>
      tpu.enqueue_dma source(%arg14 : memref<80x64xf32, #tpu.memory_space<vmem>>) target(%dma_start3A_629 : memref<80x64xf32, #tpu.memory_space<hbm>>) target_semaphore(%arg30 : memref<!tpu.dma_semaphore, #tpu.memory_space<semaphore_mem>>)
    }
    %scan3A_149 = arith.constant 31 : i32
    %add3A_150 = arith.constant 124 : i32
    %add3A_151 = arith.addi %mul3A_2, %add3A_150 : i32
    %dma_wait3A_152 = arith.constant 0 : i32
    %dma_wait3A_153 = arith.constant 0 : i32
    %dma_wait3A_154 = tpu.memref_slice %arg5[%add3A_151, %dma_wait3A_152, %dma_wait3A_153] : memref<4096x200x64xf32, #tpu.memory_space<hbm>> -> memref<1x120x64xf32, #tpu.memory_space<hbm>>
    %dma_wait3A_155 = tpu.memref_squeeze %dma_wait3A_154 : memref<1x120x64xf32, #tpu.memory_space<hbm>> -> memref<120x64xf32, #tpu.memory_space<hbm>>
    %dma_wait3A_156 = arith.constant 0 : i32
    %dma_wait3A_157 = arith.constant 0 : i32
    %dma_wait3A_158 = tpu.memref_slice %arg5[%add3A_151, %dma_wait3A_156, %dma_wait3A_157] : memref<4096x200x64xf32, #tpu.memory_space<hbm>> -> memref<1x120x64xf32, #tpu.memory_space<hbm>>
    %dma_wait3A_159 = tpu.memref_squeeze %dma_wait3A_158 : memref<1x120x64xf32, #tpu.memory_space<hbm>> -> memref<120x64xf32, #tpu.memory_space<hbm>>
    tpu.wait_dma2 semaphore(%arg25 : memref<!tpu.dma_semaphore, #tpu.memory_space<semaphore_mem>>) src(%arg9 : memref<120x64xf32, #tpu.memory_space<vmem>>) dst(%dma_wait3A_159 : memref<120x64xf32, #tpu.memory_space<hbm>>)
    %dma_wait3A_160 = arith.constant 120 : i32
    %dma_wait3A_161 = arith.constant 0 : i32
    %dma_wait3A_162 = tpu.memref_slice %arg5[%add3A_151, %dma_wait3A_160, %dma_wait3A_161] : memref<4096x200x64xf32, #tpu.memory_space<hbm>> -> memref<1x80x64xf32, #tpu.memory_space<hbm>>
    %dma_wait3A_163 = tpu.memref_squeeze %dma_wait3A_162 : memref<1x80x64xf32, #tpu.memory_space<hbm>> -> memref<80x64xf32, #tpu.memory_space<hbm>>
    %dma_wait3A_164 = arith.constant 120 : i32
    %dma_wait3A_165 = arith.constant 0 : i32
    %dma_wait3A_166 = tpu.memref_slice %arg5[%add3A_151, %dma_wait3A_164, %dma_wait3A_165] : memref<4096x200x64xf32, #tpu.memory_space<hbm>> -> memref<1x80x64xf32, #tpu.memory_space<hbm>>
    %dma_wait3A_167 = tpu.memref_squeeze %dma_wait3A_166 : memref<1x80x64xf32, #tpu.memory_space<hbm>> -> memref<80x64xf32, #tpu.memory_space<hbm>>
    tpu.wait_dma2 semaphore(%arg29 : memref<!tpu.dma_semaphore, #tpu.memory_space<semaphore_mem>>) src(%arg13 : memref<80x64xf32, #tpu.memory_space<vmem>>) dst(%dma_wait3A_167 : memref<80x64xf32, #tpu.memory_space<hbm>>)
    %dma_wait3A_168 = arith.constant 126 : i32
    %dma_wait3A_169 = arith.constant 0 : i32
    %dma_wait3A_170 = tpu.memref_slice %arg6[%dma_wait3A_168, %dma_wait3A_169] : memref<128x120xi32, #tpu.memory_space<vmem>> -> memref<1x120xi32, #tpu.memory_space<vmem>>
    %dma_wait3A_171 = tpu.memref_squeeze %dma_wait3A_170 : memref<1x120xi32, #tpu.memory_space<vmem>> -> memref<120xi32, #tpu.memory_space<vmem>>
    %dma_wait3A_172 = arith.constant 0 : i32
    %dma_wait3A_173 = arith.constant 0 : i32
    %dma_wait3A_174 = tpu.memref_slice %arg3[%dma_wait3A_172, %dma_wait3A_173] : memref<1000000x64xf32, #tpu.memory_space<hbm>> -> memref<1000000x64xf32, #tpu.memory_space<hbm>>
    tpu.wait_indirect_dma semaphore(%arg19 : memref<!tpu.dma_semaphore, #tpu.memory_space<semaphore_mem>>) src(%dma_wait3A_174 : memref<1000000x64xf32, #tpu.memory_space<hbm>>) dst(%arg11 : memref<120x64xf32, #tpu.memory_space<vmem>>)
    %dma_wait3A_175 = arith.constant 126 : i32
    %dma_wait3A_176 = arith.constant 0 : i32
    %dma_wait3A_177 = tpu.memref_slice %arg7[%dma_wait3A_175, %dma_wait3A_176] : memref<128x80xi32, #tpu.memory_space<vmem>> -> memref<1x80xi32, #tpu.memory_space<vmem>>
    %dma_wait3A_178 = tpu.memref_squeeze %dma_wait3A_177 : memref<1x80xi32, #tpu.memory_space<vmem>> -> memref<80xi32, #tpu.memory_space<vmem>>
    %dma_wait3A_179 = arith.constant 0 : i32
    %dma_wait3A_180 = arith.constant 0 : i32
    %dma_wait3A_181 = tpu.memref_slice %arg3[%dma_wait3A_179, %dma_wait3A_180] : memref<1000000x64xf32, #tpu.memory_space<hbm>> -> memref<1000000x64xf32, #tpu.memory_space<hbm>>
    tpu.wait_indirect_dma semaphore(%arg23 : memref<!tpu.dma_semaphore, #tpu.memory_space<semaphore_mem>>) src(%dma_wait3A_181 : memref<1000000x64xf32, #tpu.memory_space<hbm>>) dst(%arg15 : memref<80x64xf32, #tpu.memory_space<vmem>>)
    %scan3A_182 = arith.constant 0 : i32
    %scan3A_183 = arith.constant 0 : i32
    %scan3A_184 = arith.constant 120 : i32
    %scan3A_185 = arith.addi %scan3A_183, %scan3A_184 : i32
    %scan3A_186 = arith.constant 1 : i32
    scf.for %scan3A_310 = %scan3A_183 to %scan3A_185 step %scan3A_186  : i32 {
      %get3A = arith.index_cast %scan3A_310 : i32 to index
      %get3A_311 = arith.constant 0 : index
      %get3A_312 = tpu.vector_load %arg11[%get3A, %get3A_311] {strides = array<i32>} : memref<120x64xf32, #tpu.memory_space<vmem>>, vector<1x16xf32>,
      %get3A_313 = vector.shape_cast %get3A_312 : vector<1x16xf32> to vector<16xf32>
      %get3A_314 = arith.index_cast %scan3A_310 : i32 to index
      %get3A_315 = arith.constant 0 : index
      %get3A_316 = tpu.vector_load %arg8[%get3A_314, %get3A_315] {strides = array<i32>} : memref<200x64xf32, #tpu.memory_space<vmem>>, vector<1x16xf32>,
      %get3A_317 = vector.shape_cast %get3A_316 : vector<1x16xf32> to vector<16xf32>
      %add3A_318 = arith.addf %get3A_313, %get3A_317 : vector<16xf32>
      %swap3A = arith.index_cast %scan3A_310 : i32 to index
      %swap3A_319 = arith.constant 0 : index
      %swap3A_320 = tpu.vector_load %arg11[%swap3A, %swap3A_319] {strides = array<i32>} : memref<120x64xf32, #tpu.memory_space<vmem>>, vector<1x16xf32>,
      %swap3A_321 = vector.shape_cast %swap3A_320 : vector<1x16xf32> to vector<16xf32>
      %swap3A_322 = vector.shape_cast %add3A_318 : vector<16xf32> to vector<1x16xf32>
      tpu.vector_store %arg11[%swap3A, %swap3A_319], %swap3A_322 {strides = array<i32>} : memref<120x64xf32, #tpu.memory_space<vmem>>, vector<1x16xf32>,
      %get3A_323 = arith.index_cast %scan3A_310 : i32 to index
      %get3A_324 = arith.constant 16 : index
      %get3A_325 = tpu.vector_load %arg11[%get3A_323, %get3A_324] {strides = array<i32>} : memref<120x64xf32, #tpu.memory_space<vmem>>, vector<1x16xf32>,
      %get3A_326 = vector.shape_cast %get3A_325 : vector<1x16xf32> to vector<16xf32>
      %get3A_327 = arith.index_cast %scan3A_310 : i32 to index
      %get3A_328 = arith.constant 16 : index
      %get3A_329 = tpu.vector_load %arg8[%get3A_327, %get3A_328] {strides = array<i32>} : memref<200x64xf32, #tpu.memory_space<vmem>>, vector<1x16xf32>,
      %get3A_330 = vector.shape_cast %get3A_329 : vector<1x16xf32> to vector<16xf32>
      %add3A_331 = arith.addf %get3A_326, %get3A_330 : vector<16xf32>
      %swap3A_332 = arith.index_cast %scan3A_310 : i32 to index
      %swap3A_333 = arith.constant 16 : index
      %swap3A_334 = tpu.vector_load %arg11[%swap3A_332, %swap3A_333] {strides = array<i32>} : memref<120x64xf32, #tpu.memory_space<vmem>>, vector<1x16xf32>,
      %swap3A_335 = vector.shape_cast %swap3A_334 : vector<1x16xf32> to vector<16xf32>
      %swap3A_336 = vector.shape_cast %add3A_331 : vector<16xf32> to vector<1x16xf32>
      tpu.vector_store %arg11[%swap3A_332, %swap3A_333], %swap3A_336 {strides = array<i32>} : memref<120x64xf32, #tpu.memory_space<vmem>>, vector<1x16xf32>,
      %get3A_337 = arith.index_cast %scan3A_310 : i32 to index
      %get3A_338 = arith.constant 32 : index
      %get3A_339 = tpu.vector_load %arg11[%get3A_337, %get3A_338] {strides = array<i32>} : memref<120x64xf32, #tpu.memory_space<vmem>>, vector<1x16xf32>,
      %get3A_340 = vector.shape_cast %get3A_339 : vector<1x16xf32> to vector<16xf32>
      %get3A_341 = arith.index_cast %scan3A_310 : i32 to index
      %get3A_342 = arith.constant 32 : index
      %get3A_343 = tpu.vector_load %arg8[%get3A_341, %get3A_342] {strides = array<i32>} : memref<200x64xf32, #tpu.memory_space<vmem>>, vector<1x16xf32>,
      %get3A_344 = vector.shape_cast %get3A_343 : vector<1x16xf32> to vector<16xf32>
      %add3A_345 = arith.addf %get3A_340, %get3A_344 : vector<16xf32>
      %swap3A_346 = arith.index_cast %scan3A_310 : i32 to index
      %swap3A_347 = arith.constant 32 : index
      %swap3A_348 = tpu.vector_load %arg11[%swap3A_346, %swap3A_347] {strides = array<i32>} : memref<120x64xf32, #tpu.memory_space<vmem>>, vector<1x16xf32>,
      %swap3A_349 = vector.shape_cast %swap3A_348 : vector<1x16xf32> to vector<16xf32>
      %swap3A_350 = vector.shape_cast %add3A_345 : vector<16xf32> to vector<1x16xf32>
      tpu.vector_store %arg11[%swap3A_346, %swap3A_347], %swap3A_350 {strides = array<i32>} : memref<120x64xf32, #tpu.memory_space<vmem>>, vector<1x16xf32>,
      %get3A_351 = arith.index_cast %scan3A_310 : i32 to index
      %get3A_352 = arith.constant 48 : index
      %get3A_353 = tpu.vector_load %arg11[%get3A_351, %get3A_352] {strides = array<i32>} : memref<120x64xf32, #tpu.memory_space<vmem>>, vector<1x16xf32>,
      %get3A_354 = vector.shape_cast %get3A_353 : vector<1x16xf32> to vector<16xf32>
      %get3A_355 = arith.index_cast %scan3A_310 : i32 to index
      %get3A_356 = arith.constant 48 : index
      %get3A_357 = tpu.vector_load %arg8[%get3A_355, %get3A_356] {strides = array<i32>} : memref<200x64xf32, #tpu.memory_space<vmem>>, vector<1x16xf32>,
      %get3A_358 = vector.shape_cast %get3A_357 : vector<1x16xf32> to vector<16xf32>
      %add3A_359 = arith.addf %get3A_354, %get3A_358 : vector<16xf32>
      %swap3A_360 = arith.index_cast %scan3A_310 : i32 to index
      %swap3A_361 = arith.constant 48 : index
      %swap3A_362 = tpu.vector_load %arg11[%swap3A_360, %swap3A_361] {strides = array<i32>} : memref<120x64xf32, #tpu.memory_space<vmem>>, vector<1x16xf32>,
      %swap3A_363 = vector.shape_cast %swap3A_362 : vector<1x16xf32> to vector<16xf32>
      %swap3A_364 = vector.shape_cast %add3A_359 : vector<16xf32> to vector<1x16xf32>
      tpu.vector_store %arg11[%swap3A_360, %swap3A_361], %swap3A_364 {strides = array<i32>} : memref<120x64xf32, #tpu.memory_space<vmem>>, vector<1x16xf32>,
    }
    %scan3A_187 = arith.constant 120 : i32
    %scan3A_188 = arith.constant 0 : i32
    %scan3A_189 = arith.constant 0 : i32
    %scan3A_190 = arith.constant 80 : i32
    %scan3A_191 = arith.addi %scan3A_189, %scan3A_190 : i32
    %scan3A_192 = arith.constant 1 : i32
    scf.for %scan3A_310 = %scan3A_189 to %scan3A_191 step %scan3A_192  : i32 {
      %get3A = arith.index_cast %scan3A_310 : i32 to index
      %get3A_311 = arith.constant 0 : index
      %get3A_312 = tpu.vector_load %arg15[%get3A, %get3A_311] {strides = array<i32>} : memref<80x64xf32, #tpu.memory_space<vmem>>, vector<1x16xf32>,
      %get3A_313 = vector.shape_cast %get3A_312 : vector<1x16xf32> to vector<16xf32>
      %add3A_314 = arith.constant 120 : i32
      %add3A_315 = arith.addi %add3A_314, %scan3A_310 : i32
      %get3A_316 = arith.index_cast %add3A_315 : i32 to index
      %get3A_317 = arith.constant 0 : index
      %get3A_318 = tpu.vector_load %arg8[%get3A_316, %get3A_317] {strides = array<i32>} : memref<200x64xf32, #tpu.memory_space<vmem>>, vector<1x16xf32>,
      %get3A_319 = vector.shape_cast %get3A_318 : vector<1x16xf32> to vector<16xf32>
      %add3A_320 = arith.addf %get3A_313, %get3A_319 : vector<16xf32>
      %swap3A = arith.index_cast %scan3A_310 : i32 to index
      %swap3A_321 = arith.constant 0 : index
      %swap3A_322 = tpu.vector_load %arg15[%swap3A, %swap3A_321] {strides = array<i32>} : memref<80x64xf32, #tpu.memory_space<vmem>>, vector<1x16xf32>,
      %swap3A_323 = vector.shape_cast %swap3A_322 : vector<1x16xf32> to vector<16xf32>
      %swap3A_324 = vector.shape_cast %add3A_320 : vector<16xf32> to vector<1x16xf32>
      tpu.vector_store %arg15[%swap3A, %swap3A_321], %swap3A_324 {strides = array<i32>} : memref<80x64xf32, #tpu.memory_space<vmem>>, vector<1x16xf32>,
      %get3A_325 = arith.index_cast %scan3A_310 : i32 to index
      %get3A_326 = arith.constant 16 : index
      %get3A_327 = tpu.vector_load %arg15[%get3A_325, %get3A_326] {strides = array<i32>} : memref<80x64xf32, #tpu.memory_space<vmem>>, vector<1x16xf32>,
      %get3A_328 = vector.shape_cast %get3A_327 : vector<1x16xf32> to vector<16xf32>
      %add3A_329 = arith.constant 120 : i32
      %add3A_330 = arith.addi %add3A_329, %scan3A_310 : i32
      %get3A_331 = arith.index_cast %add3A_330 : i32 to index
      %get3A_332 = arith.constant 16 : index
      %get3A_333 = tpu.vector_load %arg8[%get3A_331, %get3A_332] {strides = array<i32>} : memref<200x64xf32, #tpu.memory_space<vmem>>, vector<1x16xf32>,
      %get3A_334 = vector.shape_cast %get3A_333 : vector<1x16xf32> to vector<16xf32>
      %add3A_335 = arith.addf %get3A_328, %get3A_334 : vector<16xf32>
      %swap3A_336 = arith.index_cast %scan3A_310 : i32 to index
      %swap3A_337 = arith.constant 16 : index
      %swap3A_338 = tpu.vector_load %arg15[%swap3A_336, %swap3A_337] {strides = array<i32>} : memref<80x64xf32, #tpu.memory_space<vmem>>, vector<1x16xf32>,
      %swap3A_339 = vector.shape_cast %swap3A_338 : vector<1x16xf32> to vector<16xf32>
      %swap3A_340 = vector.shape_cast %add3A_335 : vector<16xf32> to vector<1x16xf32>
      tpu.vector_store %arg15[%swap3A_336, %swap3A_337], %swap3A_340 {strides = array<i32>} : memref<80x64xf32, #tpu.memory_space<vmem>>, vector<1x16xf32>,
      %get3A_341 = arith.index_cast %scan3A_310 : i32 to index
      %get3A_342 = arith.constant 32 : index
      %get3A_343 = tpu.vector_load %arg15[%get3A_341, %get3A_342] {strides = array<i32>} : memref<80x64xf32, #tpu.memory_space<vmem>>, vector<1x16xf32>,
      %get3A_344 = vector.shape_cast %get3A_343 : vector<1x16xf32> to vector<16xf32>
      %add3A_345 = arith.constant 120 : i32
      %add3A_346 = arith.addi %add3A_345, %scan3A_310 : i32
      %get3A_347 = arith.index_cast %add3A_346 : i32 to index
      %get3A_348 = arith.constant 32 : index
      %get3A_349 = tpu.vector_load %arg8[%get3A_347, %get3A_348] {strides = array<i32>} : memref<200x64xf32, #tpu.memory_space<vmem>>, vector<1x16xf32>,
      %get3A_350 = vector.shape_cast %get3A_349 : vector<1x16xf32> to vector<16xf32>
      %add3A_351 = arith.addf %get3A_344, %get3A_350 : vector<16xf32>
      %swap3A_352 = arith.index_cast %scan3A_310 : i32 to index
      %swap3A_353 = arith.constant 32 : index
      %swap3A_354 = tpu.vector_load %arg15[%swap3A_352, %swap3A_353] {strides = array<i32>} : memref<80x64xf32, #tpu.memory_space<vmem>>, vector<1x16xf32>,
      %swap3A_355 = vector.shape_cast %swap3A_354 : vector<1x16xf32> to vector<16xf32>
      %swap3A_356 = vector.shape_cast %add3A_351 : vector<16xf32> to vector<1x16xf32>
      tpu.vector_store %arg15[%swap3A_352, %swap3A_353], %swap3A_356 {strides = array<i32>} : memref<80x64xf32, #tpu.memory_space<vmem>>, vector<1x16xf32>,
      %get3A_357 = arith.index_cast %scan3A_310 : i32 to index
      %get3A_358 = arith.constant 48 : index
      %get3A_359 = tpu.vector_load %arg15[%get3A_357, %get3A_358] {strides = array<i32>} : memref<80x64xf32, #tpu.memory_space<vmem>>, vector<1x16xf32>,
      %get3A_360 = vector.shape_cast %get3A_359 : vector<1x16xf32> to vector<16xf32>
      %add3A_361 = arith.constant 120 : i32
      %add3A_362 = arith.addi %add3A_361, %scan3A_310 : i32
      %get3A_363 = arith.index_cast %add3A_362 : i32 to index
      %get3A_364 = arith.constant 48 : index
      %get3A_365 = tpu.vector_load %arg8[%get3A_363, %get3A_364] {strides = array<i32>} : memref<200x64xf32, #tpu.memory_space<vmem>>, vector<1x16xf32>,
      %get3A_366 = vector.shape_cast %get3A_365 : vector<1x16xf32> to vector<16xf32>
      %add3A_367 = arith.addf %get3A_360, %get3A_366 : vector<16xf32>
      %swap3A_368 = arith.index_cast %scan3A_310 : i32 to index
      %swap3A_369 = arith.constant 48 : index
      %swap3A_370 = tpu.vector_load %arg15[%swap3A_368, %swap3A_369] {strides = array<i32>} : memref<80x64xf32, #tpu.memory_space<vmem>>, vector<1x16xf32>,
      %swap3A_371 = vector.shape_cast %swap3A_370 : vector<1x16xf32> to vector<16xf32>
      %swap3A_372 = vector.shape_cast %add3A_367 : vector<16xf32> to vector<1x16xf32>
      tpu.vector_store %arg15[%swap3A_368, %swap3A_369], %swap3A_372 {strides = array<i32>} : memref<80x64xf32, #tpu.memory_space<vmem>>, vector<1x16xf32>,
    }
    %scan3A_193 = arith.constant 80 : i32
    %add3A_194 = arith.constant 126 : i32
    %add3A_195 = arith.addi %mul3A_2, %add3A_194 : i32
    %dma_start3A_196 = arith.constant 0 : i32
    %dma_start3A_197 = arith.constant 0 : i32
    %dma_start3A_198 = tpu.memref_slice %arg5[%add3A_195, %dma_start3A_196, %dma_start3A_197] : memref<4096x200x64xf32, #tpu.memory_space<hbm>> -> memref<1x120x64xf32, #tpu.memory_space<hbm>>
    %dma_start3A_199 = tpu.memref_squeeze %dma_start3A_198 : memref<1x120x64xf32, #tpu.memory_space<hbm>> -> memref<120x64xf32, #tpu.memory_space<hbm>>
    %dma_start3A_200 = arith.constant 0 : i32
    %dma_start3A_201 = arith.constant 0 : i32
    %dma_start3A_202 = tpu.memref_slice %arg5[%add3A_195, %dma_start3A_200, %dma_start3A_201] : memref<4096x200x64xf32, #tpu.memory_space<hbm>> -> memref<1x120x64xf32, #tpu.memory_space<hbm>>
    %dma_start3A_203 = tpu.memref_squeeze %dma_start3A_202 : memref<1x120x64xf32, #tpu.memory_space<hbm>> -> memref<120x64xf32, #tpu.memory_space<hbm>>
    tpu.enqueue_dma source(%arg11 : memref<120x64xf32, #tpu.memory_space<vmem>>) target(%dma_start3A_203 : memref<120x64xf32, #tpu.memory_space<hbm>>) target_semaphore(%arg27 : memref<!tpu.dma_semaphore, #tpu.memory_space<semaphore_mem>>)
    %dma_start3A_204 = arith.constant 120 : i32
    %dma_start3A_205 = arith.constant 0 : i32
    %dma_start3A_206 = tpu.memref_slice %arg5[%add3A_195, %dma_start3A_204, %dma_start3A_205] : memref<4096x200x64xf32, #tpu.memory_space<hbm>> -> memref<1x80x64xf32, #tpu.memory_space<hbm>>
    %dma_start3A_207 = tpu.memref_squeeze %dma_start3A_206 : memref<1x80x64xf32, #tpu.memory_space<hbm>> -> memref<80x64xf32, #tpu.memory_space<hbm>>
    %dma_start3A_208 = arith.constant 120 : i32
    %dma_start3A_209 = arith.constant 0 : i32
    %dma_start3A_210 = tpu.memref_slice %arg5[%add3A_195, %dma_start3A_208, %dma_start3A_209] : memref<4096x200x64xf32, #tpu.memory_space<hbm>> -> memref<1x80x64xf32, #tpu.memory_space<hbm>>
    %dma_start3A_211 = tpu.memref_squeeze %dma_start3A_210 : memref<1x80x64xf32, #tpu.memory_space<hbm>> -> memref<80x64xf32, #tpu.memory_space<hbm>>
    tpu.enqueue_dma source(%arg15 : memref<80x64xf32, #tpu.memory_space<vmem>>) target(%dma_start3A_211 : memref<80x64xf32, #tpu.memory_space<hbm>>) target_semaphore(%arg31 : memref<!tpu.dma_semaphore, #tpu.memory_space<semaphore_mem>>)
    %add3A_212 = arith.constant 125 : i32
    %add3A_213 = arith.addi %mul3A_2, %add3A_212 : i32
    %dma_wait3A_214 = arith.constant 0 : i32
    %dma_wait3A_215 = arith.constant 0 : i32
    %dma_wait3A_216 = tpu.memref_slice %arg5[%add3A_213, %dma_wait3A_214, %dma_wait3A_215] : memref<4096x200x64xf32, #tpu.memory_space<hbm>> -> memref<1x120x64xf32, #tpu.memory_space<hbm>>
    %dma_wait3A_217 = tpu.memref_squeeze %dma_wait3A_216 : memref<1x120x64xf32, #tpu.memory_space<hbm>> -> memref<120x64xf32, #tpu.memory_space<hbm>>
    %dma_wait3A_218 = arith.constant 0 : i32
    %dma_wait3A_219 = arith.constant 0 : i32
    %dma_wait3A_220 = tpu.memref_slice %arg5[%add3A_213, %dma_wait3A_218, %dma_wait3A_219] : memref<4096x200x64xf32, #tpu.memory_space<hbm>> -> memref<1x120x64xf32, #tpu.memory_space<hbm>>
    %dma_wait3A_221 = tpu.memref_squeeze %dma_wait3A_220 : memref<1x120x64xf32, #tpu.memory_space<hbm>> -> memref<120x64xf32, #tpu.memory_space<hbm>>
    tpu.wait_dma2 semaphore(%arg26 : memref<!tpu.dma_semaphore, #tpu.memory_space<semaphore_mem>>) src(%arg10 : memref<120x64xf32, #tpu.memory_space<vmem>>) dst(%dma_wait3A_221 : memref<120x64xf32, #tpu.memory_space<hbm>>)
    %dma_wait3A_222 = arith.constant 120 : i32
    %dma_wait3A_223 = arith.constant 0 : i32
    %dma_wait3A_224 = tpu.memref_slice %arg5[%add3A_213, %dma_wait3A_222, %dma_wait3A_223] : memref<4096x200x64xf32, #tpu.memory_space<hbm>> -> memref<1x80x64xf32, #tpu.memory_space<hbm>>
    %dma_wait3A_225 = tpu.memref_squeeze %dma_wait3A_224 : memref<1x80x64xf32, #tpu.memory_space<hbm>> -> memref<80x64xf32, #tpu.memory_space<hbm>>
    %dma_wait3A_226 = arith.constant 120 : i32
    %dma_wait3A_227 = arith.constant 0 : i32
    %dma_wait3A_228 = tpu.memref_slice %arg5[%add3A_213, %dma_wait3A_226, %dma_wait3A_227] : memref<4096x200x64xf32, #tpu.memory_space<hbm>> -> memref<1x80x64xf32, #tpu.memory_space<hbm>>
    %dma_wait3A_229 = tpu.memref_squeeze %dma_wait3A_228 : memref<1x80x64xf32, #tpu.memory_space<hbm>> -> memref<80x64xf32, #tpu.memory_space<hbm>>
    tpu.wait_dma2 semaphore(%arg30 : memref<!tpu.dma_semaphore, #tpu.memory_space<semaphore_mem>>) src(%arg14 : memref<80x64xf32, #tpu.memory_space<vmem>>) dst(%dma_wait3A_229 : memref<80x64xf32, #tpu.memory_space<hbm>>)
    %dma_wait3A_230 = arith.constant 127 : i32
    %dma_wait3A_231 = arith.constant 0 : i32
    %dma_wait3A_232 = tpu.memref_slice %arg6[%dma_wait3A_230, %dma_wait3A_231] : memref<128x120xi32, #tpu.memory_space<vmem>> -> memref<1x120xi32, #tpu.memory_space<vmem>>
    %dma_wait3A_233 = tpu.memref_squeeze %dma_wait3A_232 : memref<1x120xi32, #tpu.memory_space<vmem>> -> memref<120xi32, #tpu.memory_space<vmem>>
    %dma_wait3A_234 = arith.constant 0 : i32
    %dma_wait3A_235 = arith.constant 0 : i32
    %dma_wait3A_236 = tpu.memref_slice %arg3[%dma_wait3A_234, %dma_wait3A_235] : memref<1000000x64xf32, #tpu.memory_space<hbm>> -> memref<1000000x64xf32, #tpu.memory_space<hbm>>
    tpu.wait_indirect_dma semaphore(%arg20 : memref<!tpu.dma_semaphore, #tpu.memory_space<semaphore_mem>>) src(%dma_wait3A_236 : memref<1000000x64xf32, #tpu.memory_space<hbm>>) dst(%arg12 : memref<120x64xf32, #tpu.memory_space<vmem>>)
    %dma_wait3A_237 = arith.constant 127 : i32
    %dma_wait3A_238 = arith.constant 0 : i32
    %dma_wait3A_239 = tpu.memref_slice %arg7[%dma_wait3A_237, %dma_wait3A_238] : memref<128x80xi32, #tpu.memory_space<vmem>> -> memref<1x80xi32, #tpu.memory_space<vmem>>
    %dma_wait3A_240 = tpu.memref_squeeze %dma_wait3A_239 : memref<1x80xi32, #tpu.memory_space<vmem>> -> memref<80xi32, #tpu.memory_space<vmem>>
    %dma_wait3A_241 = arith.constant 0 : i32
    %dma_wait3A_242 = arith.constant 0 : i32
    %dma_wait3A_243 = tpu.memref_slice %arg3[%dma_wait3A_241, %dma_wait3A_242] : memref<1000000x64xf32, #tpu.memory_space<hbm>> -> memref<1000000x64xf32, #tpu.memory_space<hbm>>
    tpu.wait_indirect_dma semaphore(%arg24 : memref<!tpu.dma_semaphore, #tpu.memory_space<semaphore_mem>>) src(%dma_wait3A_243 : memref<1000000x64xf32, #tpu.memory_space<hbm>>) dst(%arg16 : memref<80x64xf32, #tpu.memory_space<vmem>>)
    %scan3A_244 = arith.constant 0 : i32
    %scan3A_245 = arith.constant 0 : i32
    %scan3A_246 = arith.constant 120 : i32
    %scan3A_247 = arith.addi %scan3A_245, %scan3A_246 : i32
    %scan3A_248 = arith.constant 1 : i32
    scf.for %scan3A_310 = %scan3A_245 to %scan3A_247 step %scan3A_248  : i32 {
      %get3A = arith.index_cast %scan3A_310 : i32 to index
      %get3A_311 = arith.constant 0 : index
      %get3A_312 = tpu.vector_load %arg12[%get3A, %get3A_311] {strides = array<i32>} : memref<120x64xf32, #tpu.memory_space<vmem>>, vector<1x16xf32>,
      %get3A_313 = vector.shape_cast %get3A_312 : vector<1x16xf32> to vector<16xf32>
      %get3A_314 = arith.index_cast %scan3A_310 : i32 to index
      %get3A_315 = arith.constant 0 : index
      %get3A_316 = tpu.vector_load %arg8[%get3A_314, %get3A_315] {strides = array<i32>} : memref<200x64xf32, #tpu.memory_space<vmem>>, vector<1x16xf32>,
      %get3A_317 = vector.shape_cast %get3A_316 : vector<1x16xf32> to vector<16xf32>
      %add3A_318 = arith.addf %get3A_313, %get3A_317 : vector<16xf32>
      %swap3A = arith.index_cast %scan3A_310 : i32 to index
      %swap3A_319 = arith.constant 0 : index
      %swap3A_320 = tpu.vector_load %arg12[%swap3A, %swap3A_319] {strides = array<i32>} : memref<120x64xf32, #tpu.memory_space<vmem>>, vector<1x16xf32>,
      %swap3A_321 = vector.shape_cast %swap3A_320 : vector<1x16xf32> to vector<16xf32>
      %swap3A_322 = vector.shape_cast %add3A_318 : vector<16xf32> to vector<1x16xf32>
      tpu.vector_store %arg12[%swap3A, %swap3A_319], %swap3A_322 {strides = array<i32>} : memref<120x64xf32, #tpu.memory_space<vmem>>, vector<1x16xf32>,
      %get3A_323 = arith.index_cast %scan3A_310 : i32 to index
      %get3A_324 = arith.constant 16 : index
      %get3A_325 = tpu.vector_load %arg12[%get3A_323, %get3A_324] {strides = array<i32>} : memref<120x64xf32, #tpu.memory_space<vmem>>, vector<1x16xf32>,
      %get3A_326 = vector.shape_cast %get3A_325 : vector<1x16xf32> to vector<16xf32>
      %get3A_327 = arith.index_cast %scan3A_310 : i32 to index
      %get3A_328 = arith.constant 16 : index
      %get3A_329 = tpu.vector_load %arg8[%get3A_327, %get3A_328] {strides = array<i32>} : memref<200x64xf32, #tpu.memory_space<vmem>>, vector<1x16xf32>,
      %get3A_330 = vector.shape_cast %get3A_329 : vector<1x16xf32> to vector<16xf32>
      %add3A_331 = arith.addf %get3A_326, %get3A_330 : vector<16xf32>
      %swap3A_332 = arith.index_cast %scan3A_310 : i32 to index
      %swap3A_333 = arith.constant 16 : index
      %swap3A_334 = tpu.vector_load %arg12[%swap3A_332, %swap3A_333] {strides = array<i32>} : memref<120x64xf32, #tpu.memory_space<vmem>>, vector<1x16xf32>,
      %swap3A_335 = vector.shape_cast %swap3A_334 : vector<1x16xf32> to vector<16xf32>
      %swap3A_336 = vector.shape_cast %add3A_331 : vector<16xf32> to vector<1x16xf32>
      tpu.vector_store %arg12[%swap3A_332, %swap3A_333], %swap3A_336 {strides = array<i32>} : memref<120x64xf32, #tpu.memory_space<vmem>>, vector<1x16xf32>,
      %get3A_337 = arith.index_cast %scan3A_310 : i32 to index
      %get3A_338 = arith.constant 32 : index
      %get3A_339 = tpu.vector_load %arg12[%get3A_337, %get3A_338] {strides = array<i32>} : memref<120x64xf32, #tpu.memory_space<vmem>>, vector<1x16xf32>,
      %get3A_340 = vector.shape_cast %get3A_339 : vector<1x16xf32> to vector<16xf32>
      %get3A_341 = arith.index_cast %scan3A_310 : i32 to index
      %get3A_342 = arith.constant 32 : index
      %get3A_343 = tpu.vector_load %arg8[%get3A_341, %get3A_342] {strides = array<i32>} : memref<200x64xf32, #tpu.memory_space<vmem>>, vector<1x16xf32>,
      %get3A_344 = vector.shape_cast %get3A_343 : vector<1x16xf32> to vector<16xf32>
      %add3A_345 = arith.addf %get3A_340, %get3A_344 : vector<16xf32>
      %swap3A_346 = arith.index_cast %scan3A_310 : i32 to index
      %swap3A_347 = arith.constant 32 : index
      %swap3A_348 = tpu.vector_load %arg12[%swap3A_346, %swap3A_347] {strides = array<i32>} : memref<120x64xf32, #tpu.memory_space<vmem>>, vector<1x16xf32>,
      %swap3A_349 = vector.shape_cast %swap3A_348 : vector<1x16xf32> to vector<16xf32>
      %swap3A_350 = vector.shape_cast %add3A_345 : vector<16xf32> to vector<1x16xf32>
      tpu.vector_store %arg12[%swap3A_346, %swap3A_347], %swap3A_350 {strides = array<i32>} : memref<120x64xf32, #tpu.memory_space<vmem>>, vector<1x16xf32>,
      %get3A_351 = arith.index_cast %scan3A_310 : i32 to index
      %get3A_352 = arith.constant 48 : index
      %get3A_353 = tpu.vector_load %arg12[%get3A_351, %get3A_352] {strides = array<i32>} : memref<120x64xf32, #tpu.memory_space<vmem>>, vector<1x16xf32>,
      %get3A_354 = vector.shape_cast %get3A_353 : vector<1x16xf32> to vector<16xf32>
      %get3A_355 = arith.index_cast %scan3A_310 : i32 to index
      %get3A_356 = arith.constant 48 : index
      %get3A_357 = tpu.vector_load %arg8[%get3A_355, %get3A_356] {strides = array<i32>} : memref<200x64xf32, #tpu.memory_space<vmem>>, vector<1x16xf32>,
      %get3A_358 = vector.shape_cast %get3A_357 : vector<1x16xf32> to vector<16xf32>
      %add3A_359 = arith.addf %get3A_354, %get3A_358 : vector<16xf32>
      %swap3A_360 = arith.index_cast %scan3A_310 : i32 to index
      %swap3A_361 = arith.constant 48 : index
      %swap3A_362 = tpu.vector_load %arg12[%swap3A_360, %swap3A_361] {strides = array<i32>} : memref<120x64xf32, #tpu.memory_space<vmem>>, vector<1x16xf32>,
      %swap3A_363 = vector.shape_cast %swap3A_362 : vector<1x16xf32> to vector<16xf32>
      %swap3A_364 = vector.shape_cast %add3A_359 : vector<16xf32> to vector<1x16xf32>
      tpu.vector_store %arg12[%swap3A_360, %swap3A_361], %swap3A_364 {strides = array<i32>} : memref<120x64xf32, #tpu.memory_space<vmem>>, vector<1x16xf32>,
    }
    %scan3A_249 = arith.constant 120 : i32
    %scan3A_250 = arith.constant 0 : i32
    %scan3A_251 = arith.constant 0 : i32
    %scan3A_252 = arith.constant 80 : i32
    %scan3A_253 = arith.addi %scan3A_251, %scan3A_252 : i32
    %scan3A_254 = arith.constant 1 : i32
    scf.for %scan3A_310 = %scan3A_251 to %scan3A_253 step %scan3A_254  : i32 {
      %get3A = arith.index_cast %scan3A_310 : i32 to index
      %get3A_311 = arith.constant 0 : index
      %get3A_312 = tpu.vector_load %arg16[%get3A, %get3A_311] {strides = array<i32>} : memref<80x64xf32, #tpu.memory_space<vmem>>, vector<1x16xf32>,
      %get3A_313 = vector.shape_cast %get3A_312 : vector<1x16xf32> to vector<16xf32>
      %add3A_314 = arith.constant 120 : i32
      %add3A_315 = arith.addi %add3A_314, %scan3A_310 : i32
      %get3A_316 = arith.index_cast %add3A_315 : i32 to index
      %get3A_317 = arith.constant 0 : index
      %get3A_318 = tpu.vector_load %arg8[%get3A_316, %get3A_317] {strides = array<i32>} : memref<200x64xf32, #tpu.memory_space<vmem>>, vector<1x16xf32>,
      %get3A_319 = vector.shape_cast %get3A_318 : vector<1x16xf32> to vector<16xf32>
      %add3A_320 = arith.addf %get3A_313, %get3A_319 : vector<16xf32>
      %swap3A = arith.index_cast %scan3A_310 : i32 to index
      %swap3A_321 = arith.constant 0 : index
      %swap3A_322 = tpu.vector_load %arg16[%swap3A, %swap3A_321] {strides = array<i32>} : memref<80x64xf32, #tpu.memory_space<vmem>>, vector<1x16xf32>,
      %swap3A_323 = vector.shape_cast %swap3A_322 : vector<1x16xf32> to vector<16xf32>
      %swap3A_324 = vector.shape_cast %add3A_320 : vector<16xf32> to vector<1x16xf32>
      tpu.vector_store %arg16[%swap3A, %swap3A_321], %swap3A_324 {strides = array<i32>} : memref<80x64xf32, #tpu.memory_space<vmem>>, vector<1x16xf32>,
      %get3A_325 = arith.index_cast %scan3A_310 : i32 to index
      %get3A_326 = arith.constant 16 : index
      %get3A_327 = tpu.vector_load %arg16[%get3A_325, %get3A_326] {strides = array<i32>} : memref<80x64xf32, #tpu.memory_space<vmem>>, vector<1x16xf32>,
      %get3A_328 = vector.shape_cast %get3A_327 : vector<1x16xf32> to vector<16xf32>
      %add3A_329 = arith.constant 120 : i32
      %add3A_330 = arith.addi %add3A_329, %scan3A_310 : i32
      %get3A_331 = arith.index_cast %add3A_330 : i32 to index
      %get3A_332 = arith.constant 16 : index
      %get3A_333 = tpu.vector_load %arg8[%get3A_331, %get3A_332] {strides = array<i32>} : memref<200x64xf32, #tpu.memory_space<vmem>>, vector<1x16xf32>,
      %get3A_334 = vector.shape_cast %get3A_333 : vector<1x16xf32> to vector<16xf32>
      %add3A_335 = arith.addf %get3A_328, %get3A_334 : vector<16xf32>
      %swap3A_336 = arith.index_cast %scan3A_310 : i32 to index
      %swap3A_337 = arith.constant 16 : index
      %swap3A_338 = tpu.vector_load %arg16[%swap3A_336, %swap3A_337] {strides = array<i32>} : memref<80x64xf32, #tpu.memory_space<vmem>>, vector<1x16xf32>,
      %swap3A_339 = vector.shape_cast %swap3A_338 : vector<1x16xf32> to vector<16xf32>
      %swap3A_340 = vector.shape_cast %add3A_335 : vector<16xf32> to vector<1x16xf32>
      tpu.vector_store %arg16[%swap3A_336, %swap3A_337], %swap3A_340 {strides = array<i32>} : memref<80x64xf32, #tpu.memory_space<vmem>>, vector<1x16xf32>,
      %get3A_341 = arith.index_cast %scan3A_310 : i32 to index
      %get3A_342 = arith.constant 32 : index
      %get3A_343 = tpu.vector_load %arg16[%get3A_341, %get3A_342] {strides = array<i32>} : memref<80x64xf32, #tpu.memory_space<vmem>>, vector<1x16xf32>,
      %get3A_344 = vector.shape_cast %get3A_343 : vector<1x16xf32> to vector<16xf32>
      %add3A_345 = arith.constant 120 : i32
      %add3A_346 = arith.addi %add3A_345, %scan3A_310 : i32
      %get3A_347 = arith.index_cast %add3A_346 : i32 to index
      %get3A_348 = arith.constant 32 : index
      %get3A_349 = tpu.vector_load %arg8[%get3A_347, %get3A_348] {strides = array<i32>} : memref<200x64xf32, #tpu.memory_space<vmem>>, vector<1x16xf32>,
      %get3A_350 = vector.shape_cast %get3A_349 : vector<1x16xf32> to vector<16xf32>
      %add3A_351 = arith.addf %get3A_344, %get3A_350 : vector<16xf32>
      %swap3A_352 = arith.index_cast %scan3A_310 : i32 to index
      %swap3A_353 = arith.constant 32 : index
      %swap3A_354 = tpu.vector_load %arg16[%swap3A_352, %swap3A_353] {strides = array<i32>} : memref<80x64xf32, #tpu.memory_space<vmem>>, vector<1x16xf32>,
      %swap3A_355 = vector.shape_cast %swap3A_354 : vector<1x16xf32> to vector<16xf32>
      %swap3A_356 = vector.shape_cast %add3A_351 : vector<16xf32> to vector<1x16xf32>
      tpu.vector_store %arg16[%swap3A_352, %swap3A_353], %swap3A_356 {strides = array<i32>} : memref<80x64xf32, #tpu.memory_space<vmem>>, vector<1x16xf32>,
      %get3A_357 = arith.index_cast %scan3A_310 : i32 to index
      %get3A_358 = arith.constant 48 : index
      %get3A_359 = tpu.vector_load %arg16[%get3A_357, %get3A_358] {strides = array<i32>} : memref<80x64xf32, #tpu.memory_space<vmem>>, vector<1x16xf32>,
      %get3A_360 = vector.shape_cast %get3A_359 : vector<1x16xf32> to vector<16xf32>
      %add3A_361 = arith.constant 120 : i32
      %add3A_362 = arith.addi %add3A_361, %scan3A_310 : i32
      %get3A_363 = arith.index_cast %add3A_362 : i32 to index
      %get3A_364 = arith.constant 48 : index
      %get3A_365 = tpu.vector_load %arg8[%get3A_363, %get3A_364] {strides = array<i32>} : memref<200x64xf32, #tpu.memory_space<vmem>>, vector<1x16xf32>,
      %get3A_366 = vector.shape_cast %get3A_365 : vector<1x16xf32> to vector<16xf32>
      %add3A_367 = arith.addf %get3A_360, %get3A_366 : vector<16xf32>
      %swap3A_368 = arith.index_cast %scan3A_310 : i32 to index
      %swap3A_369 = arith.constant 48 : index
      %swap3A_370 = tpu.vector_load %arg16[%swap3A_368, %swap3A_369] {strides = array<i32>} : memref<80x64xf32, #tpu.memory_space<vmem>>, vector<1x16xf32>,
      %swap3A_371 = vector.shape_cast %swap3A_370 : vector<1x16xf32> to vector<16xf32>
      %swap3A_372 = vector.shape_cast %add3A_367 : vector<16xf32> to vector<1x16xf32>
      tpu.vector_store %arg16[%swap3A_368, %swap3A_369], %swap3A_372 {strides = array<i32>} : memref<80x64xf32, #tpu.memory_space<vmem>>, vector<1x16xf32>,
    }
    %scan3A_255 = arith.constant 80 : i32
    %add3A_256 = arith.constant 127 : i32
    %add3A_257 = arith.addi %mul3A_2, %add3A_256 : i32
    %dma_start3A_258 = arith.constant 0 : i32
    %dma_start3A_259 = arith.constant 0 : i32
    %dma_start3A_260 = tpu.memref_slice %arg5[%add3A_257, %dma_start3A_258, %dma_start3A_259] : memref<4096x200x64xf32, #tpu.memory_space<hbm>> -> memref<1x120x64xf32, #tpu.memory_space<hbm>>
    %dma_start3A_261 = tpu.memref_squeeze %dma_start3A_260 : memref<1x120x64xf32, #tpu.memory_space<hbm>> -> memref<120x64xf32, #tpu.memory_space<hbm>>
    %dma_start3A_262 = arith.constant 0 : i32
    %dma_start3A_263 = arith.constant 0 : i32
    %dma_start3A_264 = tpu.memref_slice %arg5[%add3A_257, %dma_start3A_262, %dma_start3A_263] : memref<4096x200x64xf32, #tpu.memory_space<hbm>> -> memref<1x120x64xf32, #tpu.memory_space<hbm>>
    %dma_start3A_265 = tpu.memref_squeeze %dma_start3A_264 : memref<1x120x64xf32, #tpu.memory_space<hbm>> -> memref<120x64xf32, #tpu.memory_space<hbm>>
    tpu.enqueue_dma source(%arg12 : memref<120x64xf32, #tpu.memory_space<vmem>>) target(%dma_start3A_265 : memref<120x64xf32, #tpu.memory_space<hbm>>) target_semaphore(%arg28 : memref<!tpu.dma_semaphore, #tpu.memory_space<semaphore_mem>>)
    %dma_start3A_266 = arith.constant 120 : i32
    %dma_start3A_267 = arith.constant 0 : i32
    %dma_start3A_268 = tpu.memref_slice %arg5[%add3A_257, %dma_start3A_266, %dma_start3A_267] : memref<4096x200x64xf32, #tpu.memory_space<hbm>> -> memref<1x80x64xf32, #tpu.memory_space<hbm>>
    %dma_start3A_269 = tpu.memref_squeeze %dma_start3A_268 : memref<1x80x64xf32, #tpu.memory_space<hbm>> -> memref<80x64xf32, #tpu.memory_space<hbm>>
    %dma_start3A_270 = arith.constant 120 : i32
    %dma_start3A_271 = arith.constant 0 : i32
    %dma_start3A_272 = tpu.memref_slice %arg5[%add3A_257, %dma_start3A_270, %dma_start3A_271] : memref<4096x200x64xf32, #tpu.memory_space<hbm>> -> memref<1x80x64xf32, #tpu.memory_space<hbm>>
    %dma_start3A_273 = tpu.memref_squeeze %dma_start3A_272 : memref<1x80x64xf32, #tpu.memory_space<hbm>> -> memref<80x64xf32, #tpu.memory_space<hbm>>
    tpu.enqueue_dma source(%arg16 : memref<80x64xf32, #tpu.memory_space<vmem>>) target(%dma_start3A_273 : memref<80x64xf32, #tpu.memory_space<hbm>>) target_semaphore(%arg32 : memref<!tpu.dma_semaphore, #tpu.memory_space<semaphore_mem>>)
    %add3A_274 = arith.constant 126 : i32
    %add3A_275 = arith.addi %mul3A_2, %add3A_274 : i32
    %dma_wait3A_276 = arith.constant 0 : i32
    %dma_wait3A_277 = arith.constant 0 : i32
    %dma_wait3A_278 = tpu.memref_slice %arg5[%add3A_275, %dma_wait3A_276, %dma_wait3A_277] : memref<4096x200x64xf32, #tpu.memory_space<hbm>> -> memref<1x120x64xf32, #tpu.memory_space<hbm>>
    %dma_wait3A_279 = tpu.memref_squeeze %dma_wait3A_278 : memref<1x120x64xf32, #tpu.memory_space<hbm>> -> memref<120x64xf32, #tpu.memory_space<hbm>>
    %dma_wait3A_280 = arith.constant 0 : i32
    %dma_wait3A_281 = arith.constant 0 : i32
    %dma_wait3A_282 = tpu.memref_slice %arg5[%add3A_275, %dma_wait3A_280, %dma_wait3A_281] : memref<4096x200x64xf32, #tpu.memory_space<hbm>> -> memref<1x120x64xf32, #tpu.memory_space<hbm>>
    %dma_wait3A_283 = tpu.memref_squeeze %dma_wait3A_282 : memref<1x120x64xf32, #tpu.memory_space<hbm>> -> memref<120x64xf32, #tpu.memory_space<hbm>>
    tpu.wait_dma2 semaphore(%arg27 : memref<!tpu.dma_semaphore, #tpu.memory_space<semaphore_mem>>) src(%arg11 : memref<120x64xf32, #tpu.memory_space<vmem>>) dst(%dma_wait3A_283 : memref<120x64xf32, #tpu.memory_space<hbm>>)
    %dma_wait3A_284 = arith.constant 120 : i32
    %dma_wait3A_285 = arith.constant 0 : i32
    %dma_wait3A_286 = tpu.memref_slice %arg5[%add3A_275, %dma_wait3A_284, %dma_wait3A_285] : memref<4096x200x64xf32, #tpu.memory_space<hbm>> -> memref<1x80x64xf32, #tpu.memory_space<hbm>>
    %dma_wait3A_287 = tpu.memref_squeeze %dma_wait3A_286 : memref<1x80x64xf32, #tpu.memory_space<hbm>> -> memref<80x64xf32, #tpu.memory_space<hbm>>
    %dma_wait3A_288 = arith.constant 120 : i32
    %dma_wait3A_289 = arith.constant 0 : i32
    %dma_wait3A_290 = tpu.memref_slice %arg5[%add3A_275, %dma_wait3A_288, %dma_wait3A_289] : memref<4096x200x64xf32, #tpu.memory_space<hbm>> -> memref<1x80x64xf32, #tpu.memory_space<hbm>>
    %dma_wait3A_291 = tpu.memref_squeeze %dma_wait3A_290 : memref<1x80x64xf32, #tpu.memory_space<hbm>> -> memref<80x64xf32, #tpu.memory_space<hbm>>
    tpu.wait_dma2 semaphore(%arg31 : memref<!tpu.dma_semaphore, #tpu.memory_space<semaphore_mem>>) src(%arg15 : memref<80x64xf32, #tpu.memory_space<vmem>>) dst(%dma_wait3A_291 : memref<80x64xf32, #tpu.memory_space<hbm>>)
    %add3A_292 = arith.constant 127 : i32
    %add3A_293 = arith.addi %mul3A_2, %add3A_292 : i32
    %dma_wait3A_294 = arith.constant 0 : i32
    %dma_wait3A_295 = arith.constant 0 : i32
    %dma_wait3A_296 = tpu.memref_slice %arg5[%add3A_293, %dma_wait3A_294, %dma_wait3A_295] : memref<4096x200x64xf32, #tpu.memory_space<hbm>> -> memref<1x120x64xf32, #tpu.memory_space<hbm>>
    %dma_wait3A_297 = tpu.memref_squeeze %dma_wait3A_296 : memref<1x120x64xf32, #tpu.memory_space<hbm>> -> memref<120x64xf32, #tpu.memory_space<hbm>>
    %dma_wait3A_298 = arith.constant 0 : i32
    %dma_wait3A_299 = arith.constant 0 : i32
    %dma_wait3A_300 = tpu.memref_slice %arg5[%add3A_293, %dma_wait3A_298, %dma_wait3A_299] : memref<4096x200x64xf32, #tpu.memory_space<hbm>> -> memref<1x120x64xf32, #tpu.memory_space<hbm>>
    %dma_wait3A_301 = tpu.memref_squeeze %dma_wait3A_300 : memref<1x120x64xf32, #tpu.memory_space<hbm>> -> memref<120x64xf32, #tpu.memory_space<hbm>>
    tpu.wait_dma2 semaphore(%arg28 : memref<!tpu.dma_semaphore, #tpu.memory_space<semaphore_mem>>) src(%arg12 : memref<120x64xf32, #tpu.memory_space<vmem>>) dst(%dma_wait3A_301 : memref<120x64xf32, #tpu.memory_space<hbm>>)
    %dma_wait3A_302 = arith.constant 120 : i32
    %dma_wait3A_303 = arith.constant 0 : i32
    %dma_wait3A_304 = tpu.memref_slice %arg5[%add3A_293, %dma_wait3A_302, %dma_wait3A_303] : memref<4096x200x64xf32, #tpu.memory_space<hbm>> -> memref<1x80x64xf32, #tpu.memory_space<hbm>>
    %dma_wait3A_305 = tpu.memref_squeeze %dma_wait3A_304 : memref<1x80x64xf32, #tpu.memory_space<hbm>> -> memref<80x64xf32, #tpu.memory_space<hbm>>
    %dma_wait3A_306 = arith.constant 120 : i32
    %dma_wait3A_307 = arith.constant 0 : i32
    %dma_wait3A_308 = tpu.memref_slice %arg5[%add3A_293, %dma_wait3A_306, %dma_wait3A_307] : memref<4096x200x64xf32, #tpu.memory_space<hbm>> -> memref<1x80x64xf32, #tpu.memory_space<hbm>>
    %dma_wait3A_309 = tpu.memref_squeeze %dma_wait3A_308 : memref<1x80x64xf32, #tpu.memory_space<hbm>> -> memref<80x64xf32, #tpu.memory_space<hbm>>
    tpu.wait_dma2 semaphore(%arg32 : memref<!tpu.dma_semaphore, #tpu.memory_space<semaphore_mem>>) src(%arg16 : memref<80x64xf32, #tpu.memory_space<vmem>>) dst(%dma_wait3A_309 : memref<80x64xf32, #tpu.memory_space<hbm>>)
    return
  }
}

</mosaic_0001>

<sc_bundles>
// kernel: kernel.3.cloned.1.call-start
scs
__scs_entry_jumppad:
0x0: {  	(pc) =	sbr.rel $0x88, $3  }
0x1: {  	(tag) =	ssettag $0x0;
	lr =	simm.s32 $0x1  }
0x2: {  	[smem:$0x3F9E] =	sst lr;
	_ =	strace $0xD0000000  }
0x3: {  	_ = 	snop  }
0x4: {  	_ = 	snop  }
0x5: {  	_ = 	snop  }
0x6: {  	_ = 	snop  }
0x7: {  	_ = 	snop  }
__scs_overlays_trampoline_lowered:
0x8: {  	[smem:$0x3FAD] =	sst s0  }
0x9: {  	[smem:$0x3FAE] =	sst s1  }
0xa: {  	[smem:$0x3FAF] =	sst s2  }
0xb: {  	[smem:$0x3FB0] =	sst s3  }
0xc: {  	[smem:$0x3FB1] =	sst s4  }
0xd: {  	[smem:$0x3FB2] =	sst s5  }
0xe: {  	[smem:$0x3FB3] =	sst s6  }
0xf: {  	[smem:$0x3FB4] =	sst s7  }
0x10: {  	[smem:$0x3FB5] =	sst s8  }
0x11: {  	[smem:$0x3FB6] =	sst s9;
	s0 =	simm.s32 @!p0 $0x0  }
0x12: {  	s1 =	sld [smem:$0x3F9C];
	s0 =	simm.s32 @p0 $0x1  }
0x13: {  	[smem:$0x3FB7] =	sst s0;
	s0 =	simm.s32 @!p1 $0x0  }
0x14: {  	s2 =	sld [smem:$0x3F9B];
	s0 =	simm.s32 @p1 $0x1  }
0x15: {  	[smem:$0x3FB8] =	sst s0;
	s0 =	simm.s32 @!p2 $0x0  }
0x16: {  	s3 =	sld [smem:$0x3FDB];
	s0 =	simm.s32 @p2 $0x1  }
0x17: {  	s4 =	simm.s32 $0x1BF5;
	[smem:$0x3FBA] =	sst s0  }
0x18: {  	s0 =	sld [smem:$0x3F9D];
	_ =	swait.ge [sflag:s4], $0x0  }
0x19: {  	s7 =	sld [smem:$0x3F9E]  }
0x1a: {  	s8 =	sadd.s32 $0xFFFFE003, lr  }
0x1b: {  	s9 =	sadd.s32 $0xFFFFFEF7, lr;
	s5 =	simm.s32 $0xFFFFFFFF;
	p2 =	slt.u32 s8, $0xFFFFF086  }
0x1c: {  	p1 =	slt.u32 s9, $0xF7A;
	s5 =	simm.s32 @!p2 $0x0  }
0x1d: {  	s5 =	simm.s32 @p1 $0x1;
	p0 =	seq.s32 s7, s2  }
0x1e: {  	s7 =	smul.u32 @!p0 $0xF7A, s2;
	p2 =	seq.s32 @!p0 s5, $0x0  }
0x1f: {  	s9 =	smul.u32 $0xF7A, s1;
	s8 =	simm.s32 @!p0 $0x1BF5;
	p2 =	por !p2, p0  }
0x20: {  	[sflag:s8] =	ssyncset.s32 @!p0 $0xFFFFF086;
	s6 =	sadd.s32 @!p0 s3, s7;
	s7 =	simm.s32 @!p0 $0x108  }
0x21: {  	s3 =	sadd.s32 s3, s9;
	s6 =	sadd.s32 @!p0 $0x88, s6;
	s7 =	simm.s32 @p2 $0x1082  }
0x22: {  	[simem:s7], [sflag:s8] =	dma.local @!p0 [hbm:s6], $0xF7A  }
0x23: {  	s9 =	sor.u32 $0xD0000000, s2;
	s6 =	simm.s32 $0x108;
	_ =	swait.ge @!p0 [sflag:s8], $0x0  }
0x24: {  	s3 =	sadd.s32 $0x88, s3;
	s6 =	simm.s32 @!p1 $0x1082;
	[sflag:s4] =	ssyncset.s32 $0xFFFFF086  }
0x25: {  	[simem:s6], [sflag:s4] =	dma.local [hbm:s3], $0xF7A  }
0x26: {  	[smem:$0x3F9E] =	sst s1;
	(tag) =	ssettag s2;
	_ =	strace s9  }
0x27: {  	s1 =	sld [smem:$0x3FAE]  }
0x28: {  	s2 =	sld [smem:$0x3FAF]  }
0x29: {  	s4 =	sld [smem:$0x3FB1]  }
0x2a: {  	p0 =	seq.s32 s5, $0x0;
	s5 =	sld [smem:$0x3FB2]  }
0x2b: {  	s6 =	sld [smem:$0x3FB3]  }
0x2c: {  	s7 =	sld [smem:$0x3FB4]  }
0x2d: {  	s3 =	simm.s32 $0x108;
	s8 =	sld [smem:$0x3FB5]  }
0x2e: {  	s3 =	simm.s32 @!p0 $0x1082;
	s9 =	sld [smem:$0x3FB6]  }
0x2f: {  	lr =	sadd.s32 s0, s3;
	s0 =	sld [smem:$0x3FAD]  }
0x30: {  	s3 =	sld [smem:$0x3FB0]  }
0x31: {  	[smem:$0x3FB9] =	sst s10  }
0x32: {  	s10 =	sld [smem:$0x3FB7];
	_ =	sdelay $0x3  }
0x33: {  	p0 =	seq.s32 s10, $0x1;
	s10 =	sld [smem:$0x3FB9];
	_ =	sdelay $0x3  }
0x34: {  	[smem:$0x3FB9] =	sst s10  }
0x35: {  	s10 =	sld [smem:$0x3FB8];
	_ =	sdelay $0x3  }
0x36: {  	p1 =	seq.s32 s10, $0x1;
	s10 =	sld [smem:$0x3FB9];
	_ =	sdelay $0x3  }
0x37: {  	[smem:$0x3FB9] =	sst s10  }
0x38: {  	s10 =	sld [smem:$0x3FBA]  }
0x39: {  	_ = 	snop;
	(pc) =	sbr.ind lr, $3  }
0x3a: {  	_ = 	snop  }
0x3b: {  	_ = 	snop  }
0x3c: {  	p2 =	seq.s32 s10, $0x1;
	s10 =	sld [smem:$0x3FB9]  }
0x3d: {  	_ =	shalt  }
0x3e: {  	_ =	shalt  }
0x3f: {  	_ =	shalt  }
0x40: {  	_ =	shalt  }
0x41: {  	_ =	shalt  }
0x42: {  	_ =	shalt  }
0x43: {  	_ =	shalt  }
0x44: {  	_ =	shalt  }
0x45: {  	_ =	shalt  }
0x46: {  	_ =	shalt  }
0x47: {  	_ =	shalt  }
0x48: {  	_ =	shalt  }
0x49: {  	_ =	shalt  }
0x4a: {  	_ =	shalt  }
0x4b: {  	_ =	shalt  }
0x4c: {  	_ =	shalt  }
0x4d: {  	_ =	shalt  }
0x4e: {  	_ =	shalt  }
0x4f: {  	_ =	shalt  }
0x50: {  	_ =	shalt  }
0x51: {  	_ =	shalt  }
0x52: {  	_ =	shalt  }
0x53: {  	_ =	shalt  }
0x54: {  	_ =	shalt  }
0x55: {  	_ =	shalt  }
0x56: {  	_ =	shalt  }
0x57: {  	_ =	shalt  }
0x58: {  	_ =	shalt  }
0x59: {  	_ =	shalt  }
0x5a: {  	_ =	shalt  }
0x5b: {  	_ =	shalt  }
0x5c: {  	_ =	shalt  }
0x5d: {  	_ =	shalt  }
0x5e: {  	_ =	shalt  }
0x5f: {  	_ =	shalt  }
0x60: {  	_ =	shalt  }
0x61: {  	_ =	shalt  }
0x62: {  	_ =	shalt  }
0x63: {  	_ =	shalt  }
0x64: {  	_ =	shalt  }
0x65: {  	_ =	shalt  }
0x66: {  	_ =	shalt  }
0x67: {  	_ =	shalt  }
0x68: {  	_ =	shalt  }
0x69: {  	_ =	shalt  }
0x6a: {  	_ =	shalt  }
0x6b: {  	_ =	shalt  }
0x6c: {  	_ =	shalt  }
0x6d: {  	_ =	shalt  }
0x6e: {  	_ =	shalt  }
0x6f: {  	_ =	shalt  }
0x70: {  	_ =	shalt  }
0x71: {  	_ =	shalt  }
0x72: {  	_ =	shalt  }
0x73: {  	_ =	shalt  }
0x74: {  	_ =	shalt  }
0x75: {  	_ =	shalt  }
0x76: {  	_ =	shalt  }
0x77: {  	_ =	shalt  }
0x78: {  	_ =	shalt  }
0x79: {  	_ =	shalt  }
0x7a: {  	_ =	shalt  }
0x7b: {  	_ =	shalt  }
0x7c: {  	_ =	shalt  }
0x7d: {  	_ =	shalt  }
0x7e: {  	_ =	shalt  }
0x7f: {  	_ =	shalt  }
0x80: {  	_ =	shalt  }
0x81: {  	_ =	shalt  }
0x82: {  	_ =	shalt  }
0x83: {  	_ =	shalt  }
0x84: {  	_ =	shalt  }
0x85: {  	_ =	shalt  }
0x86: {  	_ =	shalt  }
0x87: {  	_ =	shalt  }
.Lfunc_end0:
.L_simem_size_0:
called_computation.1_lowered:
.L_overlay_start_0:
0x88: {  	s2 =	sld [smem:$0x3FD9]  }
0x89: {  	s3 =	sld [smem:$0x3FFE];
	_ =	sdelay $0x1  }
0x8a: {  	s1 =	srdreg.scid  }
0x8b: {  	s0 =	sand.u32 $0x1, s1  }
0x8c: {  	s17 =	sshll.u32 s0, $0xA;
	s2 =	sadd.s32 s3, s2  }
0x8d: {  	s2 =	sadd.s32 s2, s17  }
0x8e: {  	[smem:$0x3FC5] =	sst s2  }
0x8f: {  	_ = 	snop  }
0x90: {  	s2 =	sld [smem:$0x3FD0];
	(tm) =	ssettm $0x1  }
0x91: {  	s18 =	sld [smem:$0x3FFB];
	_ =	sdelay $0x3  }
0x92: {  	_ =	strace s18  }
0x93: {  	s3 =	sld [smem:$0x3FFC];
	_ =	sdelay $0x3  }
0x94: {  	_ =	strace s3  }
0x95: {  	s3 =	sld [smem:$0x3FFD];
	_ =	sdelay $0x3  }
0x96: {  	_ =	strace s3  }
0x97: {  	_ =	strace $0x8FFFFFFF  }
0x98: {  	s19 =	sld [smem:$0x3FDB];
	_ =	sdelay $0x1  }
0x99: {  	s4 =	simm.s32 $_scs_section_size  }
0x9a: {  	s5 =	simm.s32 $_size__tile_overlayer_lowered;
	s6 =	simm.s32 $_tile_overlayer_lowered  }
0x9b: {  	s22 =	simm.s32 $0x1BFF;
	s21 =	sshll.u32 s6, $0x1;
	s3 =	sadd.s32 s4, s19  }
0x9c: {  	s7 =	simm.s32 $0x0;
	s20 =	sshll.u32 s5, $0x1;
	s5 =	sadd.s32 s21, s3  }
0x9d: {  	[timem:s7], [sflag:s22] =	dma.local [hbm:s5], s20  }
0x9e: {  	_ =	swait.ge [sflag:s22], s20  }
0x9f: {  	s4 =	ssub.s32 $0x0, s20;
	[sflag:s22] =	ssyncset.done $0x0  }
0xa0: {  	[sflag:s22] =	ssyncadd.s32 s4;
	_ =	sdelay $0x1  }
0xa1: {  	s23 =	simm.s32 $0x1B8B  }
0xa2: {  	_ =	swait.ge [sflag:s23], $0x1  }
0xa3: {  	[sflag:s23] =	ssyncset.done $0x0  }
0xa4: {  	s25 =	simm.s32 $0x1B8E;
	s24 =	sld [smem:$0x3FFE];
	[sflag:s23] =	ssyncadd.s32 $0xFFFFFFFF  }
0xa5: {  	s26 =	simm.s32 $execute0_lowered;
	[smem:$0x3FD2] =	sst s25  }
0xa6: {  	s5 =	sshll.u32 s26, $0x1;
	_ =	strace $0x80000046;
	[dreg:$0x1] =	wrdreg $0xFFFFFFFF  }
0xa7: {  	s28 =	simm.s32 $_size_execute0_lowered;
	s3 =	sadd.s32 s3, s5;
	[dreg:$0x0] =	wrdreg $0x0  }
0xa8: {  	s5 =	sshll.u32 s28, $0x1;
	[dreg:$0x2] =	wrdreg s3  }
0xa9: {  	[dreg:$0x3] =	wrdreg s5  }
0xaa: {  	[dreg:$0x4] =	wrdreg $0xC0  }
0xab: {  	_ =	task [dreg:s7], $0x5FFFF  }
0xac: {  	[dreg:$0x1] =	wrdreg $0xFFFFFFFF  }
0xad: {  	[dreg:$0x0] =	wrdreg $0x60  }
0xae: {  	[dreg:$0x2] =	wrdreg s24  }
0xaf: {  	[dreg:$0x3] =	wrdreg s2  }
0xb0: {  	[dreg:$0x4] =	wrdreg $0x9  }
0xb1: {  	_ =	task.clear_ibuf [dreg:s7], $0x5FFFF;
	_ =	strace $0x90000046  }
0xb2: {  	s29 =	simm.s32 $0x9;
	_ =	strace $0x80000048  }
0xb3: {  	_ =	swait.ge [sflag:s29], $0x1  }
0xb4: {  	[sflag:s29] =	ssyncadd.s32 $0xFFFFFFFF  }
0xb5: {  	_ =	strace $0x90000048  }
0xb6: {  	_ =	sfence  }
0xb7: {  	s30 =	sld [smem:$0x0];
	_ =	sdelay $0x2  }
0xb8: {  	s31 =	sshll.u32 s1, $0xD;
	s1 =	sshrl.u32 s1, $0x2  }
0xb9: {  	s3 =	sand.u32 $0x4000, s31;
	s1 =	sadd.s32 s1, s30  }
0xba: {  	s0 =	sor.u32 s3, s0;
	s1 =	sshll.u32 s1, $0x11  }
0xbb: {  	s0 =	sor.u32 s1, s0  }
0xbc: {  	s0 =	sadd.s32 $0x8F2B, s0  }
0xbd: {  	[sflag:s0] =	ssyncadd.remote.s32 $0x1  }
0xbe: {  	_ =	sfence.sel $0xFFFF  }
0xbf: {  	[dreg:$0x0] =	wrdreg $0xFFFFFFFF;
	(pc) =	sbr.abs _section_cstart, $3  }
0xc0: {  	[dreg:$0x1] =	wrdreg $0xFFFFFFFF  }
0xc1: {  	_ =	task.clear_ibuf [dreg:s7], $0x2FFFF;
	_ =	strace $0x9FFFFFFF  }
0xc2: {  	(tm) =	ssettm $0x7FFFFFFF  }
0xc3: {  	_ =	shalt  }
tec
execute0_lowered:
.L_overlay_start_1:
0x0: {  	(tag) =	ssettag $0x1  }
0x1: {  	s0 =	srdreg.scid;
	s1 =	rddreg [dreg:$0x0]  }
0x2: {  	s3 =	stileid.u32;
	s2 =	rddreg [dreg:$0x1];
	s29 =	simm.s32 $0x9600  }
0x3: {  	s30 =	simm.s32 $0x10E00;
	s31 =	simm.s32 $0xB400;
	s28 =	simm.s32 $0x5  }
0x4: {  	s9 =	simm.s32 $0x3;
	s10 =	simm.s32 $0x7;
	s0 =	sand.u32 $0x1, s0  }
0x5: {  	s11 =	simm.s32 $0xA;
	s4 =	sshll.u32 s3, $0x8;
	s5 =	sshll.u32 s0, $0x7  }
0x6: {  	s3 =	simm.s32 $0x0;
	s0 =	ssub.s32 $0x2, s0;
	s4 =	sor.u32 s5, s4  }
0x7: {  	[smem:$0x7FF] =	sst s3;
	s17 =	sshrl.u32 s0, $0x1;
	s5 =	smul.u32 $0x19, s4  }
0x8: {  	s12 =	simm.s32 $0xE;
	_ =	strace $0x80000047;
	s0 =	ssub.s32 s0, s17  }
0x9: {  	s6 =	smul.u32 $0x3200, s4;
	s0 =	smax.u32 s0, $0x1;
	s7 =	sadd.s32 s5, s1  }
0xa: {  	s5 =	sadd.s32 $0xF43000, s1;
	s1 =	sadd.s32 $0x19C00, s1;
	[dreg:$0xe] =	wrdreg s0  }
0xb: {  	s13 =	simm.s32 $0x4;
	[dreg:$0x3] =	wrdreg s1;
	s18 =	sadd.s32 $0xC00, s7  }
0xc: {  	s6 =	sshrl.u32 s6, $0x3;
	s20 =	sadd.s32 $0xC0F, s7;
	[dreg:$0x4] =	wrdreg s18  }
0xd: {  	s14 =	simm.s32 $0x8;
	s19 =	sadd.s32 s2, s6;
	[dreg:$0x6] =	wrdreg s20  }
0xe: {  	s15 =	simm.s32 $0xB;
	s21 =	sadd.s32 $0x3C0, s19;
	[dreg:$0x5] =	wrdreg s19  }
0xf: {  	s16 =	simm.s32 $0xF;
	s22 =	sadd.s32 $0x640, s19;
	[dreg:$0x7] =	wrdreg s21  }
0x10: {  	s8 =	simm.s32 $0x10;
	s23 =	sadd.s32 $0xA00, s19;
	[dreg:$0x8] =	wrdreg s22  }
0x11: {  	s17 =	simm.s32 $0xC;
	s24 =	sadd.s32 $0x31380, s19;
	[dreg:$0x9] =	wrdreg s23  }
0x12: {  	s6 =	simm.s32 $0x2;
	s25 =	sadd.s32 $0x31740, s19;
	[dreg:$0xa] =	wrdreg s24  }
0x13: {  	s7 =	simm.s32 $0xD;
	s26 =	sadd.s32 $0x319C0, s19;
	[dreg:$0xb] =	wrdreg s25  }
0x14: {  	s1 =	sadd.s32 $0x31D80, s19;
	s20 =	simm.s32 $0x78;
	[dreg:$0xc] =	wrdreg s26  }
0x15: {  	s18 =	simm.s32 $0x1;
	[dreg:$0xd] =	wrdreg s1;
	s22 =	simm.s32 $0x50  }
0x16: {  	s21 =	simm.s32 $0x6;
	s23 =	simm.s32 $0x9;
	s1 =	simm.s32 $0x0  }
.LBB2_1:
0x17: {  	[dreg:$0xf] =	wrdreg s1  }
0x18: {  	s0 =	rddreg [dreg:$0x3];
	s24 =	simm.s32 $0x6400;
	s1 =	simm.s32 $0x11  }
0x19: {  	[tilespmem:s24], [sflag:$0x11] =	stream.linear.gather [hbm4b:s0+s3], $0x3200, $0x38;
	[tilespmem:$0x15E00] =	vst v63  }
0x1a: {  	_ =	swait.ge [sflag:s1], $0x3200  }
0x1b: {  	[sflag:s1] =	ssyncset.done $0x0  }
0x1c: {  	s19 =	simm.s32 $0xC8;
	s25 =	rddreg [dreg:$0x4];
	[sflag:s1] =	ssyncadd.s32 $0xFFFFCE00  }
0x1d: {  	[tilespmem:s3], [sflag:$0x11] =	stream.strided.gather [hbm4b:s25+s20], $0x3C00, s19, s20, $0x38;
	[tilespmem:$0x15E00] =	vst v63  }
0x1e: {  	_ =	swait.ge [sflag:s1], $0x3C00  }
0x1f: {  	[sflag:s1] =	ssyncset.done $0x0  }
0x20: {  	s24 =	simm.s32 $0x3C00;
	s26 =	rddreg [dreg:$0x6];
	[sflag:s1] =	ssyncadd.s32 $0xFFFFC400  }
0x21: {  	[tilespmem:s24], [sflag:$0x11] =	stream.strided.gather [hbm4b:s26+s22], $0x2800, s19, s22, $0x38;
	[tilespmem:$0x15E00] =	vst v63  }
0x22: {  	_ =	swait.ge [sflag:s1], $0x2800  }
0x23: {  	[sflag:s1] =	ssyncset.done $0x0  }
0x24: {  	[sflag:s1] =	ssyncadd.s32 $0xFFFFD800  }
0x25: {  	[tilespmem:s29], [sflag:$0x1] =	stream.indirect.gather [hbm4b:s5+s20], $0x40, s3, s20, $0xb8;
	[tilespmem:$0x15E00] =	vst v63  }
0x26: {  	_ = 	snop  }
0x27: {  	[tilespmem:s30], [sflag:$0x5] =	stream.indirect.gather [hbm4b:s5+s22], $0x40, s24, s22, $0xb8;
	[tilespmem:$0x15E00] =	vst v63  }
0x28: {  	_ = 	snop  }
0x29: {  	[tilespmem:s31], [sflag:$0x2] =	stream.indirect.gather [hbm4b:s5+s20], $0x40, s20, s20, $0xb8;
	[tilespmem:$0x15E00] =	vst v63  }
0x2a: {  	s25 =	simm.s32 $0x3C50;
	s26 =	simm.s32 $0x12200  }
0x2b: {  	[tilespmem:s26], [sflag:$0x6] =	stream.indirect.gather [hbm4b:s5+s22], $0x40, s25, s22, $0xb8;
	[tilespmem:$0x15E00] =	vst v63  }
0x2c: {  	s19 =	simm.s32 $0xF0;
	s24 =	simm.s32 $0xD200  }
0x2d: {  	[tilespmem:s24], [sflag:$0x3] =	stream.indirect.gather [hbm4b:s5+s20], $0x40, s19, s20, $0xb8;
	[tilespmem:$0x15E00] =	vst v63  }
0x2e: {  	s25 =	simm.s32 $0x3CA0;
	s26 =	simm.s32 $0x13600  }
0x2f: {  	[tilespmem:s26], [sflag:$0x7] =	stream.indirect.gather [hbm4b:s5+s22], $0x40, s25, s22, $0xb8;
	[tilespmem:$0x15E00] =	vst v63  }
0x30: {  	_ =	swait.ge [sflag:s18], $0x1E00  }
0x31: {  	[sflag:s18] =	ssyncset.done $0x0  }
0x32: {  	[sflag:s18] =	ssyncadd.s32 $0xFFFFE200  }
0x33: {  	_ =	swait.ge [sflag:s28], $0x1400  }
0x34: {  	[sflag:s28] =	ssyncset.done $0x0  }
0x35: {  	s19 =	simm.s32 $0x0;
	[sflag:s28] =	ssyncadd.s32 $0xFFFFEC00  }
0x36: {  	v5 =	vld [tilespmem:s19+$0x6400]  }
0x37: {  	v6 =	vld [tilespmem:s19+$0x6410]  }
0x38: {  	v1 =	vld [tilespmem:s19+$0x6420]  }
0x39: {  	v0 =	vld [tilespmem:s19+$0x6430]  }
0x3a: {  	v2 =	vld [tilespmem:s19+$0x9600]  }
0x3b: {  	v4 =	vld [tilespmem:s19+$0x9610]  }
0x3c: {  	s0 =	simm.s32 $0x100;
	v3 =	vld [tilespmem:s19+$0x9620]  }
.LBB2_2:
0x3d: {  	s1 =	sshra.s32 s0, $0x2;
	p0 =	sne.s32 s0, $0x7700;
	v7 =	vld [tilespmem:s19+$0x9630];
	v8 =	vmov v1  }
0x3e: {  	v9 =	vld [tilespmem:s1+$0x6400];
	v10 =	vmov v0  }
0x3f: {  	v11 =	vld [tilespmem:s1+$0x6410];
	v2 =	vadd.f32 v5, v2  }
.Ltmp0:
0x40: {  	v1 =	vld [tilespmem:s1+$0x6420];
	v4 =	vadd.f32 v6, v4;
	(pc) =	sbr.rel @p0 .LBB2_2-.Ltmp0, $4  }
0x41: {  	v0 =	vld [tilespmem:s1+$0x6430];
	[tilespmem:s19+$0x9600] =	vst v2;
	v3 =	vadd.f32 v8, v3  }
0x42: {  	v2 =	vld [tilespmem:s1+$0x9600];
	[tilespmem:s19+$0x9610] =	vst v4;
	v7 =	vadd.f32 v10, v7  }
0x43: {  	v4 =	vld [tilespmem:s1+$0x9610];
	[tilespmem:s19+$0x9620] =	vst v3;
	v5 =	vmov v9  }
0x44: {  	s0 =	sadd.s32 $0x100, s0;
	v3 =	vld [tilespmem:s1+$0x9620];
	[tilespmem:s19+$0x9630] =	vst v7;
	v6 =	vmov v11;
	s19 =	smov.u32 s1  }
0x45: {  	v7 =	vld [tilespmem:s19+$0x9630];
	_ =	sdelay $0x1  }
0x46: {  	v2 =	vadd.f32 v5, v2  }
0x47: {  	v4 =	vadd.f32 v6, v4  }
0x48: {  	[tilespmem:s19+$0x9600] =	vst v2;
	v1 =	vadd.f32 v1, v3  }
0x49: {  	[tilespmem:s19+$0x9610] =	vst v4;
	v0 =	vadd.f32 v0, v7  }
0x4a: {  	[tilespmem:s19+$0x9620] =	vst v1  }
0x4b: {  	[tilespmem:s19+$0x9630] =	vst v0;
	s19 =	simm.s32 $0x0  }
0x4c: {  	v5 =	vld [tilespmem:s19+$0x8200]  }
0x4d: {  	v6 =	vld [tilespmem:s19+$0x8210]  }
0x4e: {  	v1 =	vld [tilespmem:s19+$0x8220]  }
0x4f: {  	v0 =	vld [tilespmem:s19+$0x8230]  }
0x50: {  	v2 =	vld [tilespmem:s19+$0x10E00]  }
0x51: {  	v4 =	vld [tilespmem:s19+$0x10E10]  }
0x52: {  	s0 =	simm.s32 $0x100;
	v3 =	vld [tilespmem:s19+$0x10E20]  }
.LBB2_4:
0x53: {  	s1 =	sshra.s32 s0, $0x2;
	p0 =	sne.s32 s0, $0x4F00;
	v7 =	vld [tilespmem:s19+$0x10E30];
	v8 =	vmov v1  }
0x54: {  	v9 =	vld [tilespmem:s1+$0x8200];
	v10 =	vmov v0  }
0x55: {  	v11 =	vld [tilespmem:s1+$0x8210];
	v2 =	vadd.f32 v5, v2  }
.Ltmp1:
0x56: {  	v1 =	vld [tilespmem:s1+$0x8220];
	v4 =	vadd.f32 v6, v4;
	(pc) =	sbr.rel @p0 .LBB2_4-.Ltmp1, $4  }
0x57: {  	v0 =	vld [tilespmem:s1+$0x8230];
	[tilespmem:s19+$0x10E00] =	vst v2;
	v3 =	vadd.f32 v8, v3  }
0x58: {  	v2 =	vld [tilespmem:s1+$0x10E00];
	[tilespmem:s19+$0x10E10] =	vst v4;
	v7 =	vadd.f32 v10, v7  }
0x59: {  	v4 =	vld [tilespmem:s1+$0x10E10];
	[tilespmem:s19+$0x10E20] =	vst v3;
	v5 =	vmov v9  }
0x5a: {  	s0 =	sadd.s32 $0x100, s0;
	v3 =	vld [tilespmem:s1+$0x10E20];
	[tilespmem:s19+$0x10E30] =	vst v7;
	v6 =	vmov v11;
	s19 =	smov.u32 s1  }
0x5b: {  	v7 =	vld [tilespmem:s19+$0x10E30];
	_ =	sdelay $0x1  }
0x5c: {  	v2 =	vadd.f32 v5, v2  }
0x5d: {  	v4 =	vadd.f32 v6, v4  }
0x5e: {  	[tilespmem:s19+$0x10E00] =	vst v2;
	v1 =	vadd.f32 v1, v3  }
0x5f: {  	[tilespmem:s19+$0x10E10] =	vst v4;
	v0 =	vadd.f32 v0, v7  }
0x60: {  	[tilespmem:s19+$0x10E20] =	vst v1  }
0x61: {  	s0 =	simm.s32 $0x0;
	s1 =	rddreg [dreg:$0x5];
	[tilespmem:s19+$0x10E30] =	vst v0  }
0x62: {  	[hbm4b:s1+s0] =	stream.linear.scatter [tilespmem:s29], [sflag:$0x9], $0x1E00, $0x38;
	[tilespmem:$0x15E00] =	vst v63  }
0x63: {  	s26 =	rddreg [dreg:$0x7]  }
0x64: {  	[hbm4b:s26+s0] =	stream.linear.scatter [tilespmem:s30], [sflag:$0xD], $0x1400, $0x38;
	[tilespmem:$0x15E00] =	vst v63  }
0x65: {  	s24 =	simm.s32 $0xF000;
	s19 =	simm.s32 $0x168  }
0x66: {  	[tilespmem:s24], [sflag:$0x4] =	stream.indirect.gather [hbm4b:s5+s20], $0x40, s19, s20, $0xb8;
	[tilespmem:$0x15E00] =	vst v63  }
0x67: {  	s25 =	simm.s32 $0x3CF0;
	s26 =	simm.s32 $0x14A00  }
0x68: {  	[tilespmem:s26], [sflag:$0x8] =	stream.indirect.gather [hbm4b:s5+s22], $0x40, s25, s22, $0xb8;
	[tilespmem:$0x15E00] =	vst v63  }
0x69: {  	_ =	swait.ge [sflag:s6], $0x1E00  }
0x6a: {  	[sflag:s6] =	ssyncset.done $0x0  }
0x6b: {  	[sflag:s6] =	ssyncadd.s32 $0xFFFFE200  }
0x6c: {  	_ =	swait.ge [sflag:s21], $0x1400  }
0x6d: {  	[sflag:s21] =	ssyncset.done $0x0  }
0x6e: {  	s19 =	simm.s32 $0x0;
	[sflag:s21] =	ssyncadd.s32 $0xFFFFEC00  }
0x6f: {  	v5 =	vld [tilespmem:s19+$0x6400]  }
0x70: {  	v6 =	vld [tilespmem:s19+$0x6410]  }
0x71: {  	v1 =	vld [tilespmem:s19+$0x6420]  }
0x72: {  	v0 =	vld [tilespmem:s19+$0x6430]  }
0x73: {  	v2 =	vld [tilespmem:s19+$0xB400]  }
0x74: {  	v4 =	vld [tilespmem:s19+$0xB410]  }
0x75: {  	s0 =	simm.s32 $0x100;
	s24 =	simm.s32 $0x0;
	v3 =	vld [tilespmem:s19+$0xB420]  }
.LBB2_6:
0x76: {  	s1 =	sshra.s32 s0, $0x2;
	p0 =	sne.s32 s0, $0x7700;
	v7 =	vld [tilespmem:s24+$0xB430];
	v8 =	vmov v1  }
0x77: {  	v9 =	vld [tilespmem:s1+$0x6400];
	v10 =	vmov v0  }
0x78: {  	v11 =	vld [tilespmem:s1+$0x6410];
	v2 =	vadd.f32 v5, v2  }
.Ltmp2:
0x79: {  	v1 =	vld [tilespmem:s1+$0x6420];
	v4 =	vadd.f32 v6, v4;
	(pc) =	sbr.rel @p0 .LBB2_6-.Ltmp2, $4  }
0x7a: {  	v0 =	vld [tilespmem:s1+$0x6430];
	[tilespmem:s24+$0xB400] =	vst v2;
	v3 =	vadd.f32 v8, v3  }
0x7b: {  	v2 =	vld [tilespmem:s1+$0xB400];
	[tilespmem:s24+$0xB410] =	vst v4;
	v7 =	vadd.f32 v10, v7  }
0x7c: {  	v4 =	vld [tilespmem:s1+$0xB410];
	[tilespmem:s24+$0xB420] =	vst v3;
	v5 =	vmov v9  }
0x7d: {  	s0 =	sadd.s32 $0x100, s0;
	v3 =	vld [tilespmem:s1+$0xB420];
	[tilespmem:s24+$0xB430] =	vst v7;
	v6 =	vmov v11;
	s24 =	smov.u32 s1  }
0x7e: {  	v7 =	vld [tilespmem:s24+$0xB430];
	_ =	sdelay $0x1  }
0x7f: {  	v2 =	vadd.f32 v5, v2  }
0x80: {  	v4 =	vadd.f32 v6, v4  }
0x81: {  	[tilespmem:s24+$0xB400] =	vst v2;
	v1 =	vadd.f32 v1, v3  }
0x82: {  	[tilespmem:s24+$0xB410] =	vst v4;
	v0 =	vadd.f32 v0, v7  }
0x83: {  	[tilespmem:s24+$0xB420] =	vst v1  }
0x84: {  	[tilespmem:s24+$0xB430] =	vst v0  }
0x85: {  	v5 =	vld [tilespmem:s19+$0x8200]  }
0x86: {  	v6 =	vld [tilespmem:s19+$0x8210]  }
0x87: {  	v1 =	vld [tilespmem:s19+$0x8220]  }
0x88: {  	v0 =	vld [tilespmem:s19+$0x8230]  }
0x89: {  	v2 =	vld [tilespmem:s19+$0x12200]  }
0x8a: {  	v4 =	vld [tilespmem:s19+$0x12210]  }
0x8b: {  	s0 =	simm.s32 $0x100;
	v3 =	vld [tilespmem:s19+$0x12220]  }
.LBB2_8:
0x8c: {  	s1 =	sshra.s32 s0, $0x2;
	p0 =	sne.s32 s0, $0x4F00;
	v7 =	vld [tilespmem:s19+$0x12230];
	v8 =	vmov v1  }
0x8d: {  	v9 =	vld [tilespmem:s1+$0x8200];
	v10 =	vmov v0  }
0x8e: {  	v11 =	vld [tilespmem:s1+$0x8210];
	v2 =	vadd.f32 v5, v2  }
.Ltmp3:
0x8f: {  	v1 =	vld [tilespmem:s1+$0x8220];
	v4 =	vadd.f32 v6, v4;
	(pc) =	sbr.rel @p0 .LBB2_8-.Ltmp3, $4  }
0x90: {  	v0 =	vld [tilespmem:s1+$0x8230];
	[tilespmem:s19+$0x12200] =	vst v2;
	v3 =	vadd.f32 v8, v3  }
0x91: {  	v2 =	vld [tilespmem:s1+$0x12200];
	[tilespmem:s19+$0x12210] =	vst v4;
	v7 =	vadd.f32 v10, v7  }
0x92: {  	v4 =	vld [tilespmem:s1+$0x12210];
	[tilespmem:s19+$0x12220] =	vst v3;
	v5 =	vmov v9  }
0x93: {  	s0 =	sadd.s32 $0x100, s0;
	v3 =	vld [tilespmem:s1+$0x12220];
	[tilespmem:s19+$0x12230] =	vst v7;
	v6 =	vmov v11;
	s19 =	smov.u32 s1  }
0x94: {  	v7 =	vld [tilespmem:s19+$0x12230];
	_ =	sdelay $0x1  }
0x95: {  	v2 =	vadd.f32 v5, v2  }
0x96: {  	v4 =	vadd.f32 v6, v4  }
0x97: {  	[tilespmem:s19+$0x12200] =	vst v2;
	v1 =	vadd.f32 v1, v3  }
0x98: {  	[tilespmem:s19+$0x12210] =	vst v4;
	v0 =	vadd.f32 v0, v7  }
0x99: {  	[tilespmem:s19+$0x12220] =	vst v1  }
0x9a: {  	s0 =	rddreg [dreg:$0x8];
	[tilespmem:s19+$0x12230] =	vst v0;
	s19 =	simm.s32 $0x0  }
0x9b: {  	[hbm4b:s0+s19] =	stream.linear.scatter [tilespmem:s31], [sflag:$0xA], $0x1E00, $0x38;
	[tilespmem:$0x15E00] =	vst v63  }
0x9c: {  	s26 =	rddreg [dreg:$0x9];
	s1 =	simm.s32 $0x12200  }
0x9d: {  	[hbm4b:s26+s19] =	stream.linear.scatter [tilespmem:s1], [sflag:$0xE], $0x1400, $0x38;
	[tilespmem:$0x15E00] =	vst v63  }
.LBB2_10:
0x9e: {  	_ =	swait.ge [sflag:s23], $0x1E00  }
0x9f: {  	s24 =	sshll.u32 s19, $0x2;
	[sflag:s23] =	ssyncset.done $0x0  }
0xa0: {  	s25 =	sadd.s32 $0x4, s24;
	[sflag:s23] =	ssyncadd.s32 $0xFFFFE200  }
0xa1: {  	s0 =	smul.u32 $0x1E0, s25;
	_ =	swait.ge [sflag:s7], $0x1400  }
0xa2: {  	[sflag:s7] =	ssyncset.done $0x0  }
0xa3: {  	s1 =	smul.u32 $0x140, s25;
	s0 =	sshra.s32 s0, $0x2;
	[sflag:s7] =	ssyncadd.s32 $0xFFFFEC00  }
0xa4: {  	[tilespmem:s29], [sflag:$0x1] =	stream.indirect.gather [hbm4b:s5+s20], $0x40, s0, s20, $0xb8;
	[tilespmem:$0x15E00] =	vst v63  }
0xa5: {  	s29 =	sshra.s32 s1, $0x2  }
0xa6: {  	s0 =	sadd.s32 $0x3C00, s29  }
0xa7: {  	[tilespmem:s30], [sflag:$0x5] =	stream.indirect.gather [hbm4b:s5+s22], $0x40, s0, s22, $0xb8;
	[tilespmem:$0x15E00] =	vst v63  }
0xa8: {  	_ =	swait.ge [sflag:s9], $0x1E00  }
0xa9: {  	[sflag:s9] =	ssyncset.done $0x0  }
0xaa: {  	[sflag:s9] =	ssyncadd.s32 $0xFFFFE200  }
0xab: {  	_ =	swait.ge [sflag:s10], $0x1400  }
0xac: {  	[sflag:s10] =	ssyncset.done $0x0  }
0xad: {  	s26 =	simm.s32 $0x0;
	[sflag:s10] =	ssyncadd.s32 $0xFFFFEC00  }
0xae: {  	v5 =	vld [tilespmem:s26+$0x6400]  }
0xaf: {  	v6 =	vld [tilespmem:s26+$0x6410]  }
0xb0: {  	v1 =	vld [tilespmem:s26+$0x6420]  }
0xb1: {  	v0 =	vld [tilespmem:s26+$0x6430]  }
0xb2: {  	v2 =	vld [tilespmem:s26+$0xD200]  }
0xb3: {  	v4 =	vld [tilespmem:s26+$0xD210]  }
0xb4: {  	s0 =	simm.s32 $0x100;
	v3 =	vld [tilespmem:s26+$0xD220]  }
.LBB2_11:
0xb5: {  	s1 =	sshra.s32 s0, $0x2;
	p0 =	sne.s32 s0, $0x7700;
	v7 =	vld [tilespmem:s26+$0xD230];
	v8 =	vmov v1  }
0xb6: {  	v9 =	vld [tilespmem:s1+$0x6400];
	v10 =	vmov v0  }
0xb7: {  	v11 =	vld [tilespmem:s1+$0x6410];
	v2 =	vadd.f32 v5, v2  }
.Ltmp4:
0xb8: {  	v1 =	vld [tilespmem:s1+$0x6420];
	v4 =	vadd.f32 v6, v4;
	(pc) =	sbr.rel @p0 .LBB2_11-.Ltmp4, $4  }
0xb9: {  	v0 =	vld [tilespmem:s1+$0x6430];
	[tilespmem:s26+$0xD200] =	vst v2;
	v3 =	vadd.f32 v8, v3  }
0xba: {  	v2 =	vld [tilespmem:s1+$0xD200];
	[tilespmem:s26+$0xD210] =	vst v4;
	v7 =	vadd.f32 v10, v7  }
0xbb: {  	v4 =	vld [tilespmem:s1+$0xD210];
	[tilespmem:s26+$0xD220] =	vst v3;
	v5 =	vmov v9  }
0xbc: {  	s0 =	sadd.s32 $0x100, s0;
	v3 =	vld [tilespmem:s1+$0xD220];
	[tilespmem:s26+$0xD230] =	vst v7;
	v6 =	vmov v11;
	s26 =	smov.u32 s1  }
0xbd: {  	v7 =	vld [tilespmem:s26+$0xD230];
	_ =	sdelay $0x1  }
0xbe: {  	v2 =	vadd.f32 v5, v2  }
0xbf: {  	v4 =	vadd.f32 v6, v4  }
0xc0: {  	[tilespmem:s26+$0xD200] =	vst v2;
	v1 =	vadd.f32 v1, v3  }
0xc1: {  	[tilespmem:s26+$0xD210] =	vst v4;
	v0 =	vadd.f32 v0, v7  }
0xc2: {  	[tilespmem:s26+$0xD220] =	vst v1  }
0xc3: {  	[tilespmem:s26+$0xD230] =	vst v0;
	s26 =	simm.s32 $0x0  }
0xc4: {  	v5 =	vld [tilespmem:s26+$0x8200]  }
0xc5: {  	v6 =	vld [tilespmem:s26+$0x8210]  }
0xc6: {  	v1 =	vld [tilespmem:s26+$0x8220]  }
0xc7: {  	v0 =	vld [tilespmem:s26+$0x8230]  }
0xc8: {  	v3 =	vld [tilespmem:s26+$0x13600]  }
0xc9: {  	v4 =	vld [tilespmem:s26+$0x13610]  }
0xca: {  	s0 =	simm.s32 $0x100;
	v2 =	vld [tilespmem:s26+$0x13620]  }
.LBB2_13:
0xcb: {  	s1 =	sshra.s32 s0, $0x2;
	p0 =	sne.s32 s0, $0x4F00;
	v7 =	vld [tilespmem:s26+$0x13630];
	v8 =	vmov v1  }
0xcc: {  	v9 =	vld [tilespmem:s1+$0x8200];
	v10 =	vmov v0  }
0xcd: {  	v11 =	vld [tilespmem:s1+$0x8210];
	v3 =	vadd.f32 v5, v3  }
.Ltmp5:
0xce: {  	v1 =	vld [tilespmem:s1+$0x8220];
	v4 =	vadd.f32 v6, v4;
	(pc) =	sbr.rel @p0 .LBB2_13-.Ltmp5, $4  }
0xcf: {  	v0 =	vld [tilespmem:s1+$0x8230];
	[tilespmem:s26+$0x13600] =	vst v3;
	v2 =	vadd.f32 v8, v2  }
0xd0: {  	v3 =	vld [tilespmem:s1+$0x13600];
	[tilespmem:s26+$0x13610] =	vst v4;
	v7 =	vadd.f32 v10, v7  }
0xd1: {  	v4 =	vld [tilespmem:s1+$0x13610];
	[tilespmem:s26+$0x13620] =	vst v2;
	v5 =	vmov v9  }
0xd2: {  	s0 =	sadd.s32 $0x100, s0;
	v2 =	vld [tilespmem:s1+$0x13620];
	[tilespmem:s26+$0x13630] =	vst v7;
	v6 =	vmov v11;
	s26 =	smov.u32 s1  }
0xd3: {  	v7 =	vld [tilespmem:s26+$0x13630];
	_ =	sdelay $0x1  }
0xd4: {  	s0 =	sor.u32 s24, s4;
	v3 =	vadd.f32 v5, v3  }
0xd5: {  	s0 =	smul.u32 $0x3200, s0;
	v4 =	vadd.f32 v6, v4  }
0xd6: {  	[tilespmem:s26+$0x13600] =	vst v3;
	v1 =	vadd.f32 v1, v2  }
0xd7: {  	s0 =	sshrl.u32 s0, $0x3;
	[tilespmem:s26+$0x13610] =	vst v4;
	v0 =	vadd.f32 v0, v7  }
0xd8: {  	s29 =	sadd.s32 s2, s0;
	[tilespmem:s26+$0x13620] =	vst v1  }
0xd9: {  	s1 =	simm.s32 $0x0;
	s30 =	simm.s32 $0xD200;
	s0 =	sadd.s32 $0xC80, s29;
	[tilespmem:s26+$0x13630] =	vst v0  }
0xda: {  	[hbm4b:s0+s1] =	stream.linear.scatter [tilespmem:s30], [sflag:$0xB], $0x1E00, $0x38;
	[tilespmem:$0x15E00] =	vst v63  }
0xdb: {  	s26 =	sadd.s32 $0x1040, s29;
	s30 =	simm.s32 $0x13600  }
0xdc: {  	[hbm4b:s26+s1] =	stream.linear.scatter [tilespmem:s30], [sflag:$0xF], $0x1400, $0x38;
	[tilespmem:$0x15E00] =	vst v63  }
0xdd: {  	_ =	swait.ge [sflag:s11], $0x1E00  }
0xde: {  	s26 =	sadd.s32 $0x5, s24;
	[sflag:s11] =	ssyncset.done $0x0  }
0xdf: {  	s1 =	smul.u32 $0x1E0, s26;
	[sflag:s11] =	ssyncadd.s32 $0xFFFFE200  }
0xe0: {  	s30 =	smul.u32 $0x140, s26;
	_ =	swait.ge [sflag:s12], $0x1400  }
0xe1: {  	[sflag:s12] =	ssyncset.done $0x0  }
0xe2: {  	s0 =	sshra.s32 s1, $0x2;
	s1 =	sshra.s32 s30, $0x2;
	[sflag:s12] =	ssyncadd.s32 $0xFFFFEC00  }
0xe3: {  	[tilespmem:s31], [sflag:$0x2] =	stream.indirect.gather [hbm4b:s5+s20], $0x40, s0, s20, $0xb8;
	[tilespmem:$0x15E00] =	vst v63  }
0xe4: {  	s30 =	simm.s32 $0x12200;
	s0 =	sadd.s32 $0x3C00, s1  }
0xe5: {  	[tilespmem:s30], [sflag:$0x6] =	stream.indirect.gather [hbm4b:s5+s22], $0x40, s0, s22, $0xb8;
	[tilespmem:$0x15E00] =	vst v63  }
0xe6: {  	_ =	swait.ge [sflag:s13], $0x1E00  }
0xe7: {  	[sflag:s13] =	ssyncset.done $0x0  }
0xe8: {  	[sflag:s13] =	ssyncadd.s32 $0xFFFFE200  }
0xe9: {  	_ =	swait.ge [sflag:s14], $0x1400  }
0xea: {  	[sflag:s14] =	ssyncset.done $0x0  }
0xeb: {  	s31 =	simm.s32 $0x0;
	[sflag:s14] =	ssyncadd.s32 $0xFFFFEC00  }
0xec: {  	v5 =	vld [tilespmem:s31+$0x6400]  }
0xed: {  	v6 =	vld [tilespmem:s31+$0x6410]  }
0xee: {  	v1 =	vld [tilespmem:s31+$0x6420]  }
0xef: {  	v0 =	vld [tilespmem:s31+$0x6430]  }
0xf0: {  	v2 =	vld [tilespmem:s31+$0xF000]  }
0xf1: {  	v4 =	vld [tilespmem:s31+$0xF010]  }
0xf2: {  	s1 =	simm.s32 $0x100;
	s0 =	simm.s32 $0x0;
	v3 =	vld [tilespmem:s31+$0xF020]  }
.LBB2_15:
0xf3: {  	s30 =	sshra.s32 s1, $0x2;
	p0 =	sne.s32 s1, $0x7700;
	v7 =	vld [tilespmem:s0+$0xF030];
	v8 =	vmov v1  }
0xf4: {  	v9 =	vld [tilespmem:s30+$0x6400];
	v10 =	vmov v0  }
0xf5: {  	v11 =	vld [tilespmem:s30+$0x6410];
	v2 =	vadd.f32 v5, v2  }
.Ltmp6:
0xf6: {  	v1 =	vld [tilespmem:s30+$0x6420];
	v4 =	vadd.f32 v6, v4;
	(pc) =	sbr.rel @p0 .LBB2_15-.Ltmp6, $4  }
0xf7: {  	v0 =	vld [tilespmem:s30+$0x6430];
	[tilespmem:s0+$0xF000] =	vst v2;
	v3 =	vadd.f32 v8, v3  }
0xf8: {  	v2 =	vld [tilespmem:s30+$0xF000];
	[tilespmem:s0+$0xF010] =	vst v4;
	v7 =	vadd.f32 v10, v7  }
0xf9: {  	v4 =	vld [tilespmem:s30+$0xF010];
	[tilespmem:s0+$0xF020] =	vst v3;
	v5 =	vmov v9  }
0xfa: {  	s1 =	sadd.s32 $0x100, s1;
	v3 =	vld [tilespmem:s30+$0xF020];
	[tilespmem:s0+$0xF030] =	vst v7;
	v6 =	vmov v11;
	s0 =	smov.u32 s30  }
0xfb: {  	v7 =	vld [tilespmem:s0+$0xF030];
	_ =	sdelay $0x1  }
0xfc: {  	v2 =	vadd.f32 v5, v2  }
0xfd: {  	v4 =	vadd.f32 v6, v4  }
0xfe: {  	[tilespmem:s0+$0xF000] =	vst v2;
	v1 =	vadd.f32 v1, v3  }
0xff: {  	[tilespmem:s0+$0xF010] =	vst v4;
	v0 =	vadd.f32 v0, v7  }
0x100: {  	[tilespmem:s0+$0xF020] =	vst v1  }
0x101: {  	[tilespmem:s0+$0xF030] =	vst v0  }
0x102: {  	v5 =	vld [tilespmem:s31+$0x8200]  }
0x103: {  	v6 =	vld [tilespmem:s31+$0x8210]  }
0x104: {  	v1 =	vld [tilespmem:s31+$0x8220]  }
0x105: {  	v0 =	vld [tilespmem:s31+$0x8230]  }
0x106: {  	v2 =	vld [tilespmem:s31+$0x14A00]  }
0x107: {  	v4 =	vld [tilespmem:s31+$0x14A10]  }
0x108: {  	s0 =	simm.s32 $0x100;
	v3 =	vld [tilespmem:s31+$0x14A20]  }
.LBB2_17:
0x109: {  	s1 =	sshra.s32 s0, $0x2;
	p0 =	sne.s32 s0, $0x4F00;
	v7 =	vld [tilespmem:s31+$0x14A30];
	v8 =	vmov v1  }
0x10a: {  	v9 =	vld [tilespmem:s1+$0x8200];
	v10 =	vmov v0  }
0x10b: {  	v11 =	vld [tilespmem:s1+$0x8210];
	v2 =	vadd.f32 v5, v2  }
.Ltmp7:
0x10c: {  	v1 =	vld [tilespmem:s1+$0x8220];
	v4 =	vadd.f32 v6, v4;
	(pc) =	sbr.rel @p0 .LBB2_17-.Ltmp7, $4  }
0x10d: {  	v0 =	vld [tilespmem:s1+$0x8230];
	[tilespmem:s31+$0x14A00] =	vst v2;
	v3 =	vadd.f32 v8, v3  }
0x10e: {  	v2 =	vld [tilespmem:s1+$0x14A00];
	[tilespmem:s31+$0x14A10] =	vst v4;
	v7 =	vadd.f32 v10, v7  }
0x10f: {  	v4 =	vld [tilespmem:s1+$0x14A10];
	[tilespmem:s31+$0x14A20] =	vst v3;
	v5 =	vmov v9  }
0x110: {  	s0 =	sadd.s32 $0x100, s0;
	v3 =	vld [tilespmem:s1+$0x14A20];
	[tilespmem:s31+$0x14A30] =	vst v7;
	v6 =	vmov v11;
	s31 =	smov.u32 s1  }
0x111: {  	v7 =	vld [tilespmem:s31+$0x14A30];
	_ =	sdelay $0x1  }
0x112: {  	v2 =	vadd.f32 v5, v2  }
0x113: {  	v4 =	vadd.f32 v6, v4  }
0x114: {  	[tilespmem:s31+$0x14A00] =	vst v2;
	v1 =	vadd.f32 v1, v3  }
0x115: {  	[tilespmem:s31+$0x14A10] =	vst v4;
	v0 =	vadd.f32 v0, v7  }
0x116: {  	[tilespmem:s31+$0x14A20] =	vst v1  }
0x117: {  	s0 =	sadd.s32 $0x12C0, s29;
	s1 =	simm.s32 $0x0;
	s30 =	simm.s32 $0xF000;
	[tilespmem:s31+$0x14A30] =	vst v0  }
0x118: {  	[hbm4b:s0+s1] =	stream.linear.scatter [tilespmem:s30], [sflag:$0xC], $0x1E00, $0x38;
	[tilespmem:$0x15E00] =	vst v63  }
0x119: {  	s30 =	sadd.s32 $0x1680, s29;
	s29 =	simm.s32 $0x14A00  }
0x11a: {  	[hbm4b:s30+s1] =	stream.linear.scatter [tilespmem:s29], [sflag:$0x10], $0x1400, $0x38;
	[tilespmem:$0x15E00] =	vst v63  }
0x11b: {  	_ =	swait.ge [sflag:s15], $0x1E00  }
0x11c: {  	s31 =	sadd.s32 $0x6, s24;
	[sflag:s15] =	ssyncset.done $0x0  }
0x11d: {  	s0 =	smul.u32 $0x140, s31;
	[sflag:s15] =	ssyncadd.s32 $0xFFFFE200  }
0x11e: {  	s30 =	smul.u32 $0x1E0, s31;
	_ =	swait.ge [sflag:s16], $0x1400  }
0x11f: {  	s29 =	simm.s32 $0xD200;
	[sflag:s16] =	ssyncset.done $0x0  }
0x120: {  	s0 =	sshra.s32 s0, $0x2;
	s1 =	sshra.s32 s30, $0x2;
	[sflag:s16] =	ssyncadd.s32 $0xFFFFEC00  }
0x121: {  	[tilespmem:s29], [sflag:$0x3] =	stream.indirect.gather [hbm4b:s5+s20], $0x40, s1, s20, $0xb8;
	[tilespmem:$0x15E00] =	vst v63  }
0x122: {  	s31 =	simm.s32 $0x13600;
	s0 =	sadd.s32 $0x3C00, s0  }
0x123: {  	[tilespmem:s31], [sflag:$0x7] =	stream.indirect.gather [hbm4b:s5+s22], $0x40, s0, s22, $0xb8;
	[tilespmem:$0x15E00] =	vst v63  }
0x124: {  	_ =	swait.ge [sflag:s18], $0x1E00  }
0x125: {  	[sflag:s18] =	ssyncset.done $0x0  }
0x126: {  	[sflag:s18] =	ssyncadd.s32 $0xFFFFE200  }
0x127: {  	_ =	swait.ge [sflag:s28], $0x1400  }
0x128: {  	[sflag:s28] =	ssyncset.done $0x0  }
0x129: {  	s29 =	simm.s32 $0x0;
	[sflag:s28] =	ssyncadd.s32 $0xFFFFEC00  }
0x12a: {  	v5 =	vld [tilespmem:s29+$0x6400]  }
0x12b: {  	v6 =	vld [tilespmem:s29+$0x6410]  }
0x12c: {  	v1 =	vld [tilespmem:s29+$0x6420]  }
0x12d: {  	v0 =	vld [tilespmem:s29+$0x6430]  }
0x12e: {  	v2 =	vld [tilespmem:s29+$0x9600]  }
0x12f: {  	v4 =	vld [tilespmem:s29+$0x9610]  }
0x130: {  	s1 =	simm.s32 $0x100;
	s0 =	simm.s32 $0x0;
	v3 =	vld [tilespmem:s29+$0x9620]  }
.LBB2_19:
0x131: {  	s30 =	sshra.s32 s1, $0x2;
	p0 =	sne.s32 s1, $0x7700;
	v7 =	vld [tilespmem:s0+$0x9630];
	v8 =	vmov v1  }
0x132: {  	v9 =	vld [tilespmem:s30+$0x6400];
	v10 =	vmov v0  }
0x133: {  	v11 =	vld [tilespmem:s30+$0x6410];
	v2 =	vadd.f32 v5, v2  }
.Ltmp8:
0x134: {  	v1 =	vld [tilespmem:s30+$0x6420];
	v4 =	vadd.f32 v6, v4;
	(pc) =	sbr.rel @p0 .LBB2_19-.Ltmp8, $4  }
0x135: {  	v0 =	vld [tilespmem:s30+$0x6430];
	[tilespmem:s0+$0x9600] =	vst v2;
	v3 =	vadd.f32 v8, v3  }
0x136: {  	v2 =	vld [tilespmem:s30+$0x9600];
	[tilespmem:s0+$0x9610] =	vst v4;
	v7 =	vadd.f32 v10, v7  }
0x137: {  	v4 =	vld [tilespmem:s30+$0x9610];
	[tilespmem:s0+$0x9620] =	vst v3;
	v5 =	vmov v9  }
0x138: {  	s1 =	sadd.s32 $0x100, s1;
	v3 =	vld [tilespmem:s30+$0x9620];
	[tilespmem:s0+$0x9630] =	vst v7;
	v6 =	vmov v11;
	s0 =	smov.u32 s30  }
0x139: {  	v7 =	vld [tilespmem:s0+$0x9630];
	_ =	sdelay $0x1  }
0x13a: {  	v2 =	vadd.f32 v5, v2  }
0x13b: {  	v4 =	vadd.f32 v6, v4  }
0x13c: {  	[tilespmem:s0+$0x9600] =	vst v2;
	v1 =	vadd.f32 v1, v3  }
0x13d: {  	[tilespmem:s0+$0x9610] =	vst v4;
	v0 =	vadd.f32 v0, v7  }
0x13e: {  	[tilespmem:s0+$0x9620] =	vst v1  }
0x13f: {  	[tilespmem:s0+$0x9630] =	vst v0  }
0x140: {  	v5 =	vld [tilespmem:s29+$0x8200]  }
0x141: {  	v6 =	vld [tilespmem:s29+$0x8210]  }
0x142: {  	v1 =	vld [tilespmem:s29+$0x8220]  }
0x143: {  	v0 =	vld [tilespmem:s29+$0x8230]  }
0x144: {  	v3 =	vld [tilespmem:s29+$0x10E00]  }
0x145: {  	v4 =	vld [tilespmem:s29+$0x10E10]  }
0x146: {  	s31 =	simm.s32 $0xB400;
	s0 =	simm.s32 $0x100;
	v2 =	vld [tilespmem:s29+$0x10E20]  }
.LBB2_21:
0x147: {  	s1 =	sshra.s32 s0, $0x2;
	p0 =	sne.s32 s0, $0x4F00;
	v7 =	vld [tilespmem:s29+$0x10E30];
	v8 =	vmov v1  }
0x148: {  	v9 =	vld [tilespmem:s1+$0x8200];
	v10 =	vmov v0  }
0x149: {  	v11 =	vld [tilespmem:s1+$0x8210];
	v3 =	vadd.f32 v5, v3  }
.Ltmp9:
0x14a: {  	v1 =	vld [tilespmem:s1+$0x8220];
	v4 =	vadd.f32 v6, v4;
	(pc) =	sbr.rel @p0 .LBB2_21-.Ltmp9, $4  }
0x14b: {  	v0 =	vld [tilespmem:s1+$0x8230];
	[tilespmem:s29+$0x10E00] =	vst v3;
	v2 =	vadd.f32 v8, v2  }
0x14c: {  	v3 =	vld [tilespmem:s1+$0x10E00];
	[tilespmem:s29+$0x10E10] =	vst v4;
	v7 =	vadd.f32 v10, v7  }
0x14d: {  	v4 =	vld [tilespmem:s1+$0x10E10];
	[tilespmem:s29+$0x10E20] =	vst v2;
	v5 =	vmov v9  }
0x14e: {  	s0 =	sadd.s32 $0x100, s0;
	v2 =	vld [tilespmem:s1+$0x10E20];
	[tilespmem:s29+$0x10E30] =	vst v7;
	v6 =	vmov v11;
	s29 =	smov.u32 s1  }
0x14f: {  	v7 =	vld [tilespmem:s29+$0x10E30];
	_ =	sdelay $0x1  }
0x150: {  	v3 =	vadd.f32 v5, v3  }
0x151: {  	s0 =	sadd.s32 s4, s25;
	v4 =	vadd.f32 v6, v4  }
0x152: {  	s0 =	smul.u32 $0x3200, s0;
	[tilespmem:s29+$0x10E00] =	vst v3;
	v1 =	vadd.f32 v1, v2  }
0x153: {  	[tilespmem:s29+$0x10E10] =	vst v4;
	v0 =	vadd.f32 v0, v7  }
0x154: {  	s0 =	sshrl.u32 s0, $0x3;
	[tilespmem:s29+$0x10E20] =	vst v1  }
0x155: {  	s1 =	simm.s32 $0x0;
	s0 =	sadd.s32 s2, s0;
	[tilespmem:s29+$0x10E30] =	vst v0;
	s29 =	simm.s32 $0x9600  }
0x156: {  	[hbm4b:s0+s1] =	stream.linear.scatter [tilespmem:s29], [sflag:$0x9], $0x1E00, $0x38;
	[tilespmem:$0x15E00] =	vst v63  }
0x157: {  	s30 =	simm.s32 $0x10E00;
	s0 =	sadd.s32 $0x3C0, s0  }
0x158: {  	[hbm4b:s0+s1] =	stream.linear.scatter [tilespmem:s30], [sflag:$0xD], $0x1400, $0x38;
	[tilespmem:$0x15E00] =	vst v63  }
0x159: {  	_ =	swait.ge [sflag:s17], $0x1E00  }
0x15a: {  	s25 =	sadd.s32 $0x7, s24;
	[sflag:s17] =	ssyncset.done $0x0  }
0x15b: {  	s24 =	smul.u32 $0x1E0, s25;
	[sflag:s17] =	ssyncadd.s32 $0xFFFFE200  }
0x15c: {  	s0 =	smul.u32 $0x140, s25;
	_ =	swait.ge [sflag:s8], $0x1400  }
0x15d: {  	s1 =	sshra.s32 s24, $0x2;
	[sflag:s8] =	ssyncset.done $0x0  }
0x15e: {  	s25 =	simm.s32 $0xF000;
	s0 =	sshra.s32 s0, $0x2;
	[sflag:s8] =	ssyncadd.s32 $0xFFFFEC00  }
0x15f: {  	[tilespmem:s25], [sflag:$0x4] =	stream.indirect.gather [hbm4b:s5+s20], $0x40, s1, s20, $0xb8;
	[tilespmem:$0x15E00] =	vst v63  }
0x160: {  	s0 =	sadd.s32 $0x3C00, s0;
	s25 =	simm.s32 $0x14A00  }
0x161: {  	[tilespmem:s25], [sflag:$0x8] =	stream.indirect.gather [hbm4b:s5+s22], $0x40, s0, s22, $0xb8;
	[tilespmem:$0x15E00] =	vst v63  }
0x162: {  	_ =	swait.ge [sflag:s6], $0x1E00  }
0x163: {  	[sflag:s6] =	ssyncset.done $0x0  }
0x164: {  	[sflag:s6] =	ssyncadd.s32 $0xFFFFE200  }
0x165: {  	_ =	swait.ge [sflag:s21], $0x1400  }
0x166: {  	[sflag:s21] =	ssyncset.done $0x0  }
0x167: {  	s24 =	simm.s32 $0x0;
	[sflag:s21] =	ssyncadd.s32 $0xFFFFEC00  }
0x168: {  	v5 =	vld [tilespmem:s24+$0x6400]  }
0x169: {  	v6 =	vld [tilespmem:s24+$0x6410]  }
0x16a: {  	v1 =	vld [tilespmem:s24+$0x6420]  }
0x16b: {  	v0 =	vld [tilespmem:s24+$0x6430]  }
0x16c: {  	v2 =	vld [tilespmem:s24+$0xB400]  }
0x16d: {  	v4 =	vld [tilespmem:s24+$0xB410]  }
0x16e: {  	s1 =	simm.s32 $0x100;
	s0 =	simm.s32 $0x0;
	v3 =	vld [tilespmem:s24+$0xB420]  }
.LBB2_23:
0x16f: {  	s25 =	sshra.s32 s1, $0x2;
	p0 =	sne.s32 s1, $0x7700;
	v7 =	vld [tilespmem:s0+$0xB430];
	v8 =	vmov v1  }
0x170: {  	v9 =	vld [tilespmem:s25+$0x6400];
	v10 =	vmov v0  }
0x171: {  	v11 =	vld [tilespmem:s25+$0x6410];
	v2 =	vadd.f32 v5, v2  }
.Ltmp10:
0x172: {  	v1 =	vld [tilespmem:s25+$0x6420];
	v4 =	vadd.f32 v6, v4;
	(pc) =	sbr.rel @p0 .LBB2_23-.Ltmp10, $4  }
0x173: {  	v0 =	vld [tilespmem:s25+$0x6430];
	[tilespmem:s0+$0xB400] =	vst v2;
	v3 =	vadd.f32 v8, v3  }
0x174: {  	v2 =	vld [tilespmem:s25+$0xB400];
	[tilespmem:s0+$0xB410] =	vst v4;
	v7 =	vadd.f32 v10, v7  }
0x175: {  	v4 =	vld [tilespmem:s25+$0xB410];
	[tilespmem:s0+$0xB420] =	vst v3;
	v5 =	vmov v9  }
0x176: {  	s1 =	sadd.s32 $0x100, s1;
	v3 =	vld [tilespmem:s25+$0xB420];
	[tilespmem:s0+$0xB430] =	vst v7;
	v6 =	vmov v11;
	s0 =	smov.u32 s25  }
0x177: {  	v7 =	vld [tilespmem:s0+$0xB430];
	_ =	sdelay $0x1  }
0x178: {  	v2 =	vadd.f32 v5, v2  }
0x179: {  	v4 =	vadd.f32 v6, v4  }
0x17a: {  	[tilespmem:s0+$0xB400] =	vst v2;
	v1 =	vadd.f32 v1, v3  }
0x17b: {  	[tilespmem:s0+$0xB410] =	vst v4;
	v0 =	vadd.f32 v0, v7  }
0x17c: {  	[tilespmem:s0+$0xB420] =	vst v1  }
0x17d: {  	[tilespmem:s0+$0xB430] =	vst v0  }
0x17e: {  	v5 =	vld [tilespmem:s24+$0x8200]  }
0x17f: {  	v6 =	vld [tilespmem:s24+$0x8210]  }
0x180: {  	v1 =	vld [tilespmem:s24+$0x8220]  }
0x181: {  	v0 =	vld [tilespmem:s24+$0x8230]  }
0x182: {  	v3 =	vld [tilespmem:s24+$0x12200]  }
0x183: {  	v4 =	vld [tilespmem:s24+$0x12210]  }
0x184: {  	s0 =	simm.s32 $0x100;
	v2 =	vld [tilespmem:s24+$0x12220]  }
.LBB2_25:
0x185: {  	s1 =	sshra.s32 s0, $0x2;
	p0 =	sne.s32 s0, $0x4F00;
	v7 =	vld [tilespmem:s24+$0x12230];
	v8 =	vmov v1  }
0x186: {  	v9 =	vld [tilespmem:s1+$0x8200];
	v10 =	vmov v0  }
0x187: {  	v11 =	vld [tilespmem:s1+$0x8210];
	v3 =	vadd.f32 v5, v3  }
.Ltmp11:
0x188: {  	v1 =	vld [tilespmem:s1+$0x8220];
	v4 =	vadd.f32 v6, v4;
	(pc) =	sbr.rel @p0 .LBB2_25-.Ltmp11, $4  }
0x189: {  	v0 =	vld [tilespmem:s1+$0x8230];
	[tilespmem:s24+$0x12200] =	vst v3;
	v2 =	vadd.f32 v8, v2  }
0x18a: {  	v3 =	vld [tilespmem:s1+$0x12200];
	[tilespmem:s24+$0x12210] =	vst v4;
	v7 =	vadd.f32 v10, v7  }
0x18b: {  	v4 =	vld [tilespmem:s1+$0x12210];
	[tilespmem:s24+$0x12220] =	vst v2;
	v5 =	vmov v9  }
0x18c: {  	s0 =	sadd.s32 $0x100, s0;
	v2 =	vld [tilespmem:s1+$0x12220];
	[tilespmem:s24+$0x12230] =	vst v7;
	v6 =	vmov v11;
	s24 =	smov.u32 s1  }
0x18d: {  	v7 =	vld [tilespmem:s24+$0x12230];
	_ =	sdelay $0x1  }
0x18e: {  	v3 =	vadd.f32 v5, v3  }
0x18f: {  	s0 =	sadd.s32 s4, s26;
	v4 =	vadd.f32 v6, v4  }
0x190: {  	s19 =	sadd.s32 $0x1, s19;
	s0 =	smul.u32 $0x3200, s0;
	[tilespmem:s24+$0x12200] =	vst v3;
	v1 =	vadd.f32 v1, v2  }
0x191: {  	p0 =	sne.s32 s19, $0x1F;
	[tilespmem:s24+$0x12210] =	vst v4;
	v0 =	vadd.f32 v0, v7  }
.Ltmp12:
0x192: {  	s0 =	sshrl.u32 s0, $0x3;
	[tilespmem:s24+$0x12220] =	vst v1;
	(pc) =	sbr.rel @p0 .LBB2_10-.Ltmp12, $4  }
0x193: {  	s0 =	sadd.s32 s2, s0;
	[tilespmem:s24+$0x12230] =	vst v0  }
0x194: {  	[hbm4b:s0+s3] =	stream.linear.scatter [tilespmem:s31], [sflag:$0xA], $0x1E00, $0x38;
	[tilespmem:$0x15E00] =	vst v63  }
0x195: {  	s1 =	simm.s32 $0x12200;
	s0 =	sadd.s32 $0x3C0, s0  }
0x196: {  	[hbm4b:s0+s3] =	stream.linear.scatter [tilespmem:s1], [sflag:$0xE], $0x1400, $0x38;
	[tilespmem:$0x15E00] =	vst v63  }
0x197: {  	_ =	swait.ge [sflag:s23], $0x1E00  }
0x198: {  	[sflag:s23] =	ssyncset.done $0x0  }
0x199: {  	[sflag:s23] =	ssyncadd.s32 $0xFFFFE200  }
0x19a: {  	_ =	swait.ge [sflag:s7], $0x1400  }
0x19b: {  	[sflag:s7] =	ssyncset.done $0x0  }
0x19c: {  	[sflag:s7] =	ssyncadd.s32 $0xFFFFEC00  }
0x19d: {  	_ =	swait.ge [sflag:s9], $0x1E00  }
0x19e: {  	[sflag:s9] =	ssyncset.done $0x0  }
0x19f: {  	[sflag:s9] =	ssyncadd.s32 $0xFFFFE200  }
0x1a0: {  	_ =	swait.ge [sflag:s10], $0x1400  }
0x1a1: {  	[sflag:s10] =	ssyncset.done $0x0  }
0x1a2: {  	s19 =	simm.s32 $0x0;
	[sflag:s10] =	ssyncadd.s32 $0xFFFFEC00  }
0x1a3: {  	v5 =	vld [tilespmem:s19+$0x6400]  }
0x1a4: {  	v6 =	vld [tilespmem:s19+$0x6410]  }
0x1a5: {  	v1 =	vld [tilespmem:s19+$0x6420]  }
0x1a6: {  	v0 =	vld [tilespmem:s19+$0x6430]  }
0x1a7: {  	v2 =	vld [tilespmem:s19+$0xD200]  }
0x1a8: {  	v4 =	vld [tilespmem:s19+$0xD210]  }
0x1a9: {  	s1 =	simm.s32 $0x100;
	s0 =	simm.s32 $0x0;
	v3 =	vld [tilespmem:s19+$0xD220]  }
.LBB2_28:
0x1aa: {  	s24 =	sshra.s32 s1, $0x2;
	p0 =	sne.s32 s1, $0x7700;
	v7 =	vld [tilespmem:s0+$0xD230];
	v8 =	vmov v1  }
0x1ab: {  	v9 =	vld [tilespmem:s24+$0x6400];
	v10 =	vmov v0  }
0x1ac: {  	v11 =	vld [tilespmem:s24+$0x6410];
	v2 =	vadd.f32 v5, v2  }
.Ltmp13:
0x1ad: {  	v1 =	vld [tilespmem:s24+$0x6420];
	v4 =	vadd.f32 v6, v4;
	(pc) =	sbr.rel @p0 .LBB2_28-.Ltmp13, $4  }
0x1ae: {  	v0 =	vld [tilespmem:s24+$0x6430];
	[tilespmem:s0+$0xD200] =	vst v2;
	v3 =	vadd.f32 v8, v3  }
0x1af: {  	v2 =	vld [tilespmem:s24+$0xD200];
	[tilespmem:s0+$0xD210] =	vst v4;
	v7 =	vadd.f32 v10, v7  }
0x1b0: {  	v4 =	vld [tilespmem:s24+$0xD210];
	[tilespmem:s0+$0xD220] =	vst v3;
	v5 =	vmov v9  }
0x1b1: {  	s1 =	sadd.s32 $0x100, s1;
	v3 =	vld [tilespmem:s24+$0xD220];
	[tilespmem:s0+$0xD230] =	vst v7;
	v6 =	vmov v11;
	s0 =	smov.u32 s24  }
0x1b2: {  	v7 =	vld [tilespmem:s0+$0xD230];
	_ =	sdelay $0x1  }
0x1b3: {  	v2 =	vadd.f32 v5, v2  }
0x1b4: {  	v4 =	vadd.f32 v6, v4  }
0x1b5: {  	[tilespmem:s0+$0xD200] =	vst v2;
	v1 =	vadd.f32 v1, v3  }
0x1b6: {  	[tilespmem:s0+$0xD210] =	vst v4;
	v0 =	vadd.f32 v0, v7  }
0x1b7: {  	[tilespmem:s0+$0xD220] =	vst v1  }
0x1b8: {  	[tilespmem:s0+$0xD230] =	vst v0  }
0x1b9: {  	v5 =	vld [tilespmem:s19+$0x8200]  }
0x1ba: {  	v6 =	vld [tilespmem:s19+$0x8210]  }
0x1bb: {  	v1 =	vld [tilespmem:s19+$0x8220]  }
0x1bc: {  	v0 =	vld [tilespmem:s19+$0x8230]  }
0x1bd: {  	v2 =	vld [tilespmem:s19+$0x13600]  }
0x1be: {  	v4 =	vld [tilespmem:s19+$0x13610]  }
0x1bf: {  	s0 =	simm.s32 $0x100;
	v3 =	vld [tilespmem:s19+$0x13620]  }
.LBB2_30:
0x1c0: {  	s1 =	sshra.s32 s0, $0x2;
	p0 =	sne.s32 s0, $0x4F00;
	v7 =	vld [tilespmem:s19+$0x13630];
	v8 =	vmov v1  }
0x1c1: {  	v9 =	vld [tilespmem:s1+$0x8200];
	v10 =	vmov v0  }
0x1c2: {  	v11 =	vld [tilespmem:s1+$0x8210];
	v2 =	vadd.f32 v5, v2  }
.Ltmp14:
0x1c3: {  	v1 =	vld [tilespmem:s1+$0x8220];
	v4 =	vadd.f32 v6, v4;
	(pc) =	sbr.rel @p0 .LBB2_30-.Ltmp14, $4  }
0x1c4: {  	v0 =	vld [tilespmem:s1+$0x8230];
	[tilespmem:s19+$0x13600] =	vst v2;
	v3 =	vadd.f32 v8, v3  }
0x1c5: {  	v2 =	vld [tilespmem:s1+$0x13600];
	[tilespmem:s19+$0x13610] =	vst v4;
	v7 =	vadd.f32 v10, v7  }
0x1c6: {  	v4 =	vld [tilespmem:s1+$0x13610];
	[tilespmem:s19+$0x13620] =	vst v3;
	v5 =	vmov v9  }
0x1c7: {  	s0 =	sadd.s32 $0x100, s0;
	v3 =	vld [tilespmem:s1+$0x13620];
	[tilespmem:s19+$0x13630] =	vst v7;
	v6 =	vmov v11;
	s19 =	smov.u32 s1  }
0x1c8: {  	v7 =	vld [tilespmem:s19+$0x13630];
	_ =	sdelay $0x1  }
0x1c9: {  	v2 =	vadd.f32 v5, v2  }
0x1ca: {  	v4 =	vadd.f32 v6, v4  }
0x1cb: {  	[tilespmem:s19+$0x13600] =	vst v2;
	v1 =	vadd.f32 v1, v3  }
0x1cc: {  	[tilespmem:s19+$0x13610] =	vst v4;
	v0 =	vadd.f32 v0, v7  }
0x1cd: {  	[tilespmem:s19+$0x13620] =	vst v1  }
0x1ce: {  	s0 =	simm.s32 $0x0;
	s1 =	rddreg [dreg:$0xa];
	s24 =	simm.s32 $0xD200;
	[tilespmem:s19+$0x13630] =	vst v0  }
0x1cf: {  	[hbm4b:s1+s0] =	stream.linear.scatter [tilespmem:s24], [sflag:$0xB], $0x1E00, $0x38;
	[tilespmem:$0x15E00] =	vst v63  }
0x1d0: {  	s25 =	rddreg [dreg:$0xb];
	s26 =	simm.s32 $0x13600  }
0x1d1: {  	[hbm4b:s25+s0] =	stream.linear.scatter [tilespmem:s26], [sflag:$0xF], $0x1400, $0x38;
	[tilespmem:$0x15E00] =	vst v63  }
0x1d2: {  	_ =	swait.ge [sflag:s11], $0x1E00  }
0x1d3: {  	[sflag:s11] =	ssyncset.done $0x0  }
0x1d4: {  	[sflag:s11] =	ssyncadd.s32 $0xFFFFE200  }
0x1d5: {  	_ =	swait.ge [sflag:s12], $0x1400  }
0x1d6: {  	[sflag:s12] =	ssyncset.done $0x0  }
0x1d7: {  	[sflag:s12] =	ssyncadd.s32 $0xFFFFEC00  }
0x1d8: {  	_ =	swait.ge [sflag:s13], $0x1E00  }
0x1d9: {  	[sflag:s13] =	ssyncset.done $0x0  }
0x1da: {  	[sflag:s13] =	ssyncadd.s32 $0xFFFFE200  }
0x1db: {  	_ =	swait.ge [sflag:s14], $0x1400  }
0x1dc: {  	[sflag:s14] =	ssyncset.done $0x0  }
0x1dd: {  	s19 =	simm.s32 $0x0;
	[sflag:s14] =	ssyncadd.s32 $0xFFFFEC00  }
0x1de: {  	v5 =	vld [tilespmem:s19+$0x6400]  }
0x1df: {  	v6 =	vld [tilespmem:s19+$0x6410]  }
0x1e0: {  	v1 =	vld [tilespmem:s19+$0x6420]  }
0x1e1: {  	v0 =	vld [tilespmem:s19+$0x6430]  }
0x1e2: {  	v2 =	vld [tilespmem:s19+$0xF000]  }
0x1e3: {  	v4 =	vld [tilespmem:s19+$0xF010]  }
0x1e4: {  	s1 =	simm.s32 $0x100;
	s0 =	simm.s32 $0x0;
	v3 =	vld [tilespmem:s19+$0xF020]  }
.LBB2_32:
0x1e5: {  	s24 =	sshra.s32 s1, $0x2;
	p0 =	sne.s32 s1, $0x7700;
	v7 =	vld [tilespmem:s0+$0xF030];
	v8 =	vmov v1  }
0x1e6: {  	v9 =	vld [tilespmem:s24+$0x6400];
	v10 =	vmov v0  }
0x1e7: {  	v11 =	vld [tilespmem:s24+$0x6410];
	v2 =	vadd.f32 v5, v2  }
.Ltmp15:
0x1e8: {  	v1 =	vld [tilespmem:s24+$0x6420];
	v4 =	vadd.f32 v6, v4;
	(pc) =	sbr.rel @p0 .LBB2_32-.Ltmp15, $4  }
0x1e9: {  	v0 =	vld [tilespmem:s24+$0x6430];
	[tilespmem:s0+$0xF000] =	vst v2;
	v3 =	vadd.f32 v8, v3  }
0x1ea: {  	v2 =	vld [tilespmem:s24+$0xF000];
	[tilespmem:s0+$0xF010] =	vst v4;
	v7 =	vadd.f32 v10, v7  }
0x1eb: {  	v4 =	vld [tilespmem:s24+$0xF010];
	[tilespmem:s0+$0xF020] =	vst v3;
	v5 =	vmov v9  }
0x1ec: {  	s1 =	sadd.s32 $0x100, s1;
	v3 =	vld [tilespmem:s24+$0xF020];
	[tilespmem:s0+$0xF030] =	vst v7;
	v6 =	vmov v11;
	s0 =	smov.u32 s24  }
0x1ed: {  	v7 =	vld [tilespmem:s0+$0xF030];
	_ =	sdelay $0x1  }
0x1ee: {  	v2 =	vadd.f32 v5, v2  }
0x1ef: {  	v4 =	vadd.f32 v6, v4  }
0x1f0: {  	[tilespmem:s0+$0xF000] =	vst v2;
	v1 =	vadd.f32 v1, v3  }
0x1f1: {  	[tilespmem:s0+$0xF010] =	vst v4;
	v0 =	vadd.f32 v0, v7  }
0x1f2: {  	[tilespmem:s0+$0xF020] =	vst v1  }
0x1f3: {  	[tilespmem:s0+$0xF030] =	vst v0  }
0x1f4: {  	v5 =	vld [tilespmem:s19+$0x8200]  }
0x1f5: {  	v6 =	vld [tilespmem:s19+$0x8210]  }
0x1f6: {  	v1 =	vld [tilespmem:s19+$0x8220]  }
0x1f7: {  	v0 =	vld [tilespmem:s19+$0x8230]  }
0x1f8: {  	v2 =	vld [tilespmem:s19+$0x14A00]  }
0x1f9: {  	v4 =	vld [tilespmem:s19+$0x14A10]  }
0x1fa: {  	s0 =	simm.s32 $0x100;
	v3 =	vld [tilespmem:s19+$0x14A20]  }
.LBB2_34:
0x1fb: {  	s1 =	sshra.s32 s0, $0x2;
	p0 =	sne.s32 s0, $0x4F00;
	v7 =	vld [tilespmem:s19+$0x14A30];
	v8 =	vmov v1  }
0x1fc: {  	v9 =	vld [tilespmem:s1+$0x8200];
	v10 =	vmov v0  }
0x1fd: {  	v11 =	vld [tilespmem:s1+$0x8210];
	v2 =	vadd.f32 v5, v2  }
.Ltmp16:
0x1fe: {  	v1 =	vld [tilespmem:s1+$0x8220];
	v4 =	vadd.f32 v6, v4;
	(pc) =	sbr.rel @p0 .LBB2_34-.Ltmp16, $4  }
0x1ff: {  	v0 =	vld [tilespmem:s1+$0x8230];
	[tilespmem:s19+$0x14A00] =	vst v2;
	v3 =	vadd.f32 v8, v3  }
0x200: {  	v2 =	vld [tilespmem:s1+$0x14A00];
	[tilespmem:s19+$0x14A10] =	vst v4;
	v7 =	vadd.f32 v10, v7  }
0x201: {  	v4 =	vld [tilespmem:s1+$0x14A10];
	[tilespmem:s19+$0x14A20] =	vst v3;
	v5 =	vmov v9  }
0x202: {  	s0 =	sadd.s32 $0x100, s0;
	v3 =	vld [tilespmem:s1+$0x14A20];
	[tilespmem:s19+$0x14A30] =	vst v7;
	v6 =	vmov v11;
	s19 =	smov.u32 s1  }
0x203: {  	v7 =	vld [tilespmem:s19+$0x14A30];
	_ =	sdelay $0x1  }
0x204: {  	v2 =	vadd.f32 v5, v2  }
0x205: {  	v4 =	vadd.f32 v6, v4  }
0x206: {  	[tilespmem:s19+$0x14A00] =	vst v2;
	v1 =	vadd.f32 v1, v3  }
0x207: {  	[tilespmem:s19+$0x14A10] =	vst v4;
	v0 =	vadd.f32 v0, v7  }
0x208: {  	[tilespmem:s19+$0x14A20] =	vst v1  }
0x209: {  	s0 =	rddreg [dreg:$0xc];
	s1 =	simm.s32 $0xF000;
	[tilespmem:s19+$0x14A30] =	vst v0  }
0x20a: {  	[hbm4b:s0+s3] =	stream.linear.scatter [tilespmem:s1], [sflag:$0xC], $0x1E00, $0x38;
	[tilespmem:$0x15E00] =	vst v63  }
0x20b: {  	s24 =	simm.s32 $0x14A00;
	s19 =	rddreg [dreg:$0xd]  }
0x20c: {  	[hbm4b:s19+s3] =	stream.linear.scatter [tilespmem:s24], [sflag:$0x10], $0x1400, $0x38;
	[tilespmem:$0x15E00] =	vst v63  }
0x20d: {  	_ =	swait.ge [sflag:s15], $0x1E00  }
0x20e: {  	[sflag:s15] =	ssyncset.done $0x0  }
0x20f: {  	[sflag:s15] =	ssyncadd.s32 $0xFFFFE200  }
0x210: {  	_ =	swait.ge [sflag:s16], $0x1400  }
0x211: {  	[sflag:s16] =	ssyncset.done $0x0  }
0x212: {  	[sflag:s16] =	ssyncadd.s32 $0xFFFFEC00  }
0x213: {  	_ =	swait.ge [sflag:s17], $0x1E00  }
0x214: {  	[sflag:s17] =	ssyncset.done $0x0  }
0x215: {  	[sflag:s17] =	ssyncadd.s32 $0xFFFFE200  }
0x216: {  	_ =	swait.ge [sflag:s8], $0x1400  }
0x217: {  	s25 =	rddreg [dreg:$0xf]  }
0x218: {  	s26 =	rddreg [dreg:$0xe];
	s1 =	sadd.s32 $0x1, s25  }
0x219: {  	p0 =	sne.s32 s1, s26  }
.Ltmp17:
0x21a: {  	_ = 	snop;
	(pc) =	sbr.rel @p0 .LBB2_1-.Ltmp17, $3  }
0x21b: {  	_ =	sdelay $0x1  }
0x21c: {  	[sflag:s8] =	ssyncset.done $0x0  }
0x21d: {  	[sflag:s8] =	ssyncadd.s32 $0xFFFFEC00  }
0x21e: {  	_ =	sfence.sel $0x180000  }
0x21f: {  	[bflag:$0x0] =	sbarrier.arrive $0xFFFF  }
0x220: {  	_ =	strace $0x90000047  }
0x221: {  	s0 =	stileid.u32;
	[bflag:$0x2] =	sbarrier.arrive $0xFFFF  }
0x222: {  	p0 =	sne.s32 s0, $0x0;
	s0 =	rddreg [dreg:$0x2]  }
0x223: {  	s0 =	sadd.s32 @!p0 $0x100000, s0  }
0x224: {  	[sflag:s0] =	ssyncadd.tile.s32 @!p0 $0x1;
	_ =	shalt  }
.Lfunc_end2:
_tile_overlayer_lowered:
.L_overlay_start_2:
0x225: {  	(tag) =	ssettag $0x2  }
0x226: {  	s0 =	rddreg [dreg:$0x0];
	s2 =	stileid.u32  }
0x227: {  	s1 =	rddreg [dreg:$0x1];
	p0 =	sne.s32 s2, $0x0  }
0x228: {  	s3 =	rddreg [dreg:$0x2];
	[bflag:$0x3] =	sbarrier.arrive $0xFFFF;
	s2 =	simm.s32 @!p0 $0x1C11  }
0x229: {  	[timem:s3], [sflag:s2] =	dma.local @!p0 [hbm:s0], s1  }
0x22a: {  	s0 =	simm.s32 @!p0 $0x11  }
0x22b: {  	_ =	swait.ge @!p0 [sflag:s0], s1  }
0x22c: {  	s1 =	ssub.s32 @!p0 $0x0, s1;
	[sflag:s0] =	ssyncset.done @!p0 $0x0  }
0x22d: {  	[sflag:s0] =	ssyncadd.s32 @!p0 s1  }
0x22e: {  	[bflag:$0x3] =	sbarrier.arrive $0xFFFF  }
0x22f: {  	_ =	shalt  }

// kernel: sparse-core-data-format-call.cloned.1.call-start
scs
called_computation_lowered:
.L_overlay_start_0:
0x0: {  	s2 =	sld [smem:$0x3FD9]  }
0x1: {  	s3 =	sld [smem:$0x3FFE];
	_ =	sdelay $0x1  }
0x2: {  	s1 =	srdreg.scid  }
0x3: {  	s0 =	sand.u32 $0x1, s1  }
0x4: {  	s18 =	sshll.u32 s0, $0xA;
	s2 =	sadd.s32 s3, s2  }
0x5: {  	s2 =	sadd.s32 s2, s18  }
0x6: {  	[smem:$0x3FC5] =	sst s2  }
0x7: {  	_ = 	snop  }
0x8: {  	s2 =	sld [smem:$0x3FD0];
	(tm) =	ssettm $0x1  }
0x9: {  	s19 =	sld [smem:$0x3FFB];
	_ =	sdelay $0x3  }
0xa: {  	_ =	strace s19  }
0xb: {  	s3 =	sld [smem:$0x3FFC];
	_ =	sdelay $0x3  }
0xc: {  	_ =	strace s3  }
0xd: {  	s3 =	sld [smem:$0x3FFD];
	_ =	sdelay $0x3  }
0xe: {  	_ =	strace s3  }
0xf: {  	_ =	strace $0x8FFFFFFF  }
0x10: {  	s20 =	sld [smem:$0x3FDB];
	_ =	sdelay $0x1  }
0x11: {  	s4 =	simm.s32 $_scs_section_size  }
0x12: {  	s5 =	simm.s32 $_size__tile_overlayer_lowered;
	s6 =	simm.s32 $_tile_overlayer_lowered  }
0x13: {  	s23 =	simm.s32 $0x1BFF;
	s22 =	sshll.u32 s6, $0x1;
	s3 =	sadd.s32 s4, s20  }
0x14: {  	s7 =	simm.s32 $0x0;
	s21 =	sshll.u32 s5, $0x1;
	s5 =	sadd.s32 s22, s3  }
0x15: {  	[timem:s7], [sflag:s23] =	dma.local [hbm:s5], s21  }
0x16: {  	_ =	swait.ge [sflag:s23], s21  }
0x17: {  	s4 =	ssub.s32 $0x0, s21;
	[sflag:s23] =	ssyncset.done $0x0  }
0x18: {  	[sflag:s23] =	ssyncadd.s32 s4;
	_ =	sdelay $0x1  }
0x19: {  	s24 =	simm.s32 $0x1B8B  }
0x1a: {  	_ =	swait.ge [sflag:s24], $0x1  }
0x1b: {  	[sflag:s24] =	ssyncset.done $0x0  }
0x1c: {  	s26 =	simm.s32 $0x1B8E;
	s25 =	sld [smem:$0x3FFE];
	[sflag:s24] =	ssyncadd.s32 $0xFFFFFFFF  }
0x1d: {  	s27 =	simm.s32 $execute0_lowered;
	[smem:$0x3FD2] =	sst s26  }
0x1e: {  	s5 =	sshll.u32 s27, $0x1;
	_ =	strace $0x80000049;
	[dreg:$0x1] =	wrdreg $0xFFFFFFFF  }
0x1f: {  	s28 =	simm.s32 $_size_execute0_lowered;
	s3 =	sadd.s32 s3, s5;
	[dreg:$0x0] =	wrdreg $0x0  }
0x20: {  	s5 =	sshll.u32 s28, $0x1;
	[dreg:$0x2] =	wrdreg s3  }
0x21: {  	[dreg:$0x3] =	wrdreg s5  }
0x22: {  	[dreg:$0x4] =	wrdreg $0xC0  }
0x23: {  	_ =	task [dreg:s7], $0x5FFFF  }
0x24: {  	[dreg:$0x1] =	wrdreg $0xFFFFFFFF  }
0x25: {  	[dreg:$0x0] =	wrdreg $0x60  }
0x26: {  	[dreg:$0x2] =	wrdreg s25  }
0x27: {  	[dreg:$0x3] =	wrdreg s2  }
0x28: {  	[dreg:$0x4] =	wrdreg $0x9  }
0x29: {  	_ =	task.clear_ibuf [dreg:s7], $0x5FFFF;
	_ =	strace $0x90000049  }
0x2a: {  	s29 =	simm.s32 $0x9;
	_ =	strace $0x8000004B  }
0x2b: {  	_ =	swait.ge [sflag:s29], $0x1  }
0x2c: {  	[sflag:s29] =	ssyncadd.s32 $0xFFFFFFFF  }
0x2d: {  	_ =	strace $0x9000004B  }
0x2e: {  	_ =	sfence  }
0x2f: {  	s30 =	sld [smem:$0x0];
	_ =	sdelay $0x2  }
0x30: {  	s31 =	sshll.u32 s1, $0xD;
	s1 =	sshrl.u32 s1, $0x2  }
0x31: {  	s3 =	sand.u32 $0x4000, s31;
	s1 =	sadd.s32 s1, s30  }
0x32: {  	s0 =	sor.u32 s3, s0;
	s1 =	sshll.u32 s1, $0x11  }
0x33: {  	s0 =	sor.u32 s1, s0  }
0x34: {  	s0 =	sadd.s32 $0x8F2B, s0  }
0x35: {  	[sflag:s0] =	ssyncadd.remote.s32 $0x1  }
0x36: {  	_ =	sfence.sel $0xFFFF  }
0x37: {  	[dreg:$0x0] =	wrdreg $0xFFFFFFFF;
	(pc) =	sbr.abs _section_cstart, $3  }
0x38: {  	[dreg:$0x1] =	wrdreg $0xFFFFFFFF  }
0x39: {  	_ =	task.clear_ibuf [dreg:s7], $0x2FFFF;
	_ =	strace $0x9FFFFFFF  }
0x3a: {  	(tm) =	ssettm $0x7FFFFFFF  }
0x3b: {  	_ =	shalt  }
tec
execute0_lowered:
.L_overlay_start_1:
0x0: {  	(tag) =	ssettag $0x1  }
0x1: {  	s0 =	srdreg.scid  }
0x2: {  	s1 =	sshll.u32 s0, $0x4  }
0x3: {  	s0 =	stileid.u32;
	s1 =	sand.u32 $0x10, s1  }
0x4: {  	s1 =	sor.u32 s0, s1  }
0x5: {  	s6 =	rddreg [dreg:$0x0];
	s4 =	simm.s32 $0x1;
	s2 =	sshll.u32 s1, $0x7  }
0x6: {  	s7 =	simm.s32 $0x2;
	s12 =	simm.s32 $0x0;
	s1 =	ssub.s32 $0x1000, s2  }
0x7: {  	s8 =	simm.s32 $0x8000;
	s13 =	simm.s32 $0x0;
	s3 =	sand.u32 $0xF80, s1  }
0x8: {  	s9 =	simm.s32 $0x0;
	s5 =	sshrl.u32 s1, $0xC;
	p0 =	sne.s32 s3, $0x0  }
.Ltmp0:
0x9: {  	s1 =	rddreg [dreg:$0x2];
	s4 =	simm.s32 @!p0 $0x0;
	(pc) =	sbr.rel .LBB1_1-.Ltmp0, $4  }
0xa: {  	s11 =	simm.s32 $0x0;
	s3 =	rddreg [dreg:$0x1];
	s5 =	sadd.s32 s4, s5  }
0xb: {  	_ =	strace $0x8000004A;
	s4 =	simm.s32 $0x1;
	s5 =	smul.u32 $0xC8, s5  }
0xc: {  	s6 =	sadd.s32 $0xC00, s6;
	s10 =	smov.u32 s2;
	[sflag:s4] =	ssyncpa.u1 $0x0  }
0xd: {  	p0 =	por $0x0, $0x0;
	[sflag:s7] =	ssyncpa.u1 $0x0;
	s7 =	sor.u32 $0x1, s5  }
.LBB1_4:
0xe: {  	s16 =	sshll.u32 s13, $0x3;
	s17 =	sand.u32 $0x78, s13  }
0xf: {  	s30 =	sand.u32 $0x7E00, s13;
	s12 =	sshll.u32 s12, $0xF;
	s16 =	sand.u32 $0xC00, s16  }
0x10: {  	[tilespmem:s15+$0x810 ss:$0x81] =	vst.msk $0xffff, v2;
	s31 =	sand.u32 $0x7, s13;
	s16 =	sor.u32 s17, s16;
	s17 =	sadd.s32 s3, s30  }
0x11: {  	[tilespmem:s15+$0x1020 ss:$0x81] =	vst.msk $0xffff, v0;
	s13 =	sshll.u32 s31, $0x12;
	s12 =	sadd.s32 s12, s17;
	s16 =	sshrl.u32 s16, $0x3  }
0x12: {  	[tilespmem:s15+$0x0 ss:$0x81] =	vst.msk $0xffff, v1;
	s13 =	sor.u32 $0x400, s13;
	s12 =	sadd.s32 s16, s12  }
0x13: {  	[hbm4b:s12+s13] =	stream.strided.scatter [tilespmem:s14], [sflag:$0x2], $0x2000, s8, s13, $0x20;
	[tilespmem:$0x8080] =	vst v63  }
.LBB1_5:
0x14: {  	s14 =	sadd.s32 $0x1, s9  }
0x15: {  	s12 =	sadd.s32 $0x1000, s10;
	s16 =	smov.u32 s10;
	p2 =	sgt.s32 s14, $0xC7  }
0x16: {  	s16 =	smov.u32 @p2 s12  }
0x17: {  	s14 =	simm.s32 @p2 $0x0;
	p2 =	sgt.s32 s16, $0xFFF  }
0x18: {  	s16 =	smov.u32 @p2 s2;
	p2 =	sne.s32 s11, s7  }
.Ltmp1:
0x19: {  	p1 =	slt.u32 s11, $0x2;
	(pc) =	sbr.rel @!p2 .LBB1_6-.Ltmp1, $4  }
0x1a: {  	s15 =	simm.s32 @!p1 $0x2  }
0x1b: {  	s13 =	smov.u32 s10;
	p0 =	por !p0, !p0;
	_ =	swait.ge @!p1 [sflag:s15], $0x2000  }
0x1c: {  	s12 =	smov.u32 s9;
	[sflag:s15] =	ssyncset.done @!p1 $0x0;
	s9 =	smov.u32 s14  }
0x1d: {  	s11 =	sadd.s32 $0x1, s11;
	[sflag:s15] =	ssyncadd.s32 @!p1 $0xFFFFE000;
	s10 =	smov.u32 s16  }
.LBB1_1:
0x1e: {  	p1 =	sge.u32 s11, s5  }
0x1f: {  	s14 =	sand.u32 @!p1 $0x1FFFFFF, s9  }
0x20: {  	s15 =	smulhi.u32 @!p1 $0x147AE15, s14;
	_ =	sdelay $0x1  }
0x21: {  	s15 =	smul.u32 @!p1 $0xC8, s15  }
0x22: {  	s16 =	sxor.u32 @!p1 $0xFFFFFFFF, s11;
	s17 =	smul.u32 @!p1 $0xC80, s10  }
0x23: {  	s31 =	sadd.s32 $0xFFFFFFFF, s11;
	s16 =	sshll.u32 @!p1 s16, $0xD;
	s14 =	ssub.s32 @!p1 s14, s15  }
0x24: {  	s15 =	sand.u32 @!p1 $0x2000, s16;
	s16 =	sadd.s32 @!p1 s6, s17;
	s14 =	sshll.u32 @!p1 s14, $0x4  }
0x25: {  	s17 =	simm.s32 @!p1 $0x6400;
	s14 =	sadd.s32 @!p1 s14, s16;
	s16 =	simm.s32 @!p1 $0x40  }
0x26: {  	[tilespmem:s15], [sflag:$0x1] =	stream.strided.gather @!p1 [hbm4b:s14+s16], $0x2000, s17, s16, $0x38;
	[tilespmem:$0x8080] =	vst v63  }
0x27: {  	p1 =	sge.u32 s31, s5  }
.Ltmp2:
0x28: {  	_ = 	snop;
	(pc) =	sbr.rel @p1 .LBB1_5-.Ltmp2, $1  }
0x29: {  	_ =	sdelay $0x3  }
0x2a: {  	s14 =	simm.s32 $0x1  }
0x2b: {  	_ =	swait.ge [sflag:s4], $0x2000;
	s14 =	simm.s32 @!p0 $0x0  }
0x2c: {  	[sflag:s4] =	ssyncset.done $0x0;
	s15 =	sshll.u32 s14, $0xD  }
0x2d: {  	[sflag:s4] =	ssyncadd.s32 $0xFFFFE000;
	s18 =	sor.u32 $0x20, s15  }
0x2e: {  	s14 =	smul.u32 $0x8100, s14;
	v3 =	vld [tilespmem:s18+$0x10]  }
0x2f: {  	s30 =	sand.u32 $0x1, s11;
	v2 =	vld [tilespmem:s18+$0xFFFFFFF0]  }
0x30: {  	s15 =	smul.u32 $0x8100, s30;
	s14 =	sshrl.u32 s14, $0x2;
	v0 =	vld [tilespmem:s18+$0x0]  }
0x31: {  	v1 =	vld [tilespmem:s18+$0xFFFFFFE0];
	s16 =	sor.u32 $0x4000, s14  }
0x32: {  	s31 =	sshrl.u32 s15, $0x2;
	s15 =	sadd.s32 $0x0, s16  }
0x33: {  	s17 =	simm.s32 $0x4;
	s18 =	sadd.s32 $0x40, s18;
	s14 =	sor.u32 $0x4000, s31;
	[tilespmem:s15+$0x1830 ss:$0x81] =	vst.msk $0xffff, v3  }
.LBB1_3:
0x34: {  	v3 =	vld [tilespmem:s18+$0x10];
	p1 =	sne.s32 s17, $0x1FC;
	[tilespmem:s15+$0x810 ss:$0x81] =	vst.msk $0xffff, v2;
	s19 =	smov.u32 s17;
	s17 =	sadd.s32 $0x4, s17  }
.Ltmp3:
0x35: {  	v2 =	vld [tilespmem:s18+$0xFFFFFFF0];
	[tilespmem:s15+$0x1020 ss:$0x81] =	vst.msk $0xffff, v0;
	(pc) =	sbr.rel @p1 .LBB1_3-.Ltmp3, $4  }
0x36: {  	v0 =	vld [tilespmem:s18+$0x0];
	[tilespmem:s15+$0x0 ss:$0x81] =	vst.msk $0xffff, v1  }
0x37: {  	s15 =	sshra.s32 s19, $0x2;
	v1 =	vld [tilespmem:s18+$0xFFFFFFE0]  }
0x38: {  	s15 =	sadd.s32 s15, s16  }
0x39: {  	s18 =	sadd.s32 $0x40, s18;
	[tilespmem:s15+$0x1830 ss:$0x81] =	vst.msk $0xffff, v3  }
.Ltmp4:
0x3a: {  	_ = 	snop;
	(pc) =	sbr.rel .LBB1_4-.Ltmp4, $1  }
0x3b: {  	_ =	sdelay $0x3  }
.LBB1_6:
0x3c: {  	_ =	sfence.sel $0x180000  }
0x3d: {  	s2 =	simm.s32 $0x1;
	[bflag:$0x0] =	sbarrier.arrive $0xFFFF  }
0x3e: {  	s31 =	simm.s32 $0x2;
	[sflag:s2] =	ssyncpa.u1 $0x1  }
0x3f: {  	[sflag:s31] =	ssyncpa.u1 $0x1  }
0x40: {  	p0 =	sne.s32 s0, $0x0;
	_ =	strace $0x9000004A  }
0x41: {  	s0 =	sadd.s32 @!p0 $0x100000, s1;
	[bflag:$0x2] =	sbarrier.arrive $0xFFFF  }
0x42: {  	[sflag:s0] =	ssyncadd.tile.s32 @!p0 $0x1;
	_ =	shalt  }
.Lfunc_end1:
_tile_overlayer_lowered:
.L_overlay_start_2:
0x43: {  	(tag) =	ssettag $0x2  }
0x44: {  	s0 =	rddreg [dreg:$0x0];
	s2 =	stileid.u32  }
0x45: {  	s1 =	rddreg [dreg:$0x1];
	p0 =	sne.s32 s2, $0x0  }
0x46: {  	s3 =	rddreg [dreg:$0x2];
	[bflag:$0x3] =	sbarrier.arrive $0xFFFF;
	s2 =	simm.s32 @!p0 $0x1C01  }
0x47: {  	[timem:s3], [sflag:s2] =	dma.local @!p0 [hbm:s0], s1  }
0x48: {  	s0 =	simm.s32 @!p0 $0x1  }
0x49: {  	_ =	swait.ge @!p0 [sflag:s0], s1  }
0x4a: {  	s1 =	ssub.s32 @!p0 $0x0, s1;
	[sflag:s0] =	ssyncset.done @!p0 $0x0  }
0x4b: {  	[sflag:s0] =	ssyncadd.s32 @!p0 s1  }
0x4c: {  	[bflag:$0x3] =	sbarrier.arrive $0xFFFF  }
0x4d: {  	_ =	shalt  }

</sc_bundles>
